<compile_context>
chip_gen: v7x
topology: tpu7x:2x2x1
jax: 0.10.2.dev20260603
libtpu: 0.0.44.dev20260713+nightly
codegen_flags: <defaults>
</compile_context>

<pallas_src>
import functools

import jax
import jax.numpy as jnp
import numpy as np
from jax import lax
from jax.experimental import pallas as pl
from jax.experimental.pallas import tpu as pltpu
from jax.experimental.pallas import tpu_sc as plsc

N, E, D, ED = 10000, 320000, 128, 17
NC, NS = 2, 16
NW = NC * NS
EPW = 10240
CH = 80
NP = 10240
RPT = NP // NS
RCH = 80
NV = D // 16

_MSK = np.int32(-65536)


def _deinterleave_cols(a):
    s = a.shape[:-1]
    return a.reshape(s + (4, 16, 2)).swapaxes(-1, -2).reshape(s + (128,))


def _mlp_body(ea, w1, b1, w2, b2, o):
    h = jnp.maximum(
        jnp.dot(ea[...], w1[...], preferred_element_type=jnp.float32) + b1[...],
        0.0)
    o[...] = jnp.dot(h, w2[...], preferred_element_type=jnp.float32) + b2[...]


def _edge_mlp(edge_attr, W1, b1, W2, b2):
    BE = 3200
    return pl.pallas_call(
        _mlp_body,
        grid=(E // BE,),
        in_specs=[
            pl.BlockSpec((BE, ED), lambda i: (i, 0)),
            pl.BlockSpec((ED, D), lambda i: (0, 0)),
            pl.BlockSpec((1, D), lambda i: (0, 0)),
            pl.BlockSpec((D, D), lambda i: (0, 0)),
            pl.BlockSpec((1, D), lambda i: (0, 0)),
        ],
        out_specs=pl.BlockSpec((BE, D), lambda i: (i, 0)),
        out_shape=jax.ShapeDtypeStruct((E, D), jnp.float32),
    )(edge_attr, W1, b1.reshape(1, D), W2, b2.reshape(1, D))


def _sc_body(src_hbm, dst_hbm, x_hbm, w_hbm, out_hbm,
             s0, s1, d0, d1, d2, d3, xm0, xm1, wv0, wv1, agg_sh,
             si0, si1, sd0, sd1, sd2, sd3, sg0, sg1, sw0, sw1, ss0, ss1):
    cid = lax.axis_index("c")
    sid = lax.axis_index("s")
    wid = sid * NC + cid
    ebase = wid * EPW
    nch = jnp.minimum(EPW, E - ebase) // CH

    sbufs = (s0, s1)
    dbufs = (d0, d1, d2, d3)
    xms = (xm0, xm1)
    wvs = (wv0, wv1)
    sis = (si0, si1)
    sds = (sd0, sd1, sd2, sd3)
    sgs = (sg0, sg1)
    sws = (sw0, sw1)
    sss = (ss0, ss1)

    def zrow(i, c):
        for j in range(NV):
            xm0[i, pl.ds(j * 16, 16)] = jnp.zeros((16,), jnp.float32)
        return c
    lax.fori_loop(0, RCH, zrow, 0)

    def zcp(k, c):
        pltpu.sync_copy(xm0, agg_sh.at[pl.ds(sid * RPT + k * RCH, RCH)])
        return c
    lax.fori_loop(0, RPT // RCH, zcp, 0)
    plsc.subcore_barrier()

    def do_chunk(g, j):
        p = j % 2
        q = 1 - p

        @pl.when(g + 1 < nch)
        def _():
            pltpu.make_async_copy(src_hbm.at[pl.ds(0, CH)], sbufs[q],
                                  sis[q]).wait()
            pltpu.make_async_copy(dst_hbm.at[pl.ds(0, CH)],
                                  dbufs[(j + 1) % 4], sds[(j + 1) % 4]).wait()

            @pl.when(g >= 1)
            def _():
                pltpu.make_async_copy(
                    xms[q], agg_sh.at[dbufs[(j + 3) % 4]], sss[q]).wait()
            pltpu.async_copy(x_hbm.at[sbufs[q]], xms[q], sgs[q])
            pltpu.async_copy(w_hbm.at[pl.ds(ebase + (g + 1) * CH, CH)],
                             wvs[q], sws[q])

        pltpu.make_async_copy(x_hbm.at[sbufs[p]], xms[p], sgs[p]).wait()
        pltpu.make_async_copy(w_hbm.at[pl.ds(0, CH)], wvs[p],
                              sws[p]).wait()

        def mul_row(i, cc):
            for v in range(NV):
                sl = pl.ds(v * 16, 16)
                xms[p][i, sl] = wvs[p][i, sl] * xms[p][i, sl]
            return cc
        lax.fori_loop(0, CH, mul_row, 0)

        pltpu.async_copy(xms[p], agg_sh.at[dbufs[j % 4]], sss[p], add=True)

        @pl.when(g + 2 < nch)
        def _():
            b2 = ebase + (g + 2) * CH
            pltpu.async_copy(src_hbm.at[pl.ds(b2, CH)], sbufs[p], sis[p])
            pltpu.async_copy(dst_hbm.at[pl.ds(b2, CH)], dbufs[(j + 2) % 4],
                             sds[(j + 2) % 4])

    pltpu.sync_copy(src_hbm.at[pl.ds(ebase, CH)], s0)
    pltpu.sync_copy(dst_hbm.at[pl.ds(ebase, CH)], d0)
    pltpu.async_copy(x_hbm.at[s0], xm0, sg0)
    pltpu.async_copy(w_hbm.at[pl.ds(ebase, CH)], wv0, sw0)
    pltpu.async_copy(src_hbm.at[pl.ds(ebase + CH, CH)], s1, si1)
    pltpu.async_copy(dst_hbm.at[pl.ds(ebase + CH, CH)], d1, sd1)

    def quad(i, c):
        g = i * 4
        for j in range(4):
            do_chunk(g + j, j)
        return c
    lax.fori_loop(0, nch // 4, quad, 0)

    pltpu.make_async_copy(xms[0], agg_sh.at[dbufs[2]], sss[0]).wait()
    pltpu.make_async_copy(xms[1], agg_sh.at[dbufs[3]], sss[1]).wait()
    plsc.subcore_barrier()

    def outcp(k, c):
        r = sid * RPT + k * RCH
        pltpu.sync_copy(agg_sh.at[pl.ds(r, RCH)], xm0)
        pltpu.sync_copy(xm0, out_hbm.at[pl.ds(cid * NP + r, RCH)])
        return c
    lax.fori_loop(0, RPT // RCH, outcp, 0)


_sc_gather_scatter = functools.partial(
    pl.kernel,
    out_type=jax.ShapeDtypeStruct((NC * NP, D), jnp.float32),
    mesh=plsc.VectorSubcoreMesh(core_axis_name="c", subcore_axis_name="s"),
    scratch_types=[
        pltpu.VMEM((CH,), jnp.int32),
        pltpu.VMEM((CH,), jnp.int32),
        pltpu.VMEM((CH,), jnp.int32),
        pltpu.VMEM((CH,), jnp.int32),
        pltpu.VMEM((CH,), jnp.int32),
        pltpu.VMEM((CH,), jnp.int32),
        pltpu.VMEM((CH, D), jnp.float32),
        pltpu.VMEM((CH, D), jnp.float32),
        pltpu.VMEM((CH, D), jnp.float32),
        pltpu.VMEM((CH, D), jnp.float32),
        pltpu.VMEM_SHARED((NP, D), jnp.float32),
    ] + [pltpu.SemaphoreType.DMA] * 12,
)(_sc_body)


def _out_body(x, p, ws, bs, wn, bn, o):
    agg = p[0] + p[1]
    o[...] = jnp.maximum(
        jnp.dot(x[...], ws[...], preferred_element_type=jnp.float32) + bs[...]
        + jnp.dot(agg, wn[...], preferred_element_type=jnp.float32) + bn[...],
        0.0)


def _out_lin(x, partials, Ws, bs, Wn, bn):
    BN = 2000
    return pl.pallas_call(
        _out_body,
        grid=(N // BN,),
        in_specs=[
            pl.BlockSpec((BN, D), lambda i: (i, 0)),
            pl.BlockSpec((NC, BN, D), lambda i: (0, i, 0)),
            pl.BlockSpec((D, D), lambda i: (0, 0)),
            pl.BlockSpec((1, D), lambda i: (0, 0)),
            pl.BlockSpec((D, D), lambda i: (0, 0)),
            pl.BlockSpec((1, D), lambda i: (0, 0)),
        ],
        out_specs=pl.BlockSpec((BN, D), lambda i: (i, 0)),
        out_shape=jax.ShapeDtypeStruct((N, D), jnp.float32),
    )(x, partials, Ws, bs.reshape(1, D), Wn, bn.reshape(1, D))


def kernel(x, edge_index, edge_attr, W1, b1, W2, b2, Ws, bs, Wn, bn):
    w = _edge_mlp(edge_attr, W1, b1, W2, b2)
    partials = _sc_gather_scatter(edge_index[0], edge_index[1], x, w)
    return _out_lin(x, partials.reshape(NC, NP, D), Ws, bs, Wn, bn)

# --- scband reference (transcript-rebuilt; emitter-appended) ---
"""Pipeline reference for scband-edge-conv-layer-39737037423416 (READ-ONLY COPY).

The authoritative reference and input builder live on the scoring server;
editing this copy changes nothing except your own understanding.
"""

import jax, jax.numpy as jnp
import numpy as np

N, E, D, ED = 10000, 320000, 128, 17

def setup_inputs(seed: int = 0) -> dict:
    key = jax.random.key(seed)
    ks = jax.random.split(key, 12)
    x = jax.random.normal(ks[0], (N, D), dtype=jnp.float32)
    edge_index = jax.random.randint(ks[1], (2, E), 0, N, dtype=jnp.int32)
    edge_attr = jax.random.uniform(ks[2], (E, ED), dtype=jnp.float32)
    s1 = 1.0 / np.sqrt(ED)
    s2 = 1.0 / np.sqrt(D)
    W1 = jax.random.normal(ks[3], (ED, D), dtype=jnp.float32) * s1
    b1 = jnp.zeros((D,), dtype=jnp.float32)
    W2 = jax.random.normal(ks[4], (D, D), dtype=jnp.float32) * s2
    b2 = jnp.zeros((D,), dtype=jnp.float32)
    Ws = jax.random.normal(ks[5], (D, D), dtype=jnp.float32) * s2
    bs = jnp.zeros((D,), dtype=jnp.float32)
    Wn = jax.random.normal(ks[6], (D, D), dtype=jnp.float32) * s2
    bn = jnp.zeros((D,), dtype=jnp.float32)
    return {"x": x, "edge_index": edge_index, "edge_attr": edge_attr,
            "W1": W1, "b1": b1, "W2": W2, "b2": b2,
            "Ws": Ws, "bs": bs, "Wn": Wn, "bn": bn}

def reference(x, edge_index, edge_attr, W1, b1, W2, b2, Ws, bs, Wn, bn):
    src = edge_index[0]
    dst = edge_index[1]
    # edge_mlp: Linear -> ReLU -> Linear
    h = jnp.maximum(edge_attr @ W1 + b1, 0.0)
    w = h @ W2 + b2
    # message = edge weight * gathered source features
    msg = w * jnp.take(x, src, axis=0)
    # scatter-add aggregation into dst nodes
    agg = jnp.zeros_like(x).at[dst].add(msg)
    # out = ReLU(self_lin(x) + neigh_lin(agg))
    return jnp.maximum(x @ Ws + bs + agg @ Wn + bn, 0.0)

if __name__ == "__main__":
    import jax
    _d = setup_inputs()
    print(jax.jit(kernel)(*tuple(_d.values())))

</pallas_src>

<mosaic_0001>
#map = affine_map<(d0, d1) -> (0)>
#map1 = affine_map<(d0, d1) -> (0, 0)>
module attributes {stable_mosaic.version = 14 : i64} {
  func.func @_sc_body(%arg0: i32, %arg1: i32, %arg2: memref<320000xi32, #tpu.memory_space<hbm>>, %arg3: memref<320000xi32, #tpu.memory_space<hbm>>, %arg4: memref<10000x128xf32, #tpu.memory_space<hbm>>, %arg5: memref<320000x128xf32, #tpu.memory_space<hbm>>, %arg6: memref<20480x128xf32, #tpu.memory_space<hbm>>, %arg7: memref<80xi32, #tpu.memory_space<vmem>>, %arg8: memref<80xi32, #tpu.memory_space<vmem>>, %arg9: memref<80xi32, #tpu.memory_space<vmem>>, %arg10: memref<80xi32, #tpu.memory_space<vmem>>, %arg11: memref<80xi32, #tpu.memory_space<vmem>>, %arg12: memref<80xi32, #tpu.memory_space<vmem>>, %arg13: memref<80x128xf32, #tpu.memory_space<vmem>>, %arg14: memref<80x128xf32, #tpu.memory_space<vmem>>, %arg15: memref<80x128xf32, #tpu.memory_space<vmem>>, %arg16: memref<80x128xf32, #tpu.memory_space<vmem>>, %arg17: memref<10240x128xf32, #tpu.memory_space<vmem_shared>>, %arg18: memref<!tpu.dma_semaphore, #tpu.memory_space<semaphore_mem>>, %arg19: memref<!tpu.dma_semaphore, #tpu.memory_space<semaphore_mem>>, %arg20: memref<!tpu.dma_semaphore, #tpu.memory_space<semaphore_mem>>, %arg21: memref<!tpu.dma_semaphore, #tpu.memory_space<semaphore_mem>>, %arg22: memref<!tpu.dma_semaphore, #tpu.memory_space<semaphore_mem>>, %arg23: memref<!tpu.dma_semaphore, #tpu.memory_space<semaphore_mem>>, %arg24: memref<!tpu.dma_semaphore, #tpu.memory_space<semaphore_mem>>, %arg25: memref<!tpu.dma_semaphore, #tpu.memory_space<semaphore_mem>>, %arg26: memref<!tpu.dma_semaphore, #tpu.memory_space<semaphore_mem>>, %arg27: memref<!tpu.dma_semaphore, #tpu.memory_space<semaphore_mem>>, %arg28: memref<!tpu.dma_semaphore, #tpu.memory_space<semaphore_mem>>, %arg29: memref<!tpu.dma_semaphore, #tpu.memory_space<semaphore_mem>>) attributes {dimension_semantics = [#tpu.dimension_semantics<core_parallel>, #tpu.dimension_semantics<subcore_parallel>], iteration_bounds = array<i64: 2, 16>, scalar_prefetch = 0 : i64, scratch_operands = 23 : i64, tpu.core_type = #tpu.core_type<sc_vector_subcore>, window_params = [{transform_indices = #map}, {transform_indices = #map}, {transform_indices = #map1}, {transform_indices = #map1}, {transform_indices = #map1}]} {
    %mul3A = arith.constant 2 : i32
    %mul3A_0 = arith.muli %arg1, %mul3A : i32
    %add3A = arith.addi %mul3A_0, %arg0 : i32
    %mul3A_1 = arith.constant 10240 : i32
    %mul3A_2 = arith.muli %add3A, %mul3A_1 : i32
    %sub3A = arith.constant 320000 : i32
    %sub3A_3 = arith.subi %sub3A, %mul3A_2 : i32
    %min3A = arith.constant 10240 : i32
    %min3A_4 = arith.minsi %min3A, %sub3A_3 : i32
    %jit3A = arith.constant 80 : i32
    %div3A = arith.divsi %min3A_4, %jit3A : i32
    %sign3A = arith.constant 0 : i32
    %sign3A_5 = arith.cmpi sgt, %min3A_4, %sign3A : i32
    %sign3A_6 = arith.extui %sign3A_5 : i1 to i32
    %sign3A_7 = arith.constant 0 : i32
    %sign3A_8 = arith.cmpi slt, %min3A_4, %sign3A_7 : i32
    %sign3A_9 = arith.extui %sign3A_8 : i1 to i32
    %sign3A_10 = arith.subi %sign3A_6, %sign3A_9 : i32
    %sign3A_11 = arith.constant 0 : i32
    %sign3A_12 = arith.cmpi sgt, %jit3A, %sign3A_11 : i32
    %sign3A_13 = arith.extui %sign3A_12 : i1 to i32
    %sign3A_14 = arith.constant 0 : i32
    %sign3A_15 = arith.cmpi slt, %jit3A, %sign3A_14 : i32
    %sign3A_16 = arith.extui %sign3A_15 : i1 to i32
    %sign3A_17 = arith.subi %sign3A_13, %sign3A_16 : i32
    %ne3A = arith.cmpi ne, %sign3A_10, %sign3A_17 : i32
    %rem3A = arith.remsi %min3A_4, %jit3A : i32
    %ne3A_18 = arith.constant 0 : i32
    %ne3A_19 = arith.cmpi ne, %rem3A, %ne3A_18 : i32
    %and3A = arith.andi %ne3A, %ne3A_19 : i1
    %sub3A_20 = arith.constant 1 : i32
    %sub3A_21 = arith.subi %div3A, %sub3A_20 : i32
    %select_n3A = arith.select %and3A, %sub3A_21, %div3A : i32
    %scan3A = arith.constant 0 : i32
    %scan3A_22 = arith.constant 0 : i32
    %scan3A_23 = arith.constant 80 : i32
    %scan3A_24 = arith.addi %scan3A_22, %scan3A_23 : i32
    %scan3A_25 = arith.constant 1 : i32
    scf.for %scan3A_92 = %scan3A_22 to %scan3A_24 step %scan3A_25  : i32 {
      %broadcast_in_dim3A = arith.constant 0.000000e+00 : f32
      %broadcast_in_dim3A_93 = vector.broadcast %broadcast_in_dim3A : f32 to vector<16xf32>
      %swap3A = arith.index_cast %scan3A_92 : i32 to index
      %swap3A_94 = arith.constant 0 : index
      %swap3A_95 = tpu.vector_load %arg13[%swap3A, %swap3A_94] {strides = array<i32>} : memref<80x128xf32, #tpu.memory_space<vmem>>, vector<1x16xf32>,
      %swap3A_96 = vector.shape_cast %swap3A_95 : vector<1x16xf32> to vector<16xf32>
      %swap3A_97 = vector.shape_cast %broadcast_in_dim3A_93 : vector<16xf32> to vector<1x16xf32>
      tpu.vector_store %arg13[%swap3A, %swap3A_94], %swap3A_97 {strides = array<i32>} : memref<80x128xf32, #tpu.memory_space<vmem>>, vector<1x16xf32>,
      %broadcast_in_dim3A_98 = arith.constant 0.000000e+00 : f32
      %broadcast_in_dim3A_99 = vector.broadcast %broadcast_in_dim3A_98 : f32 to vector<16xf32>
      %swap3A_100 = arith.index_cast %scan3A_92 : i32 to index
      %swap3A_101 = arith.constant 16 : index
      %swap3A_102 = tpu.vector_load %arg13[%swap3A_100, %swap3A_101] {strides = array<i32>} : memref<80x128xf32, #tpu.memory_space<vmem>>, vector<1x16xf32>,
      %swap3A_103 = vector.shape_cast %swap3A_102 : vector<1x16xf32> to vector<16xf32>
      %swap3A_104 = vector.shape_cast %broadcast_in_dim3A_99 : vector<16xf32> to vector<1x16xf32>
      tpu.vector_store %arg13[%swap3A_100, %swap3A_101], %swap3A_104 {strides = array<i32>} : memref<80x128xf32, #tpu.memory_space<vmem>>, vector<1x16xf32>,
      %broadcast_in_dim3A_105 = arith.constant 0.000000e+00 : f32
      %broadcast_in_dim3A_106 = vector.broadcast %broadcast_in_dim3A_105 : f32 to vector<16xf32>
      %swap3A_107 = arith.index_cast %scan3A_92 : i32 to index
      %swap3A_108 = arith.constant 32 : index
      %swap3A_109 = tpu.vector_load %arg13[%swap3A_107, %swap3A_108] {strides = array<i32>} : memref<80x128xf32, #tpu.memory_space<vmem>>, vector<1x16xf32>,
      %swap3A_110 = vector.shape_cast %swap3A_109 : vector<1x16xf32> to vector<16xf32>
      %swap3A_111 = vector.shape_cast %broadcast_in_dim3A_106 : vector<16xf32> to vector<1x16xf32>
      tpu.vector_store %arg13[%swap3A_107, %swap3A_108], %swap3A_111 {strides = array<i32>} : memref<80x128xf32, #tpu.memory_space<vmem>>, vector<1x16xf32>,
      %broadcast_in_dim3A_112 = arith.constant 0.000000e+00 : f32
      %broadcast_in_dim3A_113 = vector.broadcast %broadcast_in_dim3A_112 : f32 to vector<16xf32>
      %swap3A_114 = arith.index_cast %scan3A_92 : i32 to index
      %swap3A_115 = arith.constant 48 : index
      %swap3A_116 = tpu.vector_load %arg13[%swap3A_114, %swap3A_115] {strides = array<i32>} : memref<80x128xf32, #tpu.memory_space<vmem>>, vector<1x16xf32>,
      %swap3A_117 = vector.shape_cast %swap3A_116 : vector<1x16xf32> to vector<16xf32>
      %swap3A_118 = vector.shape_cast %broadcast_in_dim3A_113 : vector<16xf32> to vector<1x16xf32>
      tpu.vector_store %arg13[%swap3A_114, %swap3A_115], %swap3A_118 {strides = array<i32>} : memref<80x128xf32, #tpu.memory_space<vmem>>, vector<1x16xf32>,
      %broadcast_in_dim3A_119 = arith.constant 0.000000e+00 : f32
      %broadcast_in_dim3A_120 = vector.broadcast %broadcast_in_dim3A_119 : f32 to vector<16xf32>
      %swap3A_121 = arith.index_cast %scan3A_92 : i32 to index
      %swap3A_122 = arith.constant 64 : index
      %swap3A_123 = tpu.vector_load %arg13[%swap3A_121, %swap3A_122] {strides = array<i32>} : memref<80x128xf32, #tpu.memory_space<vmem>>, vector<1x16xf32>,
      %swap3A_124 = vector.shape_cast %swap3A_123 : vector<1x16xf32> to vector<16xf32>
      %swap3A_125 = vector.shape_cast %broadcast_in_dim3A_120 : vector<16xf32> to vector<1x16xf32>
      tpu.vector_store %arg13[%swap3A_121, %swap3A_122], %swap3A_125 {strides = array<i32>} : memref<80x128xf32, #tpu.memory_space<vmem>>, vector<1x16xf32>,
      %broadcast_in_dim3A_126 = arith.constant 0.000000e+00 : f32
      %broadcast_in_dim3A_127 = vector.broadcast %broadcast_in_dim3A_126 : f32 to vector<16xf32>
      %swap3A_128 = arith.index_cast %scan3A_92 : i32 to index
      %swap3A_129 = arith.constant 80 : index
      %swap3A_130 = tpu.vector_load %arg13[%swap3A_128, %swap3A_129] {strides = array<i32>} : memref<80x128xf32, #tpu.memory_space<vmem>>, vector<1x16xf32>,
      %swap3A_131 = vector.shape_cast %swap3A_130 : vector<1x16xf32> to vector<16xf32>
      %swap3A_132 = vector.shape_cast %broadcast_in_dim3A_127 : vector<16xf32> to vector<1x16xf32>
      tpu.vector_store %arg13[%swap3A_128, %swap3A_129], %swap3A_132 {strides = array<i32>} : memref<80x128xf32, #tpu.memory_space<vmem>>, vector<1x16xf32>,
      %broadcast_in_dim3A_133 = arith.constant 0.000000e+00 : f32
      %broadcast_in_dim3A_134 = vector.broadcast %broadcast_in_dim3A_133 : f32 to vector<16xf32>
      %swap3A_135 = arith.index_cast %scan3A_92 : i32 to index
      %swap3A_136 = arith.constant 96 : index
      %swap3A_137 = tpu.vector_load %arg13[%swap3A_135, %swap3A_136] {strides = array<i32>} : memref<80x128xf32, #tpu.memory_space<vmem>>, vector<1x16xf32>,
      %swap3A_138 = vector.shape_cast %swap3A_137 : vector<1x16xf32> to vector<16xf32>
      %swap3A_139 = vector.shape_cast %broadcast_in_dim3A_134 : vector<16xf32> to vector<1x16xf32>
      tpu.vector_store %arg13[%swap3A_135, %swap3A_136], %swap3A_139 {strides = array<i32>} : memref<80x128xf32, #tpu.memory_space<vmem>>, vector<1x16xf32>,
      %broadcast_in_dim3A_140 = arith.constant 0.000000e+00 : f32
      %broadcast_in_dim3A_141 = vector.broadcast %broadcast_in_dim3A_140 : f32 to vector<16xf32>
      %swap3A_142 = arith.index_cast %scan3A_92 : i32 to index
      %swap3A_143 = arith.constant 112 : index
      %swap3A_144 = tpu.vector_load %arg13[%swap3A_142, %swap3A_143] {strides = array<i32>} : memref<80x128xf32, #tpu.memory_space<vmem>>, vector<1x16xf32>,
      %swap3A_145 = vector.shape_cast %swap3A_144 : vector<1x16xf32> to vector<16xf32>
      %swap3A_146 = vector.shape_cast %broadcast_in_dim3A_141 : vector<16xf32> to vector<1x16xf32>
      tpu.vector_store %arg13[%swap3A_142, %swap3A_143], %swap3A_146 {strides = array<i32>} : memref<80x128xf32, #tpu.memory_space<vmem>>, vector<1x16xf32>,
    }
    %scan3A_26 = arith.constant 80 : i32
    %scan3A_27 = arith.constant 0 : i32
    %scan3A_28 = arith.constant 0 : i32
    %scan3A_29 = arith.constant 8 : i32
    %scan3A_30 = arith.addi %scan3A_28, %scan3A_29 : i32
    %scan3A_31 = arith.constant 1 : i32
    scf.for %scan3A_92 = %scan3A_28 to %scan3A_30 step %scan3A_31  : i32 {
      %mul3A_93 = arith.constant 640 : i32
      %mul3A_94 = arith.muli %arg1, %mul3A_93 : i32
      %mul3A_95 = arith.constant 80 : i32
      %mul3A_96 = arith.muli %scan3A_92, %mul3A_95 : i32
      %add3A_97 = arith.addi %mul3A_94, %mul3A_96 : i32
      "tpu.region"() ({
        %run_scoped3A = tpu.sem_alloc : memref<!tpu.dma_semaphore, #tpu.memory_space<semaphore_mem>>
        %dma_start3A_98 = arith.constant 0 : i32
        %dma_start3A_99 = tpu.memref_slice %arg17[%add3A_97, %dma_start3A_98] : memref<10240x128xf32, #tpu.memory_space<vmem_shared>> -> memref<80x128xf32, #tpu.memory_space<vmem_shared>>
        %dma_start3A_100 = arith.constant 0 : i32
        %dma_start3A_101 = tpu.memref_slice %arg17[%add3A_97, %dma_start3A_100] : memref<10240x128xf32, #tpu.memory_space<vmem_shared>> -> memref<80x128xf32, #tpu.memory_space<vmem_shared>>
        tpu.enqueue_dma source(%arg13 : memref<80x128xf32, #tpu.memory_space<vmem>>) target(%dma_start3A_101 : memref<80x128xf32, #tpu.memory_space<vmem_shared>>) target_semaphore(%run_scoped3A : memref<!tpu.dma_semaphore, #tpu.memory_space<semaphore_mem>>)
        %dma_wait3A_102 = arith.constant 0 : i32
        %dma_wait3A_103 = tpu.memref_slice %arg17[%add3A_97, %dma_wait3A_102] : memref<10240x128xf32, #tpu.memory_space<vmem_shared>> -> memref<80x128xf32, #tpu.memory_space<vmem_shared>>
        %dma_wait3A_104 = arith.constant 0 : i32
        %dma_wait3A_105 = tpu.memref_slice %arg17[%add3A_97, %dma_wait3A_104] : memref<10240x128xf32, #tpu.memory_space<vmem_shared>> -> memref<80x128xf32, #tpu.memory_space<vmem_shared>>
        tpu.wait_dma2 semaphore(%run_scoped3A : memref<!tpu.dma_semaphore, #tpu.memory_space<semaphore_mem>>) src(%arg13 : memref<80x128xf32, #tpu.memory_space<vmem>>) dst(%dma_wait3A_105 : memref<80x128xf32, #tpu.memory_space<vmem_shared>>)
        tpu.yield
      }) : () -> ()
    }
    %scan3A_32 = arith.constant 8 : i32
    %barrier3A = arith.constant 0 : index
    tpu.barrier barrier_id(%barrier3A)
    "tpu.region"() ({
      %run_scoped3A = tpu.sem_alloc : memref<!tpu.dma_semaphore, #tpu.memory_space<semaphore_mem>>
      %dma_start3A_92 = tpu.memref_slice %arg2[%mul3A_2] : memref<320000xi32, #tpu.memory_space<hbm>> -> memref<80xi32, #tpu.memory_space<hbm>>
      %dma_start3A_93 = tpu.memref_slice %arg2[%mul3A_2] : memref<320000xi32, #tpu.memory_space<hbm>> -> memref<80xi32, #tpu.memory_space<hbm>>
      tpu.enqueue_dma source(%dma_start3A_93 : memref<80xi32, #tpu.memory_space<hbm>>) target(%arg7 : memref<80xi32, #tpu.memory_space<vmem>>) target_semaphore(%run_scoped3A : memref<!tpu.dma_semaphore, #tpu.memory_space<semaphore_mem>>)
      %dma_wait3A_94 = tpu.memref_slice %arg2[%mul3A_2] : memref<320000xi32, #tpu.memory_space<hbm>> -> memref<80xi32, #tpu.memory_space<hbm>>
      %dma_wait3A_95 = tpu.memref_slice %arg2[%mul3A_2] : memref<320000xi32, #tpu.memory_space<hbm>> -> memref<80xi32, #tpu.memory_space<hbm>>
      tpu.wait_dma2 semaphore(%run_scoped3A : memref<!tpu.dma_semaphore, #tpu.memory_space<semaphore_mem>>) src(%dma_wait3A_95 : memref<80xi32, #tpu.memory_space<hbm>>) dst(%arg7 : memref<80xi32, #tpu.memory_space<vmem>>)
      tpu.yield
    }) : () -> ()
    "tpu.region"() ({
      %run_scoped3A = tpu.sem_alloc : memref<!tpu.dma_semaphore, #tpu.memory_space<semaphore_mem>>
      %dma_start3A_92 = tpu.memref_slice %arg3[%mul3A_2] : memref<320000xi32, #tpu.memory_space<hbm>> -> memref<80xi32, #tpu.memory_space<hbm>>
      %dma_start3A_93 = tpu.memref_slice %arg3[%mul3A_2] : memref<320000xi32, #tpu.memory_space<hbm>> -> memref<80xi32, #tpu.memory_space<hbm>>
      tpu.enqueue_dma source(%dma_start3A_93 : memref<80xi32, #tpu.memory_space<hbm>>) target(%arg9 : memref<80xi32, #tpu.memory_space<vmem>>) target_semaphore(%run_scoped3A : memref<!tpu.dma_semaphore, #tpu.memory_space<semaphore_mem>>)
      %dma_wait3A_94 = tpu.memref_slice %arg3[%mul3A_2] : memref<320000xi32, #tpu.memory_space<hbm>> -> memref<80xi32, #tpu.memory_space<hbm>>
      %dma_wait3A_95 = tpu.memref_slice %arg3[%mul3A_2] : memref<320000xi32, #tpu.memory_space<hbm>> -> memref<80xi32, #tpu.memory_space<hbm>>
      tpu.wait_dma2 semaphore(%run_scoped3A : memref<!tpu.dma_semaphore, #tpu.memory_space<semaphore_mem>>) src(%dma_wait3A_95 : memref<80xi32, #tpu.memory_space<hbm>>) dst(%arg9 : memref<80xi32, #tpu.memory_space<vmem>>)
      tpu.yield
    }) : () -> ()
    %dma_start3A = arith.constant 0 : i32
    %dma_start3A_33 = arith.constant 0 : i32
    %dma_start3A_34 = tpu.memref_slice %arg4[%dma_start3A, %dma_start3A_33] : memref<10000x128xf32, #tpu.memory_space<hbm>> -> memref<10000x128xf32, #tpu.memory_space<hbm>>
    tpu.enqueue_indirect_dma source(%dma_start3A_34 : memref<10000x128xf32, #tpu.memory_space<hbm>>) target(%arg13 : memref<80x128xf32, #tpu.memory_space<vmem>>) offsets(%arg7 : memref<80xi32, #tpu.memory_space<vmem>>) semaphore(%arg24 : memref<!tpu.dma_semaphore, #tpu.memory_space<semaphore_mem>>)
    %dma_start3A_35 = arith.constant 0 : i32
    %dma_start3A_36 = tpu.memref_slice %arg5[%mul3A_2, %dma_start3A_35] : memref<320000x128xf32, #tpu.memory_space<hbm>> -> memref<80x128xf32, #tpu.memory_space<hbm>>
    %dma_start3A_37 = arith.constant 0 : i32
    %dma_start3A_38 = tpu.memref_slice %arg5[%mul3A_2, %dma_start3A_37] : memref<320000x128xf32, #tpu.memory_space<hbm>> -> memref<80x128xf32, #tpu.memory_space<hbm>>
    tpu.enqueue_dma source(%dma_start3A_38 : memref<80x128xf32, #tpu.memory_space<hbm>>) target(%arg15 : memref<80x128xf32, #tpu.memory_space<vmem>>) target_semaphore(%arg26 : memref<!tpu.dma_semaphore, #tpu.memory_space<semaphore_mem>>)
    %add3A_39 = arith.constant 80 : i32
    %add3A_40 = arith.addi %mul3A_2, %add3A_39 : i32
    %dma_start3A_41 = tpu.memref_slice %arg2[%add3A_40] : memref<320000xi32, #tpu.memory_space<hbm>> -> memref<80xi32, #tpu.memory_space<hbm>>
    %dma_start3A_42 = tpu.memref_slice %arg2[%add3A_40] : memref<320000xi32, #tpu.memory_space<hbm>> -> memref<80xi32, #tpu.memory_space<hbm>>
    tpu.enqueue_dma source(%dma_start3A_42 : memref<80xi32, #tpu.memory_space<hbm>>) target(%arg8 : memref<80xi32, #tpu.memory_space<vmem>>) target_semaphore(%arg19 : memref<!tpu.dma_semaphore, #tpu.memory_space<semaphore_mem>>)
    %add3A_43 = arith.constant 80 : i32
    %add3A_44 = arith.addi %mul3A_2, %add3A_43 : i32
    %dma_start3A_45 = tpu.memref_slice %arg3[%add3A_44] : memref<320000xi32, #tpu.memory_space<hbm>> -> memref<80xi32, #tpu.memory_space<hbm>>
    %dma_start3A_46 = tpu.memref_slice %arg3[%add3A_44] : memref<320000xi32, #tpu.memory_space<hbm>> -> memref<80xi32, #tpu.memory_space<hbm>>
    tpu.enqueue_dma source(%dma_start3A_46 : memref<80xi32, #tpu.memory_space<hbm>>) target(%arg10 : memref<80xi32, #tpu.memory_space<vmem>>) target_semaphore(%arg21 : memref<!tpu.dma_semaphore, #tpu.memory_space<semaphore_mem>>)
    %jit3A_47 = arith.constant 4 : i32
    %div3A_48 = arith.divsi %select_n3A, %jit3A_47 : i32
    %sign3A_49 = arith.constant 0 : i32
    %sign3A_50 = arith.cmpi sgt, %select_n3A, %sign3A_49 : i32
    %sign3A_51 = arith.extui %sign3A_50 : i1 to i32
    %sign3A_52 = arith.constant 0 : i32
    %sign3A_53 = arith.cmpi slt, %select_n3A, %sign3A_52 : i32
    %sign3A_54 = arith.extui %sign3A_53 : i1 to i32
    %sign3A_55 = arith.subi %sign3A_51, %sign3A_54 : i32
    %sign3A_56 = arith.constant 0 : i32
    %sign3A_57 = arith.cmpi sgt, %jit3A_47, %sign3A_56 : i32
    %sign3A_58 = arith.extui %sign3A_57 : i1 to i32
    %sign3A_59 = arith.constant 0 : i32
    %sign3A_60 = arith.cmpi slt, %jit3A_47, %sign3A_59 : i32
    %sign3A_61 = arith.extui %sign3A_60 : i1 to i32
    %sign3A_62 = arith.subi %sign3A_58, %sign3A_61 : i32
    %ne3A_63 = arith.cmpi ne, %sign3A_55, %sign3A_62 : i32
    %rem3A_64 = arith.remsi %select_n3A, %jit3A_47 : i32
    %ne3A_65 = arith.constant 0 : i32
    %ne3A_66 = arith.cmpi ne, %rem3A_64, %ne3A_65 : i32
    %and3A_67 = arith.andi %ne3A_63, %ne3A_66 : i1
    %sub3A_68 = arith.constant 1 : i32
    %sub3A_69 = arith.subi %div3A_48, %sub3A_68 : i32
    %select_n3A_70 = arith.select %and3A_67, %sub3A_69, %div3A_48 : i32
    %while3A = arith.constant 0 : i32
    %while3A_71 = arith.constant 0 : i32
    %while3A_72 = arith.subi %select_n3A_70, %while3A_71 : i32
    %while3A_73 = arith.addi %while3A_71, %while3A_72 : i32
    %while3A_74 = arith.constant 1 : i32
    %while3A_75 = arith.divsi %while3A_72, %while3A_74 : i32
    %while3A_76 = arith.muli %while3A_75, %while3A_74 : i32
    %while3A_77 = arith.addi %while3A_71, %while3A_76 : i32
    %while3A_78 = arith.constant 1 : i32
    scf.for %while3A_92 = %while3A_71 to %while3A_77 step %while3A_78  : i32 {
      %mul3A_93 = arith.constant 4 : i32
      %mul3A_94 = arith.muli %while3A_92, %mul3A_93 : i32
      %add3A_95 = arith.constant 0 : i32
      %add3A_96 = arith.addi %mul3A_94, %add3A_95 : i32
      %add3A_97 = arith.constant 1 : i32
      %add3A_98 = arith.addi %add3A_96, %add3A_97 : i32
      %lt3A = arith.cmpi slt, %add3A_98, %select_n3A : i32
      %convert_element_type3A = arith.extui %lt3A : i1 to i32
      %cond3A = arith.constant 0 : i32
      %cond3A_99 = arith.cmpi ne, %convert_element_type3A, %cond3A : i32
      scf.if %cond3A_99 {
        %dma_wait3A_220 = arith.constant 0 : i32
        %dma_wait3A_221 = tpu.memref_slice %arg2[%dma_wait3A_220] : memref<320000xi32, #tpu.memory_space<hbm>> -> memref<80xi32, #tpu.memory_space<hbm>>
        %dma_wait3A_222 = arith.constant 0 : i32
        %dma_wait3A_223 = tpu.memref_slice %arg2[%dma_wait3A_222] : memref<320000xi32, #tpu.memory_space<hbm>> -> memref<80xi32, #tpu.memory_space<hbm>>
        tpu.wait_dma2 semaphore(%arg19 : memref<!tpu.dma_semaphore, #tpu.memory_space<semaphore_mem>>) src(%dma_wait3A_223 : memref<80xi32, #tpu.memory_space<hbm>>) dst(%arg8 : memref<80xi32, #tpu.memory_space<vmem>>)
        %dma_wait3A_224 = arith.constant 0 : i32
        %dma_wait3A_225 = tpu.memref_slice %arg3[%dma_wait3A_224] : memref<320000xi32, #tpu.memory_space<hbm>> -> memref<80xi32, #tpu.memory_space<hbm>>
        %dma_wait3A_226 = arith.constant 0 : i32
        %dma_wait3A_227 = tpu.memref_slice %arg3[%dma_wait3A_226] : memref<320000xi32, #tpu.memory_space<hbm>> -> memref<80xi32, #tpu.memory_space<hbm>>
        tpu.wait_dma2 semaphore(%arg21 : memref<!tpu.dma_semaphore, #tpu.memory_space<semaphore_mem>>) src(%dma_wait3A_227 : memref<80xi32, #tpu.memory_space<hbm>>) dst(%arg10 : memref<80xi32, #tpu.memory_space<vmem>>)
        %ge3A = arith.constant 1 : i32
        %ge3A_228 = arith.cmpi sge, %add3A_96, %ge3A : i32
        %convert_element_type3A_229 = arith.extui %ge3A_228 : i1 to i32
        %cond3A_230 = arith.constant 0 : i32
        %cond3A_231 = arith.cmpi ne, %convert_element_type3A_229, %cond3A_230 : i32
        scf.if %cond3A_231 {
          %dma_wait3A_244 = arith.constant 0 : i32
          %dma_wait3A_245 = arith.constant 0 : i32
          %dma_wait3A_246 = tpu.memref_slice %arg17[%dma_wait3A_244, %dma_wait3A_245] : memref<10240x128xf32, #tpu.memory_space<vmem_shared>> -> memref<10240x128xf32, #tpu.memory_space<vmem_shared>>
          tpu.wait_indirect_dma semaphore(%arg29 : memref<!tpu.dma_semaphore, #tpu.memory_space<semaphore_mem>>) src(%arg14 : memref<80x128xf32, #tpu.memory_space<vmem>>) dst(%dma_wait3A_246 : memref<10240x128xf32, #tpu.memory_space<vmem_shared>>)
        } else {
        }
        %dma_start3A_232 = arith.constant 0 : i32
        %dma_start3A_233 = arith.constant 0 : i32
        %dma_start3A_234 = tpu.memref_slice %arg4[%dma_start3A_232, %dma_start3A_233] : memref<10000x128xf32, #tpu.memory_space<hbm>> -> memref<10000x128xf32, #tpu.memory_space<hbm>>
        tpu.enqueue_indirect_dma source(%dma_start3A_234 : memref<10000x128xf32, #tpu.memory_space<hbm>>) target(%arg14 : memref<80x128xf32, #tpu.memory_space<vmem>>) offsets(%arg8 : memref<80xi32, #tpu.memory_space<vmem>>) semaphore(%arg25 : memref<!tpu.dma_semaphore, #tpu.memory_space<semaphore_mem>>)
        %add3A_235 = arith.constant 1 : i32
        %add3A_236 = arith.addi %add3A_96, %add3A_235 : i32
        %mul3A_237 = arith.constant 80 : i32
        %mul3A_238 = arith.muli %add3A_236, %mul3A_237 : i32
        %add3A_239 = arith.addi %mul3A_2, %mul3A_238 : i32
        %dma_start3A_240 = arith.constant 0 : i32
        %dma_start3A_241 = tpu.memref_slice %arg5[%add3A_239, %dma_start3A_240] : memref<320000x128xf32, #tpu.memory_space<hbm>> -> memref<80x128xf32, #tpu.memory_space<hbm>>
        %dma_start3A_242 = arith.constant 0 : i32
        %dma_start3A_243 = tpu.memref_slice %arg5[%add3A_239, %dma_start3A_242] : memref<320000x128xf32, #tpu.memory_space<hbm>> -> memref<80x128xf32, #tpu.memory_space<hbm>>
        tpu.enqueue_dma source(%dma_start3A_243 : memref<80x128xf32, #tpu.memory_space<hbm>>) target(%arg16 : memref<80x128xf32, #tpu.memory_space<vmem>>) target_semaphore(%arg27 : memref<!tpu.dma_semaphore, #tpu.memory_space<semaphore_mem>>)
      } else {
      }
      %dma_wait3A_100 = arith.constant 0 : i32
      %dma_wait3A_101 = arith.constant 0 : i32
      %dma_wait3A_102 = tpu.memref_slice %arg4[%dma_wait3A_100, %dma_wait3A_101] : memref<10000x128xf32, #tpu.memory_space<hbm>> -> memref<10000x128xf32, #tpu.memory_space<hbm>>
      tpu.wait_indirect_dma semaphore(%arg24 : memref<!tpu.dma_semaphore, #tpu.memory_space<semaphore_mem>>) src(%dma_wait3A_102 : memref<10000x128xf32, #tpu.memory_space<hbm>>) dst(%arg13 : memref<80x128xf32, #tpu.memory_space<vmem>>)
      %dma_wait3A_103 = arith.constant 0 : i32
      %dma_wait3A_104 = arith.constant 0 : i32
      %dma_wait3A_105 = tpu.memref_slice %arg5[%dma_wait3A_103, %dma_wait3A_104] : memref<320000x128xf32, #tpu.memory_space<hbm>> -> memref<80x128xf32, #tpu.memory_space<hbm>>
      %dma_wait3A_106 = arith.constant 0 : i32
      %dma_wait3A_107 = arith.constant 0 : i32
      %dma_wait3A_108 = tpu.memref_slice %arg5[%dma_wait3A_106, %dma_wait3A_107] : memref<320000x128xf32, #tpu.memory_space<hbm>> -> memref<80x128xf32, #tpu.memory_space<hbm>>
      tpu.wait_dma2 semaphore(%arg26 : memref<!tpu.dma_semaphore, #tpu.memory_space<semaphore_mem>>) src(%dma_wait3A_108 : memref<80x128xf32, #tpu.memory_space<hbm>>) dst(%arg15 : memref<80x128xf32, #tpu.memory_space<vmem>>)
      %scan3A_109 = arith.constant 0 : i32
      %scan3A_110 = arith.constant 0 : i32
      %scan3A_111 = arith.constant 80 : i32
      %scan3A_112 = arith.addi %scan3A_110, %scan3A_111 : i32
      %scan3A_113 = arith.constant 1 : i32
      scf.for %scan3A_220 = %scan3A_110 to %scan3A_112 step %scan3A_113  : i32 {
        %get3A = arith.index_cast %scan3A_220 : i32 to index
        %get3A_221 = arith.constant 0 : index
        %get3A_222 = tpu.vector_load %arg15[%get3A, %get3A_221] {strides = array<i32>} : memref<80x128xf32, #tpu.memory_space<vmem>>, vector<1x16xf32>,
        %get3A_223 = vector.shape_cast %get3A_222 : vector<1x16xf32> to vector<16xf32>
        %get3A_224 = arith.index_cast %scan3A_220 : i32 to index
        %get3A_225 = arith.constant 0 : index
        %get3A_226 = tpu.vector_load %arg13[%get3A_224, %get3A_225] {strides = array<i32>} : memref<80x128xf32, #tpu.memory_space<vmem>>, vector<1x16xf32>,
        %get3A_227 = vector.shape_cast %get3A_226 : vector<1x16xf32> to vector<16xf32>
        %mul3A_228 = arith.mulf %get3A_223, %get3A_227 : vector<16xf32>
        %swap3A = arith.index_cast %scan3A_220 : i32 to index
        %swap3A_229 = arith.constant 0 : index
        %swap3A_230 = tpu.vector_load %arg13[%swap3A, %swap3A_229] {strides = array<i32>} : memref<80x128xf32, #tpu.memory_space<vmem>>, vector<1x16xf32>,
        %swap3A_231 = vector.shape_cast %swap3A_230 : vector<1x16xf32> to vector<16xf32>
        %swap3A_232 = vector.shape_cast %mul3A_228 : vector<16xf32> to vector<1x16xf32>
        tpu.vector_store %arg13[%swap3A, %swap3A_229], %swap3A_232 {strides = array<i32>} : memref<80x128xf32, #tpu.memory_space<vmem>>, vector<1x16xf32>,
        %get3A_233 = arith.index_cast %scan3A_220 : i32 to index
        %get3A_234 = arith.constant 16 : index
        %get3A_235 = tpu.vector_load %arg15[%get3A_233, %get3A_234] {strides = array<i32>} : memref<80x128xf32, #tpu.memory_space<vmem>>, vector<1x16xf32>,
        %get3A_236 = vector.shape_cast %get3A_235 : vector<1x16xf32> to vector<16xf32>
        %get3A_237 = arith.index_cast %scan3A_220 : i32 to index
        %get3A_238 = arith.constant 16 : index
        %get3A_239 = tpu.vector_load %arg13[%get3A_237, %get3A_238] {strides = array<i32>} : memref<80x128xf32, #tpu.memory_space<vmem>>, vector<1x16xf32>,
        %get3A_240 = vector.shape_cast %get3A_239 : vector<1x16xf32> to vector<16xf32>
        %mul3A_241 = arith.mulf %get3A_236, %get3A_240 : vector<16xf32>
        %swap3A_242 = arith.index_cast %scan3A_220 : i32 to index
        %swap3A_243 = arith.constant 16 : index
        %swap3A_244 = tpu.vector_load %arg13[%swap3A_242, %swap3A_243] {strides = array<i32>} : memref<80x128xf32, #tpu.memory_space<vmem>>, vector<1x16xf32>,
        %swap3A_245 = vector.shape_cast %swap3A_244 : vector<1x16xf32> to vector<16xf32>
        %swap3A_246 = vector.shape_cast %mul3A_241 : vector<16xf32> to vector<1x16xf32>
        tpu.vector_store %arg13[%swap3A_242, %swap3A_243], %swap3A_246 {strides = array<i32>} : memref<80x128xf32, #tpu.memory_space<vmem>>, vector<1x16xf32>,
        %get3A_247 = arith.index_cast %scan3A_220 : i32 to index
        %get3A_248 = arith.constant 32 : index
        %get3A_249 = tpu.vector_load %arg15[%get3A_247, %get3A_248] {strides = array<i32>} : memref<80x128xf32, #tpu.memory_space<vmem>>, vector<1x16xf32>,
        %get3A_250 = vector.shape_cast %get3A_249 : vector<1x16xf32> to vector<16xf32>
        %get3A_251 = arith.index_cast %scan3A_220 : i32 to index
        %get3A_252 = arith.constant 32 : index
        %get3A_253 = tpu.vector_load %arg13[%get3A_251, %get3A_252] {strides = array<i32>} : memref<80x128xf32, #tpu.memory_space<vmem>>, vector<1x16xf32>,
        %get3A_254 = vector.shape_cast %get3A_253 : vector<1x16xf32> to vector<16xf32>
        %mul3A_255 = arith.mulf %get3A_250, %get3A_254 : vector<16xf32>
        %swap3A_256 = arith.index_cast %scan3A_220 : i32 to index
        %swap3A_257 = arith.constant 32 : index
        %swap3A_258 = tpu.vector_load %arg13[%swap3A_256, %swap3A_257] {strides = array<i32>} : memref<80x128xf32, #tpu.memory_space<vmem>>, vector<1x16xf32>,
        %swap3A_259 = vector.shape_cast %swap3A_258 : vector<1x16xf32> to vector<16xf32>
        %swap3A_260 = vector.shape_cast %mul3A_255 : vector<16xf32> to vector<1x16xf32>
        tpu.vector_store %arg13[%swap3A_256, %swap3A_257], %swap3A_260 {strides = array<i32>} : memref<80x128xf32, #tpu.memory_space<vmem>>, vector<1x16xf32>,
        %get3A_261 = arith.index_cast %scan3A_220 : i32 to index
        %get3A_262 = arith.constant 48 : index
        %get3A_263 = tpu.vector_load %arg15[%get3A_261, %get3A_262] {strides = array<i32>} : memref<80x128xf32, #tpu.memory_space<vmem>>, vector<1x16xf32>,
        %get3A_264 = vector.shape_cast %get3A_263 : vector<1x16xf32> to vector<16xf32>
        %get3A_265 = arith.index_cast %scan3A_220 : i32 to index
        %get3A_266 = arith.constant 48 : index
        %get3A_267 = tpu.vector_load %arg13[%get3A_265, %get3A_266] {strides = array<i32>} : memref<80x128xf32, #tpu.memory_space<vmem>>, vector<1x16xf32>,
        %get3A_268 = vector.shape_cast %get3A_267 : vector<1x16xf32> to vector<16xf32>
        %mul3A_269 = arith.mulf %get3A_264, %get3A_268 : vector<16xf32>
        %swap3A_270 = arith.index_cast %scan3A_220 : i32 to index
        %swap3A_271 = arith.constant 48 : index
        %swap3A_272 = tpu.vector_load %arg13[%swap3A_270, %swap3A_271] {strides = array<i32>} : memref<80x128xf32, #tpu.memory_space<vmem>>, vector<1x16xf32>,
        %swap3A_273 = vector.shape_cast %swap3A_272 : vector<1x16xf32> to vector<16xf32>
        %swap3A_274 = vector.shape_cast %mul3A_269 : vector<16xf32> to vector<1x16xf32>
        tpu.vector_store %arg13[%swap3A_270, %swap3A_271], %swap3A_274 {strides = array<i32>} : memref<80x128xf32, #tpu.memory_space<vmem>>, vector<1x16xf32>,
        %get3A_275 = arith.index_cast %scan3A_220 : i32 to index
        %get3A_276 = arith.constant 64 : index
        %get3A_277 = tpu.vector_load %arg15[%get3A_275, %get3A_276] {strides = array<i32>} : memref<80x128xf32, #tpu.memory_space<vmem>>, vector<1x16xf32>,
        %get3A_278 = vector.shape_cast %get3A_277 : vector<1x16xf32> to vector<16xf32>
        %get3A_279 = arith.index_cast %scan3A_220 : i32 to index
        %get3A_280 = arith.constant 64 : index
        %get3A_281 = tpu.vector_load %arg13[%get3A_279, %get3A_280] {strides = array<i32>} : memref<80x128xf32, #tpu.memory_space<vmem>>, vector<1x16xf32>,
        %get3A_282 = vector.shape_cast %get3A_281 : vector<1x16xf32> to vector<16xf32>
        %mul3A_283 = arith.mulf %get3A_278, %get3A_282 : vector<16xf32>
        %swap3A_284 = arith.index_cast %scan3A_220 : i32 to index
        %swap3A_285 = arith.constant 64 : index
        %swap3A_286 = tpu.vector_load %arg13[%swap3A_284, %swap3A_285] {strides = array<i32>} : memref<80x128xf32, #tpu.memory_space<vmem>>, vector<1x16xf32>,
        %swap3A_287 = vector.shape_cast %swap3A_286 : vector<1x16xf32> to vector<16xf32>
        %swap3A_288 = vector.shape_cast %mul3A_283 : vector<16xf32> to vector<1x16xf32>
        tpu.vector_store %arg13[%swap3A_284, %swap3A_285], %swap3A_288 {strides = array<i32>} : memref<80x128xf32, #tpu.memory_space<vmem>>, vector<1x16xf32>,
        %get3A_289 = arith.index_cast %scan3A_220 : i32 to index
        %get3A_290 = arith.constant 80 : index
        %get3A_291 = tpu.vector_load %arg15[%get3A_289, %get3A_290] {strides = array<i32>} : memref<80x128xf32, #tpu.memory_space<vmem>>, vector<1x16xf32>,
        %get3A_292 = vector.shape_cast %get3A_291 : vector<1x16xf32> to vector<16xf32>
        %get3A_293 = arith.index_cast %scan3A_220 : i32 to index
        %get3A_294 = arith.constant 80 : index
        %get3A_295 = tpu.vector_load %arg13[%get3A_293, %get3A_294] {strides = array<i32>} : memref<80x128xf32, #tpu.memory_space<vmem>>, vector<1x16xf32>,
        %get3A_296 = vector.shape_cast %get3A_295 : vector<1x16xf32> to vector<16xf32>
        %mul3A_297 = arith.mulf %get3A_292, %get3A_296 : vector<16xf32>
        %swap3A_298 = arith.index_cast %scan3A_220 : i32 to index
        %swap3A_299 = arith.constant 80 : index
        %swap3A_300 = tpu.vector_load %arg13[%swap3A_298, %swap3A_299] {strides = array<i32>} : memref<80x128xf32, #tpu.memory_space<vmem>>, vector<1x16xf32>,
        %swap3A_301 = vector.shape_cast %swap3A_300 : vector<1x16xf32> to vector<16xf32>
        %swap3A_302 = vector.shape_cast %mul3A_297 : vector<16xf32> to vector<1x16xf32>
        tpu.vector_store %arg13[%swap3A_298, %swap3A_299], %swap3A_302 {strides = array<i32>} : memref<80x128xf32, #tpu.memory_space<vmem>>, vector<1x16xf32>,
        %get3A_303 = arith.index_cast %scan3A_220 : i32 to index
        %get3A_304 = arith.constant 96 : index
        %get3A_305 = tpu.vector_load %arg15[%get3A_303, %get3A_304] {strides = array<i32>} : memref<80x128xf32, #tpu.memory_space<vmem>>, vector<1x16xf32>,
        %get3A_306 = vector.shape_cast %get3A_305 : vector<1x16xf32> to vector<16xf32>
        %get3A_307 = arith.index_cast %scan3A_220 : i32 to index
        %get3A_308 = arith.constant 96 : index
        %get3A_309 = tpu.vector_load %arg13[%get3A_307, %get3A_308] {strides = array<i32>} : memref<80x128xf32, #tpu.memory_space<vmem>>, vector<1x16xf32>,
        %get3A_310 = vector.shape_cast %get3A_309 : vector<1x16xf32> to vector<16xf32>
        %mul3A_311 = arith.mulf %get3A_306, %get3A_310 : vector<16xf32>
        %swap3A_312 = arith.index_cast %scan3A_220 : i32 to index
        %swap3A_313 = arith.constant 96 : index
        %swap3A_314 = tpu.vector_load %arg13[%swap3A_312, %swap3A_313] {strides = array<i32>} : memref<80x128xf32, #tpu.memory_space<vmem>>, vector<1x16xf32>,
        %swap3A_315 = vector.shape_cast %swap3A_314 : vector<1x16xf32> to vector<16xf32>
        %swap3A_316 = vector.shape_cast %mul3A_311 : vector<16xf32> to vector<1x16xf32>
        tpu.vector_store %arg13[%swap3A_312, %swap3A_313], %swap3A_316 {strides = array<i32>} : memref<80x128xf32, #tpu.memory_space<vmem>>, vector<1x16xf32>,
        %get3A_317 = arith.index_cast %scan3A_220 : i32 to index
        %get3A_318 = arith.constant 112 : index
        %get3A_319 = tpu.vector_load %arg15[%get3A_317, %get3A_318] {strides = array<i32>} : memref<80x128xf32, #tpu.memory_space<vmem>>, vector<1x16xf32>,
        %get3A_320 = vector.shape_cast %get3A_319 : vector<1x16xf32> to vector<16xf32>
        %get3A_321 = arith.index_cast %scan3A_220 : i32 to index
        %get3A_322 = arith.constant 112 : index
        %get3A_323 = tpu.vector_load %arg13[%get3A_321, %get3A_322] {strides = array<i32>} : memref<80x128xf32, #tpu.memory_space<vmem>>, vector<1x16xf32>,
        %get3A_324 = vector.shape_cast %get3A_323 : vector<1x16xf32> to vector<16xf32>
        %mul3A_325 = arith.mulf %get3A_320, %get3A_324 : vector<16xf32>
        %swap3A_326 = arith.index_cast %scan3A_220 : i32 to index
        %swap3A_327 = arith.constant 112 : index
        %swap3A_328 = tpu.vector_load %arg13[%swap3A_326, %swap3A_327] {strides = array<i32>} : memref<80x128xf32, #tpu.memory_space<vmem>>, vector<1x16xf32>,
        %swap3A_329 = vector.shape_cast %swap3A_328 : vector<1x16xf32> to vector<16xf32>
        %swap3A_330 = vector.shape_cast %mul3A_325 : vector<16xf32> to vector<1x16xf32>
        tpu.vector_store %arg13[%swap3A_326, %swap3A_327], %swap3A_330 {strides = array<i32>} : memref<80x128xf32, #tpu.memory_space<vmem>>, vector<1x16xf32>,
      }
      %scan3A_114 = arith.constant 80 : i32
      %dma_start3A_115 = arith.constant 0 : i32
      %dma_start3A_116 = arith.constant 0 : i32
      %dma_start3A_117 = tpu.memref_slice %arg17[%dma_start3A_115, %dma_start3A_116] : memref<10240x128xf32, #tpu.memory_space<vmem_shared>> -> memref<10240x128xf32, #tpu.memory_space<vmem_shared>>
      tpu.enqueue_indirect_dma source(%arg13 : memref<80x128xf32, #tpu.memory_space<vmem>>) target(%dma_start3A_117 : memref<10240x128xf32, #tpu.memory_space<vmem_shared>>) offsets(%arg9 : memref<80xi32, #tpu.memory_space<vmem>>) semaphore(%arg28 : memref<!tpu.dma_semaphore, #tpu.memory_space<semaphore_mem>>) {add = true}
      %add3A_118 = arith.constant 2 : i32
      %add3A_119 = arith.addi %add3A_96, %add3A_118 : i32
      %lt3A_120 = arith.cmpi slt, %add3A_119, %select_n3A : i32
      %convert_element_type3A_121 = arith.extui %lt3A_120 : i1 to i32
      %cond3A_122 = arith.constant 0 : i32
      %cond3A_123 = arith.cmpi ne, %convert_element_type3A_121, %cond3A_122 : i32
      scf.if %cond3A_123 {
        %add3A_220 = arith.constant 2 : i32
        %add3A_221 = arith.addi %add3A_96, %add3A_220 : i32
        %mul3A_222 = arith.constant 80 : i32
        %mul3A_223 = arith.muli %add3A_221, %mul3A_222 : i32
        %add3A_224 = arith.addi %mul3A_2, %mul3A_223 : i32
        %dma_start3A_225 = tpu.memref_slice %arg2[%add3A_224] : memref<320000xi32, #tpu.memory_space<hbm>> -> memref<80xi32, #tpu.memory_space<hbm>>
        %dma_start3A_226 = tpu.memref_slice %arg2[%add3A_224] : memref<320000xi32, #tpu.memory_space<hbm>> -> memref<80xi32, #tpu.memory_space<hbm>>
        tpu.enqueue_dma source(%dma_start3A_226 : memref<80xi32, #tpu.memory_space<hbm>>) target(%arg7 : memref<80xi32, #tpu.memory_space<vmem>>) target_semaphore(%arg18 : memref<!tpu.dma_semaphore, #tpu.memory_space<semaphore_mem>>)
        %dma_start3A_227 = tpu.memref_slice %arg3[%add3A_224] : memref<320000xi32, #tpu.memory_space<hbm>> -> memref<80xi32, #tpu.memory_space<hbm>>
        %dma_start3A_228 = tpu.memref_slice %arg3[%add3A_224] : memref<320000xi32, #tpu.memory_space<hbm>> -> memref<80xi32, #tpu.memory_space<hbm>>
        tpu.enqueue_dma source(%dma_start3A_228 : memref<80xi32, #tpu.memory_space<hbm>>) target(%arg11 : memref<80xi32, #tpu.memory_space<vmem>>) target_semaphore(%arg22 : memref<!tpu.dma_semaphore, #tpu.memory_space<semaphore_mem>>)
      } else {
      }
      %add3A_124 = arith.constant 1 : i32
      %add3A_125 = arith.addi %mul3A_94, %add3A_124 : i32
      %add3A_126 = arith.constant 1 : i32
      %add3A_127 = arith.addi %add3A_125, %add3A_126 : i32
      %lt3A_128 = arith.cmpi slt, %add3A_127, %select_n3A : i32
      %convert_element_type3A_129 = arith.extui %lt3A_128 : i1 to i32
      %cond3A_130 = arith.constant 0 : i32
      %cond3A_131 = arith.cmpi ne, %convert_element_type3A_129, %cond3A_130 : i32
      scf.if %cond3A_131 {
        %dma_wait3A_220 = arith.constant 0 : i32
        %dma_wait3A_221 = tpu.memref_slice %arg2[%dma_wait3A_220] : memref<320000xi32, #tpu.memory_space<hbm>> -> memref<80xi32, #tpu.memory_space<hbm>>
        %dma_wait3A_222 = arith.constant 0 : i32
        %dma_wait3A_223 = tpu.memref_slice %arg2[%dma_wait3A_222] : memref<320000xi32, #tpu.memory_space<hbm>> -> memref<80xi32, #tpu.memory_space<hbm>>
        tpu.wait_dma2 semaphore(%arg18 : memref<!tpu.dma_semaphore, #tpu.memory_space<semaphore_mem>>) src(%dma_wait3A_223 : memref<80xi32, #tpu.memory_space<hbm>>) dst(%arg7 : memref<80xi32, #tpu.memory_space<vmem>>)
        %dma_wait3A_224 = arith.constant 0 : i32
        %dma_wait3A_225 = tpu.memref_slice %arg3[%dma_wait3A_224] : memref<320000xi32, #tpu.memory_space<hbm>> -> memref<80xi32, #tpu.memory_space<hbm>>
        %dma_wait3A_226 = arith.constant 0 : i32
        %dma_wait3A_227 = tpu.memref_slice %arg3[%dma_wait3A_226] : memref<320000xi32, #tpu.memory_space<hbm>> -> memref<80xi32, #tpu.memory_space<hbm>>
        tpu.wait_dma2 semaphore(%arg22 : memref<!tpu.dma_semaphore, #tpu.memory_space<semaphore_mem>>) src(%dma_wait3A_227 : memref<80xi32, #tpu.memory_space<hbm>>) dst(%arg11 : memref<80xi32, #tpu.memory_space<vmem>>)
        %ge3A = arith.constant 1 : i32
        %ge3A_228 = arith.cmpi sge, %add3A_125, %ge3A : i32
        %convert_element_type3A_229 = arith.extui %ge3A_228 : i1 to i32
        %cond3A_230 = arith.constant 0 : i32
        %cond3A_231 = arith.cmpi ne, %convert_element_type3A_229, %cond3A_230 : i32
        scf.if %cond3A_231 {
          %dma_wait3A_244 = arith.constant 0 : i32
          %dma_wait3A_245 = arith.constant 0 : i32
          %dma_wait3A_246 = tpu.memref_slice %arg17[%dma_wait3A_244, %dma_wait3A_245] : memref<10240x128xf32, #tpu.memory_space<vmem_shared>> -> memref<10240x128xf32, #tpu.memory_space<vmem_shared>>
          tpu.wait_indirect_dma semaphore(%arg28 : memref<!tpu.dma_semaphore, #tpu.memory_space<semaphore_mem>>) src(%arg13 : memref<80x128xf32, #tpu.memory_space<vmem>>) dst(%dma_wait3A_246 : memref<10240x128xf32, #tpu.memory_space<vmem_shared>>)
        } else {
        }
        %dma_start3A_232 = arith.constant 0 : i32
        %dma_start3A_233 = arith.constant 0 : i32
        %dma_start3A_234 = tpu.memref_slice %arg4[%dma_start3A_232, %dma_start3A_233] : memref<10000x128xf32, #tpu.memory_space<hbm>> -> memref<10000x128xf32, #tpu.memory_space<hbm>>
        tpu.enqueue_indirect_dma source(%dma_start3A_234 : memref<10000x128xf32, #tpu.memory_space<hbm>>) target(%arg13 : memref<80x128xf32, #tpu.memory_space<vmem>>) offsets(%arg7 : memref<80xi32, #tpu.memory_space<vmem>>) semaphore(%arg24 : memref<!tpu.dma_semaphore, #tpu.memory_space<semaphore_mem>>)
        %add3A_235 = arith.constant 1 : i32
        %add3A_236 = arith.addi %add3A_125, %add3A_235 : i32
        %mul3A_237 = arith.constant 80 : i32
        %mul3A_238 = arith.muli %add3A_236, %mul3A_237 : i32
        %add3A_239 = arith.addi %mul3A_2, %mul3A_238 : i32
        %dma_start3A_240 = arith.constant 0 : i32
        %dma_start3A_241 = tpu.memref_slice %arg5[%add3A_239, %dma_start3A_240] : memref<320000x128xf32, #tpu.memory_space<hbm>> -> memref<80x128xf32, #tpu.memory_space<hbm>>
        %dma_start3A_242 = arith.constant 0 : i32
        %dma_start3A_243 = tpu.memref_slice %arg5[%add3A_239, %dma_start3A_242] : memref<320000x128xf32, #tpu.memory_space<hbm>> -> memref<80x128xf32, #tpu.memory_space<hbm>>
        tpu.enqueue_dma source(%dma_start3A_243 : memref<80x128xf32, #tpu.memory_space<hbm>>) target(%arg15 : memref<80x128xf32, #tpu.memory_space<vmem>>) target_semaphore(%arg26 : memref<!tpu.dma_semaphore, #tpu.memory_space<semaphore_mem>>)
      } else {
      }
      %dma_wait3A_132 = arith.constant 0 : i32
      %dma_wait3A_133 = arith.constant 0 : i32
      %dma_wait3A_134 = tpu.memref_slice %arg4[%dma_wait3A_132, %dma_wait3A_133] : memref<10000x128xf32, #tpu.memory_space<hbm>> -> memref<10000x128xf32, #tpu.memory_space<hbm>>
      tpu.wait_indirect_dma semaphore(%arg25 : memref<!tpu.dma_semaphore, #tpu.memory_space<semaphore_mem>>) src(%dma_wait3A_134 : memref<10000x128xf32, #tpu.memory_space<hbm>>) dst(%arg14 : memref<80x128xf32, #tpu.memory_space<vmem>>)
      %dma_wait3A_135 = arith.constant 0 : i32
      %dma_wait3A_136 = arith.constant 0 : i32
      %dma_wait3A_137 = tpu.memref_slice %arg5[%dma_wait3A_135, %dma_wait3A_136] : memref<320000x128xf32, #tpu.memory_space<hbm>> -> memref<80x128xf32, #tpu.memory_space<hbm>>
      %dma_wait3A_138 = arith.constant 0 : i32
      %dma_wait3A_139 = arith.constant 0 : i32
      %dma_wait3A_140 = tpu.memref_slice %arg5[%dma_wait3A_138, %dma_wait3A_139] : memref<320000x128xf32, #tpu.memory_space<hbm>> -> memref<80x128xf32, #tpu.memory_space<hbm>>
      tpu.wait_dma2 semaphore(%arg27 : memref<!tpu.dma_semaphore, #tpu.memory_space<semaphore_mem>>) src(%dma_wait3A_140 : memref<80x128xf32, #tpu.memory_space<hbm>>) dst(%arg16 : memref<80x128xf32, #tpu.memory_space<vmem>>)
      %scan3A_141 = arith.constant 0 : i32
      %scan3A_142 = arith.constant 0 : i32
      %scan3A_143 = arith.constant 80 : i32
      %scan3A_144 = arith.addi %scan3A_142, %scan3A_143 : i32
      %scan3A_145 = arith.constant 1 : i32
      scf.for %scan3A_220 = %scan3A_142 to %scan3A_144 step %scan3A_145  : i32 {
        %get3A = arith.index_cast %scan3A_220 : i32 to index
        %get3A_221 = arith.constant 0 : index
        %get3A_222 = tpu.vector_load %arg16[%get3A, %get3A_221] {strides = array<i32>} : memref<80x128xf32, #tpu.memory_space<vmem>>, vector<1x16xf32>,
        %get3A_223 = vector.shape_cast %get3A_222 : vector<1x16xf32> to vector<16xf32>
        %get3A_224 = arith.index_cast %scan3A_220 : i32 to index
        %get3A_225 = arith.constant 0 : index
        %get3A_226 = tpu.vector_load %arg14[%get3A_224, %get3A_225] {strides = array<i32>} : memref<80x128xf32, #tpu.memory_space<vmem>>, vector<1x16xf32>,
        %get3A_227 = vector.shape_cast %get3A_226 : vector<1x16xf32> to vector<16xf32>
        %mul3A_228 = arith.mulf %get3A_223, %get3A_227 : vector<16xf32>
        %swap3A = arith.index_cast %scan3A_220 : i32 to index
        %swap3A_229 = arith.constant 0 : index
        %swap3A_230 = tpu.vector_load %arg14[%swap3A, %swap3A_229] {strides = array<i32>} : memref<80x128xf32, #tpu.memory_space<vmem>>, vector<1x16xf32>,
        %swap3A_231 = vector.shape_cast %swap3A_230 : vector<1x16xf32> to vector<16xf32>
        %swap3A_232 = vector.shape_cast %mul3A_228 : vector<16xf32> to vector<1x16xf32>
        tpu.vector_store %arg14[%swap3A, %swap3A_229], %swap3A_232 {strides = array<i32>} : memref<80x128xf32, #tpu.memory_space<vmem>>, vector<1x16xf32>,
        %get3A_233 = arith.index_cast %scan3A_220 : i32 to index
        %get3A_234 = arith.constant 16 : index
        %get3A_235 = tpu.vector_load %arg16[%get3A_233, %get3A_234] {strides = array<i32>} : memref<80x128xf32, #tpu.memory_space<vmem>>, vector<1x16xf32>,
        %get3A_236 = vector.shape_cast %get3A_235 : vector<1x16xf32> to vector<16xf32>
        %get3A_237 = arith.index_cast %scan3A_220 : i32 to index
        %get3A_238 = arith.constant 16 : index
        %get3A_239 = tpu.vector_load %arg14[%get3A_237, %get3A_238] {strides = array<i32>} : memref<80x128xf32, #tpu.memory_space<vmem>>, vector<1x16xf32>,
        %get3A_240 = vector.shape_cast %get3A_239 : vector<1x16xf32> to vector<16xf32>
        %mul3A_241 = arith.mulf %get3A_236, %get3A_240 : vector<16xf32>
        %swap3A_242 = arith.index_cast %scan3A_220 : i32 to index
        %swap3A_243 = arith.constant 16 : index
        %swap3A_244 = tpu.vector_load %arg14[%swap3A_242, %swap3A_243] {strides = array<i32>} : memref<80x128xf32, #tpu.memory_space<vmem>>, vector<1x16xf32>,
        %swap3A_245 = vector.shape_cast %swap3A_244 : vector<1x16xf32> to vector<16xf32>
        %swap3A_246 = vector.shape_cast %mul3A_241 : vector<16xf32> to vector<1x16xf32>
        tpu.vector_store %arg14[%swap3A_242, %swap3A_243], %swap3A_246 {strides = array<i32>} : memref<80x128xf32, #tpu.memory_space<vmem>>, vector<1x16xf32>,
        %get3A_247 = arith.index_cast %scan3A_220 : i32 to index
        %get3A_248 = arith.constant 32 : index
        %get3A_249 = tpu.vector_load %arg16[%get3A_247, %get3A_248] {strides = array<i32>} : memref<80x128xf32, #tpu.memory_space<vmem>>, vector<1x16xf32>,
        %get3A_250 = vector.shape_cast %get3A_249 : vector<1x16xf32> to vector<16xf32>
        %get3A_251 = arith.index_cast %scan3A_220 : i32 to index
        %get3A_252 = arith.constant 32 : index
        %get3A_253 = tpu.vector_load %arg14[%get3A_251, %get3A_252] {strides = array<i32>} : memref<80x128xf32, #tpu.memory_space<vmem>>, vector<1x16xf32>,
        %get3A_254 = vector.shape_cast %get3A_253 : vector<1x16xf32> to vector<16xf32>
        %mul3A_255 = arith.mulf %get3A_250, %get3A_254 : vector<16xf32>
        %swap3A_256 = arith.index_cast %scan3A_220 : i32 to index
        %swap3A_257 = arith.constant 32 : index
        %swap3A_258 = tpu.vector_load %arg14[%swap3A_256, %swap3A_257] {strides = array<i32>} : memref<80x128xf32, #tpu.memory_space<vmem>>, vector<1x16xf32>,
        %swap3A_259 = vector.shape_cast %swap3A_258 : vector<1x16xf32> to vector<16xf32>
        %swap3A_260 = vector.shape_cast %mul3A_255 : vector<16xf32> to vector<1x16xf32>
        tpu.vector_store %arg14[%swap3A_256, %swap3A_257], %swap3A_260 {strides = array<i32>} : memref<80x128xf32, #tpu.memory_space<vmem>>, vector<1x16xf32>,
        %get3A_261 = arith.index_cast %scan3A_220 : i32 to index
        %get3A_262 = arith.constant 48 : index
        %get3A_263 = tpu.vector_load %arg16[%get3A_261, %get3A_262] {strides = array<i32>} : memref<80x128xf32, #tpu.memory_space<vmem>>, vector<1x16xf32>,
        %get3A_264 = vector.shape_cast %get3A_263 : vector<1x16xf32> to vector<16xf32>
        %get3A_265 = arith.index_cast %scan3A_220 : i32 to index
        %get3A_266 = arith.constant 48 : index
        %get3A_267 = tpu.vector_load %arg14[%get3A_265, %get3A_266] {strides = array<i32>} : memref<80x128xf32, #tpu.memory_space<vmem>>, vector<1x16xf32>,
        %get3A_268 = vector.shape_cast %get3A_267 : vector<1x16xf32> to vector<16xf32>
        %mul3A_269 = arith.mulf %get3A_264, %get3A_268 : vector<16xf32>
        %swap3A_270 = arith.index_cast %scan3A_220 : i32 to index
        %swap3A_271 = arith.constant 48 : index
        %swap3A_272 = tpu.vector_load %arg14[%swap3A_270, %swap3A_271] {strides = array<i32>} : memref<80x128xf32, #tpu.memory_space<vmem>>, vector<1x16xf32>,
        %swap3A_273 = vector.shape_cast %swap3A_272 : vector<1x16xf32> to vector<16xf32>
        %swap3A_274 = vector.shape_cast %mul3A_269 : vector<16xf32> to vector<1x16xf32>
        tpu.vector_store %arg14[%swap3A_270, %swap3A_271], %swap3A_274 {strides = array<i32>} : memref<80x128xf32, #tpu.memory_space<vmem>>, vector<1x16xf32>,
        %get3A_275 = arith.index_cast %scan3A_220 : i32 to index
        %get3A_276 = arith.constant 64 : index
        %get3A_277 = tpu.vector_load %arg16[%get3A_275, %get3A_276] {strides = array<i32>} : memref<80x128xf32, #tpu.memory_space<vmem>>, vector<1x16xf32>,
        %get3A_278 = vector.shape_cast %get3A_277 : vector<1x16xf32> to vector<16xf32>
        %get3A_279 = arith.index_cast %scan3A_220 : i32 to index
        %get3A_280 = arith.constant 64 : index
        %get3A_281 = tpu.vector_load %arg14[%get3A_279, %get3A_280] {strides = array<i32>} : memref<80x128xf32, #tpu.memory_space<vmem>>, vector<1x16xf32>,
        %get3A_282 = vector.shape_cast %get3A_281 : vector<1x16xf32> to vector<16xf32>
        %mul3A_283 = arith.mulf %get3A_278, %get3A_282 : vector<16xf32>
        %swap3A_284 = arith.index_cast %scan3A_220 : i32 to index
        %swap3A_285 = arith.constant 64 : index
        %swap3A_286 = tpu.vector_load %arg14[%swap3A_284, %swap3A_285] {strides = array<i32>} : memref<80x128xf32, #tpu.memory_space<vmem>>, vector<1x16xf32>,
        %swap3A_287 = vector.shape_cast %swap3A_286 : vector<1x16xf32> to vector<16xf32>
        %swap3A_288 = vector.shape_cast %mul3A_283 : vector<16xf32> to vector<1x16xf32>
        tpu.vector_store %arg14[%swap3A_284, %swap3A_285], %swap3A_288 {strides = array<i32>} : memref<80x128xf32, #tpu.memory_space<vmem>>, vector<1x16xf32>,
        %get3A_289 = arith.index_cast %scan3A_220 : i32 to index
        %get3A_290 = arith.constant 80 : index
        %get3A_291 = tpu.vector_load %arg16[%get3A_289, %get3A_290] {strides = array<i32>} : memref<80x128xf32, #tpu.memory_space<vmem>>, vector<1x16xf32>,
        %get3A_292 = vector.shape_cast %get3A_291 : vector<1x16xf32> to vector<16xf32>
        %get3A_293 = arith.index_cast %scan3A_220 : i32 to index
        %get3A_294 = arith.constant 80 : index
        %get3A_295 = tpu.vector_load %arg14[%get3A_293, %get3A_294] {strides = array<i32>} : memref<80x128xf32, #tpu.memory_space<vmem>>, vector<1x16xf32>,
        %get3A_296 = vector.shape_cast %get3A_295 : vector<1x16xf32> to vector<16xf32>
        %mul3A_297 = arith.mulf %get3A_292, %get3A_296 : vector<16xf32>
        %swap3A_298 = arith.index_cast %scan3A_220 : i32 to index
        %swap3A_299 = arith.constant 80 : index
        %swap3A_300 = tpu.vector_load %arg14[%swap3A_298, %swap3A_299] {strides = array<i32>} : memref<80x128xf32, #tpu.memory_space<vmem>>, vector<1x16xf32>,
        %swap3A_301 = vector.shape_cast %swap3A_300 : vector<1x16xf32> to vector<16xf32>
        %swap3A_302 = vector.shape_cast %mul3A_297 : vector<16xf32> to vector<1x16xf32>
        tpu.vector_store %arg14[%swap3A_298, %swap3A_299], %swap3A_302 {strides = array<i32>} : memref<80x128xf32, #tpu.memory_space<vmem>>, vector<1x16xf32>,
        %get3A_303 = arith.index_cast %scan3A_220 : i32 to index
        %get3A_304 = arith.constant 96 : index
        %get3A_305 = tpu.vector_load %arg16[%get3A_303, %get3A_304] {strides = array<i32>} : memref<80x128xf32, #tpu.memory_space<vmem>>, vector<1x16xf32>,
        %get3A_306 = vector.shape_cast %get3A_305 : vector<1x16xf32> to vector<16xf32>
        %get3A_307 = arith.index_cast %scan3A_220 : i32 to index
        %get3A_308 = arith.constant 96 : index
        %get3A_309 = tpu.vector_load %arg14[%get3A_307, %get3A_308] {strides = array<i32>} : memref<80x128xf32, #tpu.memory_space<vmem>>, vector<1x16xf32>,
        %get3A_310 = vector.shape_cast %get3A_309 : vector<1x16xf32> to vector<16xf32>
        %mul3A_311 = arith.mulf %get3A_306, %get3A_310 : vector<16xf32>
        %swap3A_312 = arith.index_cast %scan3A_220 : i32 to index
        %swap3A_313 = arith.constant 96 : index
        %swap3A_314 = tpu.vector_load %arg14[%swap3A_312, %swap3A_313] {strides = array<i32>} : memref<80x128xf32, #tpu.memory_space<vmem>>, vector<1x16xf32>,
        %swap3A_315 = vector.shape_cast %swap3A_314 : vector<1x16xf32> to vector<16xf32>
        %swap3A_316 = vector.shape_cast %mul3A_311 : vector<16xf32> to vector<1x16xf32>
        tpu.vector_store %arg14[%swap3A_312, %swap3A_313], %swap3A_316 {strides = array<i32>} : memref<80x128xf32, #tpu.memory_space<vmem>>, vector<1x16xf32>,
        %get3A_317 = arith.index_cast %scan3A_220 : i32 to index
        %get3A_318 = arith.constant 112 : index
        %get3A_319 = tpu.vector_load %arg16[%get3A_317, %get3A_318] {strides = array<i32>} : memref<80x128xf32, #tpu.memory_space<vmem>>, vector<1x16xf32>,
        %get3A_320 = vector.shape_cast %get3A_319 : vector<1x16xf32> to vector<16xf32>
        %get3A_321 = arith.index_cast %scan3A_220 : i32 to index
        %get3A_322 = arith.constant 112 : index
        %get3A_323 = tpu.vector_load %arg14[%get3A_321, %get3A_322] {strides = array<i32>} : memref<80x128xf32, #tpu.memory_space<vmem>>, vector<1x16xf32>,
        %get3A_324 = vector.shape_cast %get3A_323 : vector<1x16xf32> to vector<16xf32>
        %mul3A_325 = arith.mulf %get3A_320, %get3A_324 : vector<16xf32>
        %swap3A_326 = arith.index_cast %scan3A_220 : i32 to index
        %swap3A_327 = arith.constant 112 : index
        %swap3A_328 = tpu.vector_load %arg14[%swap3A_326, %swap3A_327] {strides = array<i32>} : memref<80x128xf32, #tpu.memory_space<vmem>>, vector<1x16xf32>,
        %swap3A_329 = vector.shape_cast %swap3A_328 : vector<1x16xf32> to vector<16xf32>
        %swap3A_330 = vector.shape_cast %mul3A_325 : vector<16xf32> to vector<1x16xf32>
        tpu.vector_store %arg14[%swap3A_326, %swap3A_327], %swap3A_330 {strides = array<i32>} : memref<80x128xf32, #tpu.memory_space<vmem>>, vector<1x16xf32>,
      }
      %scan3A_146 = arith.constant 80 : i32
      %dma_start3A_147 = arith.constant 0 : i32
      %dma_start3A_148 = arith.constant 0 : i32
      %dma_start3A_149 = tpu.memref_slice %arg17[%dma_start3A_147, %dma_start3A_148] : memref<10240x128xf32, #tpu.memory_space<vmem_shared>> -> memref<10240x128xf32, #tpu.memory_space<vmem_shared>>
      tpu.enqueue_indirect_dma source(%arg14 : memref<80x128xf32, #tpu.memory_space<vmem>>) target(%dma_start3A_149 : memref<10240x128xf32, #tpu.memory_space<vmem_shared>>) offsets(%arg10 : memref<80xi32, #tpu.memory_space<vmem>>) semaphore(%arg29 : memref<!tpu.dma_semaphore, #tpu.memory_space<semaphore_mem>>) {add = true}
      %add3A_150 = arith.constant 2 : i32
      %add3A_151 = arith.addi %add3A_125, %add3A_150 : i32
      %lt3A_152 = arith.cmpi slt, %add3A_151, %select_n3A : i32
      %convert_element_type3A_153 = arith.extui %lt3A_152 : i1 to i32
      %cond3A_154 = arith.constant 0 : i32
      %cond3A_155 = arith.cmpi ne, %convert_element_type3A_153, %cond3A_154 : i32
      scf.if %cond3A_155 {
        %add3A_220 = arith.constant 2 : i32
        %add3A_221 = arith.addi %add3A_125, %add3A_220 : i32
        %mul3A_222 = arith.constant 80 : i32
        %mul3A_223 = arith.muli %add3A_221, %mul3A_222 : i32
        %add3A_224 = arith.addi %mul3A_2, %mul3A_223 : i32
        %dma_start3A_225 = tpu.memref_slice %arg2[%add3A_224] : memref<320000xi32, #tpu.memory_space<hbm>> -> memref<80xi32, #tpu.memory_space<hbm>>
        %dma_start3A_226 = tpu.memref_slice %arg2[%add3A_224] : memref<320000xi32, #tpu.memory_space<hbm>> -> memref<80xi32, #tpu.memory_space<hbm>>
        tpu.enqueue_dma source(%dma_start3A_226 : memref<80xi32, #tpu.memory_space<hbm>>) target(%arg8 : memref<80xi32, #tpu.memory_space<vmem>>) target_semaphore(%arg19 : memref<!tpu.dma_semaphore, #tpu.memory_space<semaphore_mem>>)
        %dma_start3A_227 = tpu.memref_slice %arg3[%add3A_224] : memref<320000xi32, #tpu.memory_space<hbm>> -> memref<80xi32, #tpu.memory_space<hbm>>
        %dma_start3A_228 = tpu.memref_slice %arg3[%add3A_224] : memref<320000xi32, #tpu.memory_space<hbm>> -> memref<80xi32, #tpu.memory_space<hbm>>
        tpu.enqueue_dma source(%dma_start3A_228 : memref<80xi32, #tpu.memory_space<hbm>>) target(%arg12 : memref<80xi32, #tpu.memory_space<vmem>>) target_semaphore(%arg23 : memref<!tpu.dma_semaphore, #tpu.memory_space<semaphore_mem>>)
      } else {
      }
      %add3A_156 = arith.constant 2 : i32
      %add3A_157 = arith.addi %mul3A_94, %add3A_156 : i32
      %add3A_158 = arith.constant 1 : i32
      %add3A_159 = arith.addi %add3A_157, %add3A_158 : i32
      %lt3A_160 = arith.cmpi slt, %add3A_159, %select_n3A : i32
      %convert_element_type3A_161 = arith.extui %lt3A_160 : i1 to i32
      %cond3A_162 = arith.constant 0 : i32
      %cond3A_163 = arith.cmpi ne, %convert_element_type3A_161, %cond3A_162 : i32
      scf.if %cond3A_163 {
        %dma_wait3A_220 = arith.constant 0 : i32
        %dma_wait3A_221 = tpu.memref_slice %arg2[%dma_wait3A_220] : memref<320000xi32, #tpu.memory_space<hbm>> -> memref<80xi32, #tpu.memory_space<hbm>>
        %dma_wait3A_222 = arith.constant 0 : i32
        %dma_wait3A_223 = tpu.memref_slice %arg2[%dma_wait3A_222] : memref<320000xi32, #tpu.memory_space<hbm>> -> memref<80xi32, #tpu.memory_space<hbm>>
        tpu.wait_dma2 semaphore(%arg19 : memref<!tpu.dma_semaphore, #tpu.memory_space<semaphore_mem>>) src(%dma_wait3A_223 : memref<80xi32, #tpu.memory_space<hbm>>) dst(%arg8 : memref<80xi32, #tpu.memory_space<vmem>>)
        %dma_wait3A_224 = arith.constant 0 : i32
        %dma_wait3A_225 = tpu.memref_slice %arg3[%dma_wait3A_224] : memref<320000xi32, #tpu.memory_space<hbm>> -> memref<80xi32, #tpu.memory_space<hbm>>
        %dma_wait3A_226 = arith.constant 0 : i32
        %dma_wait3A_227 = tpu.memref_slice %arg3[%dma_wait3A_226] : memref<320000xi32, #tpu.memory_space<hbm>> -> memref<80xi32, #tpu.memory_space<hbm>>
        tpu.wait_dma2 semaphore(%arg23 : memref<!tpu.dma_semaphore, #tpu.memory_space<semaphore_mem>>) src(%dma_wait3A_227 : memref<80xi32, #tpu.memory_space<hbm>>) dst(%arg12 : memref<80xi32, #tpu.memory_space<vmem>>)
        %ge3A = arith.constant 1 : i32
        %ge3A_228 = arith.cmpi sge, %add3A_157, %ge3A : i32
        %convert_element_type3A_229 = arith.extui %ge3A_228 : i1 to i32
        %cond3A_230 = arith.constant 0 : i32
        %cond3A_231 = arith.cmpi ne, %convert_element_type3A_229, %cond3A_230 : i32
        scf.if %cond3A_231 {
          %dma_wait3A_244 = arith.constant 0 : i32
          %dma_wait3A_245 = arith.constant 0 : i32
          %dma_wait3A_246 = tpu.memref_slice %arg17[%dma_wait3A_244, %dma_wait3A_245] : memref<10240x128xf32, #tpu.memory_space<vmem_shared>> -> memref<10240x128xf32, #tpu.memory_space<vmem_shared>>
          tpu.wait_indirect_dma semaphore(%arg29 : memref<!tpu.dma_semaphore, #tpu.memory_space<semaphore_mem>>) src(%arg14 : memref<80x128xf32, #tpu.memory_space<vmem>>) dst(%dma_wait3A_246 : memref<10240x128xf32, #tpu.memory_space<vmem_shared>>)
        } else {
        }
        %dma_start3A_232 = arith.constant 0 : i32
        %dma_start3A_233 = arith.constant 0 : i32
        %dma_start3A_234 = tpu.memref_slice %arg4[%dma_start3A_232, %dma_start3A_233] : memref<10000x128xf32, #tpu.memory_space<hbm>> -> memref<10000x128xf32, #tpu.memory_space<hbm>>
        tpu.enqueue_indirect_dma source(%dma_start3A_234 : memref<10000x128xf32, #tpu.memory_space<hbm>>) target(%arg14 : memref<80x128xf32, #tpu.memory_space<vmem>>) offsets(%arg8 : memref<80xi32, #tpu.memory_space<vmem>>) semaphore(%arg25 : memref<!tpu.dma_semaphore, #tpu.memory_space<semaphore_mem>>)
        %add3A_235 = arith.constant 1 : i32
        %add3A_236 = arith.addi %add3A_157, %add3A_235 : i32
        %mul3A_237 = arith.constant 80 : i32
        %mul3A_238 = arith.muli %add3A_236, %mul3A_237 : i32
        %add3A_239 = arith.addi %mul3A_2, %mul3A_238 : i32
        %dma_start3A_240 = arith.constant 0 : i32
        %dma_start3A_241 = tpu.memref_slice %arg5[%add3A_239, %dma_start3A_240] : memref<320000x128xf32, #tpu.memory_space<hbm>> -> memref<80x128xf32, #tpu.memory_space<hbm>>
        %dma_start3A_242 = arith.constant 0 : i32
        %dma_start3A_243 = tpu.memref_slice %arg5[%add3A_239, %dma_start3A_242] : memref<320000x128xf32, #tpu.memory_space<hbm>> -> memref<80x128xf32, #tpu.memory_space<hbm>>
        tpu.enqueue_dma source(%dma_start3A_243 : memref<80x128xf32, #tpu.memory_space<hbm>>) target(%arg16 : memref<80x128xf32, #tpu.memory_space<vmem>>) target_semaphore(%arg27 : memref<!tpu.dma_semaphore, #tpu.memory_space<semaphore_mem>>)
      } else {
      }
      %dma_wait3A_164 = arith.constant 0 : i32
      %dma_wait3A_165 = arith.constant 0 : i32
      %dma_wait3A_166 = tpu.memref_slice %arg4[%dma_wait3A_164, %dma_wait3A_165] : memref<10000x128xf32, #tpu.memory_space<hbm>> -> memref<10000x128xf32, #tpu.memory_space<hbm>>
      tpu.wait_indirect_dma semaphore(%arg24 : memref<!tpu.dma_semaphore, #tpu.memory_space<semaphore_mem>>) src(%dma_wait3A_166 : memref<10000x128xf32, #tpu.memory_space<hbm>>) dst(%arg13 : memref<80x128xf32, #tpu.memory_space<vmem>>)
      %dma_wait3A_167 = arith.constant 0 : i32
      %dma_wait3A_168 = arith.constant 0 : i32
      %dma_wait3A_169 = tpu.memref_slice %arg5[%dma_wait3A_167, %dma_wait3A_168] : memref<320000x128xf32, #tpu.memory_space<hbm>> -> memref<80x128xf32, #tpu.memory_space<hbm>>
      %dma_wait3A_170 = arith.constant 0 : i32
      %dma_wait3A_171 = arith.constant 0 : i32
      %dma_wait3A_172 = tpu.memref_slice %arg5[%dma_wait3A_170, %dma_wait3A_171] : memref<320000x128xf32, #tpu.memory_space<hbm>> -> memref<80x128xf32, #tpu.memory_space<hbm>>
      tpu.wait_dma2 semaphore(%arg26 : memref<!tpu.dma_semaphore, #tpu.memory_space<semaphore_mem>>) src(%dma_wait3A_172 : memref<80x128xf32, #tpu.memory_space<hbm>>) dst(%arg15 : memref<80x128xf32, #tpu.memory_space<vmem>>)
      %scan3A_173 = arith.constant 0 : i32
      %scan3A_174 = arith.constant 0 : i32
      %scan3A_175 = arith.constant 80 : i32
      %scan3A_176 = arith.addi %scan3A_174, %scan3A_175 : i32
      %scan3A_177 = arith.constant 1 : i32
      scf.for %scan3A_220 = %scan3A_174 to %scan3A_176 step %scan3A_177  : i32 {
        %get3A = arith.index_cast %scan3A_220 : i32 to index
        %get3A_221 = arith.constant 0 : index
        %get3A_222 = tpu.vector_load %arg15[%get3A, %get3A_221] {strides = array<i32>} : memref<80x128xf32, #tpu.memory_space<vmem>>, vector<1x16xf32>,
        %get3A_223 = vector.shape_cast %get3A_222 : vector<1x16xf32> to vector<16xf32>
        %get3A_224 = arith.index_cast %scan3A_220 : i32 to index
        %get3A_225 = arith.constant 0 : index
        %get3A_226 = tpu.vector_load %arg13[%get3A_224, %get3A_225] {strides = array<i32>} : memref<80x128xf32, #tpu.memory_space<vmem>>, vector<1x16xf32>,
        %get3A_227 = vector.shape_cast %get3A_226 : vector<1x16xf32> to vector<16xf32>
        %mul3A_228 = arith.mulf %get3A_223, %get3A_227 : vector<16xf32>
        %swap3A = arith.index_cast %scan3A_220 : i32 to index
        %swap3A_229 = arith.constant 0 : index
        %swap3A_230 = tpu.vector_load %arg13[%swap3A, %swap3A_229] {strides = array<i32>} : memref<80x128xf32, #tpu.memory_space<vmem>>, vector<1x16xf32>,
        %swap3A_231 = vector.shape_cast %swap3A_230 : vector<1x16xf32> to vector<16xf32>
        %swap3A_232 = vector.shape_cast %mul3A_228 : vector<16xf32> to vector<1x16xf32>
        tpu.vector_store %arg13[%swap3A, %swap3A_229], %swap3A_232 {strides = array<i32>} : memref<80x128xf32, #tpu.memory_space<vmem>>, vector<1x16xf32>,
        %get3A_233 = arith.index_cast %scan3A_220 : i32 to index
        %get3A_234 = arith.constant 16 : index
        %get3A_235 = tpu.vector_load %arg15[%get3A_233, %get3A_234] {strides = array<i32>} : memref<80x128xf32, #tpu.memory_space<vmem>>, vector<1x16xf32>,
        %get3A_236 = vector.shape_cast %get3A_235 : vector<1x16xf32> to vector<16xf32>
        %get3A_237 = arith.index_cast %scan3A_220 : i32 to index
        %get3A_238 = arith.constant 16 : index
        %get3A_239 = tpu.vector_load %arg13[%get3A_237, %get3A_238] {strides = array<i32>} : memref<80x128xf32, #tpu.memory_space<vmem>>, vector<1x16xf32>,
        %get3A_240 = vector.shape_cast %get3A_239 : vector<1x16xf32> to vector<16xf32>
        %mul3A_241 = arith.mulf %get3A_236, %get3A_240 : vector<16xf32>
        %swap3A_242 = arith.index_cast %scan3A_220 : i32 to index
        %swap3A_243 = arith.constant 16 : index
        %swap3A_244 = tpu.vector_load %arg13[%swap3A_242, %swap3A_243] {strides = array<i32>} : memref<80x128xf32, #tpu.memory_space<vmem>>, vector<1x16xf32>,
        %swap3A_245 = vector.shape_cast %swap3A_244 : vector<1x16xf32> to vector<16xf32>
        %swap3A_246 = vector.shape_cast %mul3A_241 : vector<16xf32> to vector<1x16xf32>
        tpu.vector_store %arg13[%swap3A_242, %swap3A_243], %swap3A_246 {strides = array<i32>} : memref<80x128xf32, #tpu.memory_space<vmem>>, vector<1x16xf32>,
        %get3A_247 = arith.index_cast %scan3A_220 : i32 to index
        %get3A_248 = arith.constant 32 : index
        %get3A_249 = tpu.vector_load %arg15[%get3A_247, %get3A_248] {strides = array<i32>} : memref<80x128xf32, #tpu.memory_space<vmem>>, vector<1x16xf32>,
        %get3A_250 = vector.shape_cast %get3A_249 : vector<1x16xf32> to vector<16xf32>
        %get3A_251 = arith.index_cast %scan3A_220 : i32 to index
        %get3A_252 = arith.constant 32 : index
        %get3A_253 = tpu.vector_load %arg13[%get3A_251, %get3A_252] {strides = array<i32>} : memref<80x128xf32, #tpu.memory_space<vmem>>, vector<1x16xf32>,
        %get3A_254 = vector.shape_cast %get3A_253 : vector<1x16xf32> to vector<16xf32>
        %mul3A_255 = arith.mulf %get3A_250, %get3A_254 : vector<16xf32>
        %swap3A_256 = arith.index_cast %scan3A_220 : i32 to index
        %swap3A_257 = arith.constant 32 : index
        %swap3A_258 = tpu.vector_load %arg13[%swap3A_256, %swap3A_257] {strides = array<i32>} : memref<80x128xf32, #tpu.memory_space<vmem>>, vector<1x16xf32>,
        %swap3A_259 = vector.shape_cast %swap3A_258 : vector<1x16xf32> to vector<16xf32>
        %swap3A_260 = vector.shape_cast %mul3A_255 : vector<16xf32> to vector<1x16xf32>
        tpu.vector_store %arg13[%swap3A_256, %swap3A_257], %swap3A_260 {strides = array<i32>} : memref<80x128xf32, #tpu.memory_space<vmem>>, vector<1x16xf32>,
        %get3A_261 = arith.index_cast %scan3A_220 : i32 to index
        %get3A_262 = arith.constant 48 : index
        %get3A_263 = tpu.vector_load %arg15[%get3A_261, %get3A_262] {strides = array<i32>} : memref<80x128xf32, #tpu.memory_space<vmem>>, vector<1x16xf32>,
        %get3A_264 = vector.shape_cast %get3A_263 : vector<1x16xf32> to vector<16xf32>
        %get3A_265 = arith.index_cast %scan3A_220 : i32 to index
        %get3A_266 = arith.constant 48 : index
        %get3A_267 = tpu.vector_load %arg13[%get3A_265, %get3A_266] {strides = array<i32>} : memref<80x128xf32, #tpu.memory_space<vmem>>, vector<1x16xf32>,
        %get3A_268 = vector.shape_cast %get3A_267 : vector<1x16xf32> to vector<16xf32>
        %mul3A_269 = arith.mulf %get3A_264, %get3A_268 : vector<16xf32>
        %swap3A_270 = arith.index_cast %scan3A_220 : i32 to index
        %swap3A_271 = arith.constant 48 : index
        %swap3A_272 = tpu.vector_load %arg13[%swap3A_270, %swap3A_271] {strides = array<i32>} : memref<80x128xf32, #tpu.memory_space<vmem>>, vector<1x16xf32>,
        %swap3A_273 = vector.shape_cast %swap3A_272 : vector<1x16xf32> to vector<16xf32>
        %swap3A_274 = vector.shape_cast %mul3A_269 : vector<16xf32> to vector<1x16xf32>
        tpu.vector_store %arg13[%swap3A_270, %swap3A_271], %swap3A_274 {strides = array<i32>} : memref<80x128xf32, #tpu.memory_space<vmem>>, vector<1x16xf32>,
        %get3A_275 = arith.index_cast %scan3A_220 : i32 to index
        %get3A_276 = arith.constant 64 : index
        %get3A_277 = tpu.vector_load %arg15[%get3A_275, %get3A_276] {strides = array<i32>} : memref<80x128xf32, #tpu.memory_space<vmem>>, vector<1x16xf32>,
        %get3A_278 = vector.shape_cast %get3A_277 : vector<1x16xf32> to vector<16xf32>
        %get3A_279 = arith.index_cast %scan3A_220 : i32 to index
        %get3A_280 = arith.constant 64 : index
        %get3A_281 = tpu.vector_load %arg13[%get3A_279, %get3A_280] {strides = array<i32>} : memref<80x128xf32, #tpu.memory_space<vmem>>, vector<1x16xf32>,
        %get3A_282 = vector.shape_cast %get3A_281 : vector<1x16xf32> to vector<16xf32>
        %mul3A_283 = arith.mulf %get3A_278, %get3A_282 : vector<16xf32>
        %swap3A_284 = arith.index_cast %scan3A_220 : i32 to index
        %swap3A_285 = arith.constant 64 : index
        %swap3A_286 = tpu.vector_load %arg13[%swap3A_284, %swap3A_285] {strides = array<i32>} : memref<80x128xf32, #tpu.memory_space<vmem>>, vector<1x16xf32>,
        %swap3A_287 = vector.shape_cast %swap3A_286 : vector<1x16xf32> to vector<16xf32>
        %swap3A_288 = vector.shape_cast %mul3A_283 : vector<16xf32> to vector<1x16xf32>
        tpu.vector_store %arg13[%swap3A_284, %swap3A_285], %swap3A_288 {strides = array<i32>} : memref<80x128xf32, #tpu.memory_space<vmem>>, vector<1x16xf32>,
        %get3A_289 = arith.index_cast %scan3A_220 : i32 to index
        %get3A_290 = arith.constant 80 : index
        %get3A_291 = tpu.vector_load %arg15[%get3A_289, %get3A_290] {strides = array<i32>} : memref<80x128xf32, #tpu.memory_space<vmem>>, vector<1x16xf32>,
        %get3A_292 = vector.shape_cast %get3A_291 : vector<1x16xf32> to vector<16xf32>
        %get3A_293 = arith.index_cast %scan3A_220 : i32 to index
        %get3A_294 = arith.constant 80 : index
        %get3A_295 = tpu.vector_load %arg13[%get3A_293, %get3A_294] {strides = array<i32>} : memref<80x128xf32, #tpu.memory_space<vmem>>, vector<1x16xf32>,
        %get3A_296 = vector.shape_cast %get3A_295 : vector<1x16xf32> to vector<16xf32>
        %mul3A_297 = arith.mulf %get3A_292, %get3A_296 : vector<16xf32>
        %swap3A_298 = arith.index_cast %scan3A_220 : i32 to index
        %swap3A_299 = arith.constant 80 : index
        %swap3A_300 = tpu.vector_load %arg13[%swap3A_298, %swap3A_299] {strides = array<i32>} : memref<80x128xf32, #tpu.memory_space<vmem>>, vector<1x16xf32>,
        %swap3A_301 = vector.shape_cast %swap3A_300 : vector<1x16xf32> to vector<16xf32>
        %swap3A_302 = vector.shape_cast %mul3A_297 : vector<16xf32> to vector<1x16xf32>
        tpu.vector_store %arg13[%swap3A_298, %swap3A_299], %swap3A_302 {strides = array<i32>} : memref<80x128xf32, #tpu.memory_space<vmem>>, vector<1x16xf32>,
        %get3A_303 = arith.index_cast %scan3A_220 : i32 to index
        %get3A_304 = arith.constant 96 : index
        %get3A_305 = tpu.vector_load %arg15[%get3A_303, %get3A_304] {strides = array<i32>} : memref<80x128xf32, #tpu.memory_space<vmem>>, vector<1x16xf32>,
        %get3A_306 = vector.shape_cast %get3A_305 : vector<1x16xf32> to vector<16xf32>
        %get3A_307 = arith.index_cast %scan3A_220 : i32 to index
        %get3A_308 = arith.constant 96 : index
        %get3A_309 = tpu.vector_load %arg13[%get3A_307, %get3A_308] {strides = array<i32>} : memref<80x128xf32, #tpu.memory_space<vmem>>, vector<1x16xf32>,
        %get3A_310 = vector.shape_cast %get3A_309 : vector<1x16xf32> to vector<16xf32>
        %mul3A_311 = arith.mulf %get3A_306, %get3A_310 : vector<16xf32>
        %swap3A_312 = arith.index_cast %scan3A_220 : i32 to index
        %swap3A_313 = arith.constant 96 : index
        %swap3A_314 = tpu.vector_load %arg13[%swap3A_312, %swap3A_313] {strides = array<i32>} : memref<80x128xf32, #tpu.memory_space<vmem>>, vector<1x16xf32>,
        %swap3A_315 = vector.shape_cast %swap3A_314 : vector<1x16xf32> to vector<16xf32>
        %swap3A_316 = vector.shape_cast %mul3A_311 : vector<16xf32> to vector<1x16xf32>
        tpu.vector_store %arg13[%swap3A_312, %swap3A_313], %swap3A_316 {strides = array<i32>} : memref<80x128xf32, #tpu.memory_space<vmem>>, vector<1x16xf32>,
        %get3A_317 = arith.index_cast %scan3A_220 : i32 to index
        %get3A_318 = arith.constant 112 : index
        %get3A_319 = tpu.vector_load %arg15[%get3A_317, %get3A_318] {strides = array<i32>} : memref<80x128xf32, #tpu.memory_space<vmem>>, vector<1x16xf32>,
        %get3A_320 = vector.shape_cast %get3A_319 : vector<1x16xf32> to vector<16xf32>
        %get3A_321 = arith.index_cast %scan3A_220 : i32 to index
        %get3A_322 = arith.constant 112 : index
        %get3A_323 = tpu.vector_load %arg13[%get3A_321, %get3A_322] {strides = array<i32>} : memref<80x128xf32, #tpu.memory_space<vmem>>, vector<1x16xf32>,
        %get3A_324 = vector.shape_cast %get3A_323 : vector<1x16xf32> to vector<16xf32>
        %mul3A_325 = arith.mulf %get3A_320, %get3A_324 : vector<16xf32>
        %swap3A_326 = arith.index_cast %scan3A_220 : i32 to index
        %swap3A_327 = arith.constant 112 : index
        %swap3A_328 = tpu.vector_load %arg13[%swap3A_326, %swap3A_327] {strides = array<i32>} : memref<80x128xf32, #tpu.memory_space<vmem>>, vector<1x16xf32>,
        %swap3A_329 = vector.shape_cast %swap3A_328 : vector<1x16xf32> to vector<16xf32>
        %swap3A_330 = vector.shape_cast %mul3A_325 : vector<16xf32> to vector<1x16xf32>
        tpu.vector_store %arg13[%swap3A_326, %swap3A_327], %swap3A_330 {strides = array<i32>} : memref<80x128xf32, #tpu.memory_space<vmem>>, vector<1x16xf32>,
      }
      %scan3A_178 = arith.constant 80 : i32
      %dma_start3A_179 = arith.constant 0 : i32
      %dma_start3A_180 = arith.constant 0 : i32
      %dma_start3A_181 = tpu.memref_slice %arg17[%dma_start3A_179, %dma_start3A_180] : memref<10240x128xf32, #tpu.memory_space<vmem_shared>> -> memref<10240x128xf32, #tpu.memory_space<vmem_shared>>
      tpu.enqueue_indirect_dma source(%arg13 : memref<80x128xf32, #tpu.memory_space<vmem>>) target(%dma_start3A_181 : memref<10240x128xf32, #tpu.memory_space<vmem_shared>>) offsets(%arg11 : memref<80xi32, #tpu.memory_space<vmem>>) semaphore(%arg28 : memref<!tpu.dma_semaphore, #tpu.memory_space<semaphore_mem>>) {add = true}
      %add3A_182 = arith.constant 2 : i32
      %add3A_183 = arith.addi %add3A_157, %add3A_182 : i32
      %lt3A_184 = arith.cmpi slt, %add3A_183, %select_n3A : i32
      %convert_element_type3A_185 = arith.extui %lt3A_184 : i1 to i32
      %cond3A_186 = arith.constant 0 : i32
      %cond3A_187 = arith.cmpi ne, %convert_element_type3A_185, %cond3A_186 : i32
      scf.if %cond3A_187 {
        %add3A_220 = arith.constant 2 : i32
        %add3A_221 = arith.addi %add3A_157, %add3A_220 : i32
        %mul3A_222 = arith.constant 80 : i32
        %mul3A_223 = arith.muli %add3A_221, %mul3A_222 : i32
        %add3A_224 = arith.addi %mul3A_2, %mul3A_223 : i32
        %dma_start3A_225 = tpu.memref_slice %arg2[%add3A_224] : memref<320000xi32, #tpu.memory_space<hbm>> -> memref<80xi32, #tpu.memory_space<hbm>>
        %dma_start3A_226 = tpu.memref_slice %arg2[%add3A_224] : memref<320000xi32, #tpu.memory_space<hbm>> -> memref<80xi32, #tpu.memory_space<hbm>>
        tpu.enqueue_dma source(%dma_start3A_226 : memref<80xi32, #tpu.memory_space<hbm>>) target(%arg7 : memref<80xi32, #tpu.memory_space<vmem>>) target_semaphore(%arg18 : memref<!tpu.dma_semaphore, #tpu.memory_space<semaphore_mem>>)
        %dma_start3A_227 = tpu.memref_slice %arg3[%add3A_224] : memref<320000xi32, #tpu.memory_space<hbm>> -> memref<80xi32, #tpu.memory_space<hbm>>
        %dma_start3A_228 = tpu.memref_slice %arg3[%add3A_224] : memref<320000xi32, #tpu.memory_space<hbm>> -> memref<80xi32, #tpu.memory_space<hbm>>
        tpu.enqueue_dma source(%dma_start3A_228 : memref<80xi32, #tpu.memory_space<hbm>>) target(%arg9 : memref<80xi32, #tpu.memory_space<vmem>>) target_semaphore(%arg20 : memref<!tpu.dma_semaphore, #tpu.memory_space<semaphore_mem>>)
      } else {
      }
      %add3A_188 = arith.constant 3 : i32
      %add3A_189 = arith.addi %mul3A_94, %add3A_188 : i32
      %add3A_190 = arith.constant 1 : i32
      %add3A_191 = arith.addi %add3A_189, %add3A_190 : i32
      %lt3A_192 = arith.cmpi slt, %add3A_191, %select_n3A : i32
      %convert_element_type3A_193 = arith.extui %lt3A_192 : i1 to i32
      %cond3A_194 = arith.constant 0 : i32
      %cond3A_195 = arith.cmpi ne, %convert_element_type3A_193, %cond3A_194 : i32
      scf.if %cond3A_195 {
        %dma_wait3A_220 = arith.constant 0 : i32
        %dma_wait3A_221 = tpu.memref_slice %arg2[%dma_wait3A_220] : memref<320000xi32, #tpu.memory_space<hbm>> -> memref<80xi32, #tpu.memory_space<hbm>>
        %dma_wait3A_222 = arith.constant 0 : i32
        %dma_wait3A_223 = tpu.memref_slice %arg2[%dma_wait3A_222] : memref<320000xi32, #tpu.memory_space<hbm>> -> memref<80xi32, #tpu.memory_space<hbm>>
        tpu.wait_dma2 semaphore(%arg18 : memref<!tpu.dma_semaphore, #tpu.memory_space<semaphore_mem>>) src(%dma_wait3A_223 : memref<80xi32, #tpu.memory_space<hbm>>) dst(%arg7 : memref<80xi32, #tpu.memory_space<vmem>>)
        %dma_wait3A_224 = arith.constant 0 : i32
        %dma_wait3A_225 = tpu.memref_slice %arg3[%dma_wait3A_224] : memref<320000xi32, #tpu.memory_space<hbm>> -> memref<80xi32, #tpu.memory_space<hbm>>
        %dma_wait3A_226 = arith.constant 0 : i32
        %dma_wait3A_227 = tpu.memref_slice %arg3[%dma_wait3A_226] : memref<320000xi32, #tpu.memory_space<hbm>> -> memref<80xi32, #tpu.memory_space<hbm>>
        tpu.wait_dma2 semaphore(%arg20 : memref<!tpu.dma_semaphore, #tpu.memory_space<semaphore_mem>>) src(%dma_wait3A_227 : memref<80xi32, #tpu.memory_space<hbm>>) dst(%arg9 : memref<80xi32, #tpu.memory_space<vmem>>)
        %ge3A = arith.constant 1 : i32
        %ge3A_228 = arith.cmpi sge, %add3A_189, %ge3A : i32
        %convert_element_type3A_229 = arith.extui %ge3A_228 : i1 to i32
        %cond3A_230 = arith.constant 0 : i32
        %cond3A_231 = arith.cmpi ne, %convert_element_type3A_229, %cond3A_230 : i32
        scf.if %cond3A_231 {
          %dma_wait3A_244 = arith.constant 0 : i32
          %dma_wait3A_245 = arith.constant 0 : i32
          %dma_wait3A_246 = tpu.memref_slice %arg17[%dma_wait3A_244, %dma_wait3A_245] : memref<10240x128xf32, #tpu.memory_space<vmem_shared>> -> memref<10240x128xf32, #tpu.memory_space<vmem_shared>>
          tpu.wait_indirect_dma semaphore(%arg28 : memref<!tpu.dma_semaphore, #tpu.memory_space<semaphore_mem>>) src(%arg13 : memref<80x128xf32, #tpu.memory_space<vmem>>) dst(%dma_wait3A_246 : memref<10240x128xf32, #tpu.memory_space<vmem_shared>>)
        } else {
        }
        %dma_start3A_232 = arith.constant 0 : i32
        %dma_start3A_233 = arith.constant 0 : i32
        %dma_start3A_234 = tpu.memref_slice %arg4[%dma_start3A_232, %dma_start3A_233] : memref<10000x128xf32, #tpu.memory_space<hbm>> -> memref<10000x128xf32, #tpu.memory_space<hbm>>
        tpu.enqueue_indirect_dma source(%dma_start3A_234 : memref<10000x128xf32, #tpu.memory_space<hbm>>) target(%arg13 : memref<80x128xf32, #tpu.memory_space<vmem>>) offsets(%arg7 : memref<80xi32, #tpu.memory_space<vmem>>) semaphore(%arg24 : memref<!tpu.dma_semaphore, #tpu.memory_space<semaphore_mem>>)
        %add3A_235 = arith.constant 1 : i32
        %add3A_236 = arith.addi %add3A_189, %add3A_235 : i32
        %mul3A_237 = arith.constant 80 : i32
        %mul3A_238 = arith.muli %add3A_236, %mul3A_237 : i32
        %add3A_239 = arith.addi %mul3A_2, %mul3A_238 : i32
        %dma_start3A_240 = arith.constant 0 : i32
        %dma_start3A_241 = tpu.memref_slice %arg5[%add3A_239, %dma_start3A_240] : memref<320000x128xf32, #tpu.memory_space<hbm>> -> memref<80x128xf32, #tpu.memory_space<hbm>>
        %dma_start3A_242 = arith.constant 0 : i32
        %dma_start3A_243 = tpu.memref_slice %arg5[%add3A_239, %dma_start3A_242] : memref<320000x128xf32, #tpu.memory_space<hbm>> -> memref<80x128xf32, #tpu.memory_space<hbm>>
        tpu.enqueue_dma source(%dma_start3A_243 : memref<80x128xf32, #tpu.memory_space<hbm>>) target(%arg15 : memref<80x128xf32, #tpu.memory_space<vmem>>) target_semaphore(%arg26 : memref<!tpu.dma_semaphore, #tpu.memory_space<semaphore_mem>>)
      } else {
      }
      %dma_wait3A_196 = arith.constant 0 : i32
      %dma_wait3A_197 = arith.constant 0 : i32
      %dma_wait3A_198 = tpu.memref_slice %arg4[%dma_wait3A_196, %dma_wait3A_197] : memref<10000x128xf32, #tpu.memory_space<hbm>> -> memref<10000x128xf32, #tpu.memory_space<hbm>>
      tpu.wait_indirect_dma semaphore(%arg25 : memref<!tpu.dma_semaphore, #tpu.memory_space<semaphore_mem>>) src(%dma_wait3A_198 : memref<10000x128xf32, #tpu.memory_space<hbm>>) dst(%arg14 : memref<80x128xf32, #tpu.memory_space<vmem>>)
      %dma_wait3A_199 = arith.constant 0 : i32
      %dma_wait3A_200 = arith.constant 0 : i32
      %dma_wait3A_201 = tpu.memref_slice %arg5[%dma_wait3A_199, %dma_wait3A_200] : memref<320000x128xf32, #tpu.memory_space<hbm>> -> memref<80x128xf32, #tpu.memory_space<hbm>>
      %dma_wait3A_202 = arith.constant 0 : i32
      %dma_wait3A_203 = arith.constant 0 : i32
      %dma_wait3A_204 = tpu.memref_slice %arg5[%dma_wait3A_202, %dma_wait3A_203] : memref<320000x128xf32, #tpu.memory_space<hbm>> -> memref<80x128xf32, #tpu.memory_space<hbm>>
      tpu.wait_dma2 semaphore(%arg27 : memref<!tpu.dma_semaphore, #tpu.memory_space<semaphore_mem>>) src(%dma_wait3A_204 : memref<80x128xf32, #tpu.memory_space<hbm>>) dst(%arg16 : memref<80x128xf32, #tpu.memory_space<vmem>>)
      %scan3A_205 = arith.constant 0 : i32
      %scan3A_206 = arith.constant 0 : i32
      %scan3A_207 = arith.constant 80 : i32
      %scan3A_208 = arith.addi %scan3A_206, %scan3A_207 : i32
      %scan3A_209 = arith.constant 1 : i32
      scf.for %scan3A_220 = %scan3A_206 to %scan3A_208 step %scan3A_209  : i32 {
        %get3A = arith.index_cast %scan3A_220 : i32 to index
        %get3A_221 = arith.constant 0 : index
        %get3A_222 = tpu.vector_load %arg16[%get3A, %get3A_221] {strides = array<i32>} : memref<80x128xf32, #tpu.memory_space<vmem>>, vector<1x16xf32>,
        %get3A_223 = vector.shape_cast %get3A_222 : vector<1x16xf32> to vector<16xf32>
        %get3A_224 = arith.index_cast %scan3A_220 : i32 to index
        %get3A_225 = arith.constant 0 : index
        %get3A_226 = tpu.vector_load %arg14[%get3A_224, %get3A_225] {strides = array<i32>} : memref<80x128xf32, #tpu.memory_space<vmem>>, vector<1x16xf32>,
        %get3A_227 = vector.shape_cast %get3A_226 : vector<1x16xf32> to vector<16xf32>
        %mul3A_228 = arith.mulf %get3A_223, %get3A_227 : vector<16xf32>
        %swap3A = arith.index_cast %scan3A_220 : i32 to index
        %swap3A_229 = arith.constant 0 : index
        %swap3A_230 = tpu.vector_load %arg14[%swap3A, %swap3A_229] {strides = array<i32>} : memref<80x128xf32, #tpu.memory_space<vmem>>, vector<1x16xf32>,
        %swap3A_231 = vector.shape_cast %swap3A_230 : vector<1x16xf32> to vector<16xf32>
        %swap3A_232 = vector.shape_cast %mul3A_228 : vector<16xf32> to vector<1x16xf32>
        tpu.vector_store %arg14[%swap3A, %swap3A_229], %swap3A_232 {strides = array<i32>} : memref<80x128xf32, #tpu.memory_space<vmem>>, vector<1x16xf32>,
        %get3A_233 = arith.index_cast %scan3A_220 : i32 to index
        %get3A_234 = arith.constant 16 : index
        %get3A_235 = tpu.vector_load %arg16[%get3A_233, %get3A_234] {strides = array<i32>} : memref<80x128xf32, #tpu.memory_space<vmem>>, vector<1x16xf32>,
        %get3A_236 = vector.shape_cast %get3A_235 : vector<1x16xf32> to vector<16xf32>
        %get3A_237 = arith.index_cast %scan3A_220 : i32 to index
        %get3A_238 = arith.constant 16 : index
        %get3A_239 = tpu.vector_load %arg14[%get3A_237, %get3A_238] {strides = array<i32>} : memref<80x128xf32, #tpu.memory_space<vmem>>, vector<1x16xf32>,
        %get3A_240 = vector.shape_cast %get3A_239 : vector<1x16xf32> to vector<16xf32>
        %mul3A_241 = arith.mulf %get3A_236, %get3A_240 : vector<16xf32>
        %swap3A_242 = arith.index_cast %scan3A_220 : i32 to index
        %swap3A_243 = arith.constant 16 : index
        %swap3A_244 = tpu.vector_load %arg14[%swap3A_242, %swap3A_243] {strides = array<i32>} : memref<80x128xf32, #tpu.memory_space<vmem>>, vector<1x16xf32>,
        %swap3A_245 = vector.shape_cast %swap3A_244 : vector<1x16xf32> to vector<16xf32>
        %swap3A_246 = vector.shape_cast %mul3A_241 : vector<16xf32> to vector<1x16xf32>
        tpu.vector_store %arg14[%swap3A_242, %swap3A_243], %swap3A_246 {strides = array<i32>} : memref<80x128xf32, #tpu.memory_space<vmem>>, vector<1x16xf32>,
        %get3A_247 = arith.index_cast %scan3A_220 : i32 to index
        %get3A_248 = arith.constant 32 : index
        %get3A_249 = tpu.vector_load %arg16[%get3A_247, %get3A_248] {strides = array<i32>} : memref<80x128xf32, #tpu.memory_space<vmem>>, vector<1x16xf32>,
        %get3A_250 = vector.shape_cast %get3A_249 : vector<1x16xf32> to vector<16xf32>
        %get3A_251 = arith.index_cast %scan3A_220 : i32 to index
        %get3A_252 = arith.constant 32 : index
        %get3A_253 = tpu.vector_load %arg14[%get3A_251, %get3A_252] {strides = array<i32>} : memref<80x128xf32, #tpu.memory_space<vmem>>, vector<1x16xf32>,
        %get3A_254 = vector.shape_cast %get3A_253 : vector<1x16xf32> to vector<16xf32>
        %mul3A_255 = arith.mulf %get3A_250, %get3A_254 : vector<16xf32>
        %swap3A_256 = arith.index_cast %scan3A_220 : i32 to index
        %swap3A_257 = arith.constant 32 : index
        %swap3A_258 = tpu.vector_load %arg14[%swap3A_256, %swap3A_257] {strides = array<i32>} : memref<80x128xf32, #tpu.memory_space<vmem>>, vector<1x16xf32>,
        %swap3A_259 = vector.shape_cast %swap3A_258 : vector<1x16xf32> to vector<16xf32>
        %swap3A_260 = vector.shape_cast %mul3A_255 : vector<16xf32> to vector<1x16xf32>
        tpu.vector_store %arg14[%swap3A_256, %swap3A_257], %swap3A_260 {strides = array<i32>} : memref<80x128xf32, #tpu.memory_space<vmem>>, vector<1x16xf32>,
        %get3A_261 = arith.index_cast %scan3A_220 : i32 to index
        %get3A_262 = arith.constant 48 : index
        %get3A_263 = tpu.vector_load %arg16[%get3A_261, %get3A_262] {strides = array<i32>} : memref<80x128xf32, #tpu.memory_space<vmem>>, vector<1x16xf32>,
        %get3A_264 = vector.shape_cast %get3A_263 : vector<1x16xf32> to vector<16xf32>
        %get3A_265 = arith.index_cast %scan3A_220 : i32 to index
        %get3A_266 = arith.constant 48 : index
        %get3A_267 = tpu.vector_load %arg14[%get3A_265, %get3A_266] {strides = array<i32>} : memref<80x128xf32, #tpu.memory_space<vmem>>, vector<1x16xf32>,
        %get3A_268 = vector.shape_cast %get3A_267 : vector<1x16xf32> to vector<16xf32>
        %mul3A_269 = arith.mulf %get3A_264, %get3A_268 : vector<16xf32>
        %swap3A_270 = arith.index_cast %scan3A_220 : i32 to index
        %swap3A_271 = arith.constant 48 : index
        %swap3A_272 = tpu.vector_load %arg14[%swap3A_270, %swap3A_271] {strides = array<i32>} : memref<80x128xf32, #tpu.memory_space<vmem>>, vector<1x16xf32>,
        %swap3A_273 = vector.shape_cast %swap3A_272 : vector<1x16xf32> to vector<16xf32>
        %swap3A_274 = vector.shape_cast %mul3A_269 : vector<16xf32> to vector<1x16xf32>
        tpu.vector_store %arg14[%swap3A_270, %swap3A_271], %swap3A_274 {strides = array<i32>} : memref<80x128xf32, #tpu.memory_space<vmem>>, vector<1x16xf32>,
        %get3A_275 = arith.index_cast %scan3A_220 : i32 to index
        %get3A_276 = arith.constant 64 : index
        %get3A_277 = tpu.vector_load %arg16[%get3A_275, %get3A_276] {strides = array<i32>} : memref<80x128xf32, #tpu.memory_space<vmem>>, vector<1x16xf32>,
        %get3A_278 = vector.shape_cast %get3A_277 : vector<1x16xf32> to vector<16xf32>
        %get3A_279 = arith.index_cast %scan3A_220 : i32 to index
        %get3A_280 = arith.constant 64 : index
        %get3A_281 = tpu.vector_load %arg14[%get3A_279, %get3A_280] {strides = array<i32>} : memref<80x128xf32, #tpu.memory_space<vmem>>, vector<1x16xf32>,
        %get3A_282 = vector.shape_cast %get3A_281 : vector<1x16xf32> to vector<16xf32>
        %mul3A_283 = arith.mulf %get3A_278, %get3A_282 : vector<16xf32>
        %swap3A_284 = arith.index_cast %scan3A_220 : i32 to index
        %swap3A_285 = arith.constant 64 : index
        %swap3A_286 = tpu.vector_load %arg14[%swap3A_284, %swap3A_285] {strides = array<i32>} : memref<80x128xf32, #tpu.memory_space<vmem>>, vector<1x16xf32>,
        %swap3A_287 = vector.shape_cast %swap3A_286 : vector<1x16xf32> to vector<16xf32>
        %swap3A_288 = vector.shape_cast %mul3A_283 : vector<16xf32> to vector<1x16xf32>
        tpu.vector_store %arg14[%swap3A_284, %swap3A_285], %swap3A_288 {strides = array<i32>} : memref<80x128xf32, #tpu.memory_space<vmem>>, vector<1x16xf32>,
        %get3A_289 = arith.index_cast %scan3A_220 : i32 to index
        %get3A_290 = arith.constant 80 : index
        %get3A_291 = tpu.vector_load %arg16[%get3A_289, %get3A_290] {strides = array<i32>} : memref<80x128xf32, #tpu.memory_space<vmem>>, vector<1x16xf32>,
        %get3A_292 = vector.shape_cast %get3A_291 : vector<1x16xf32> to vector<16xf32>
        %get3A_293 = arith.index_cast %scan3A_220 : i32 to index
        %get3A_294 = arith.constant 80 : index
        %get3A_295 = tpu.vector_load %arg14[%get3A_293, %get3A_294] {strides = array<i32>} : memref<80x128xf32, #tpu.memory_space<vmem>>, vector<1x16xf32>,
        %get3A_296 = vector.shape_cast %get3A_295 : vector<1x16xf32> to vector<16xf32>
        %mul3A_297 = arith.mulf %get3A_292, %get3A_296 : vector<16xf32>
        %swap3A_298 = arith.index_cast %scan3A_220 : i32 to index
        %swap3A_299 = arith.constant 80 : index
        %swap3A_300 = tpu.vector_load %arg14[%swap3A_298, %swap3A_299] {strides = array<i32>} : memref<80x128xf32, #tpu.memory_space<vmem>>, vector<1x16xf32>,
        %swap3A_301 = vector.shape_cast %swap3A_300 : vector<1x16xf32> to vector<16xf32>
        %swap3A_302 = vector.shape_cast %mul3A_297 : vector<16xf32> to vector<1x16xf32>
        tpu.vector_store %arg14[%swap3A_298, %swap3A_299], %swap3A_302 {strides = array<i32>} : memref<80x128xf32, #tpu.memory_space<vmem>>, vector<1x16xf32>,
        %get3A_303 = arith.index_cast %scan3A_220 : i32 to index
        %get3A_304 = arith.constant 96 : index
        %get3A_305 = tpu.vector_load %arg16[%get3A_303, %get3A_304] {strides = array<i32>} : memref<80x128xf32, #tpu.memory_space<vmem>>, vector<1x16xf32>,
        %get3A_306 = vector.shape_cast %get3A_305 : vector<1x16xf32> to vector<16xf32>
        %get3A_307 = arith.index_cast %scan3A_220 : i32 to index
        %get3A_308 = arith.constant 96 : index
        %get3A_309 = tpu.vector_load %arg14[%get3A_307, %get3A_308] {strides = array<i32>} : memref<80x128xf32, #tpu.memory_space<vmem>>, vector<1x16xf32>,
        %get3A_310 = vector.shape_cast %get3A_309 : vector<1x16xf32> to vector<16xf32>
        %mul3A_311 = arith.mulf %get3A_306, %get3A_310 : vector<16xf32>
        %swap3A_312 = arith.index_cast %scan3A_220 : i32 to index
        %swap3A_313 = arith.constant 96 : index
        %swap3A_314 = tpu.vector_load %arg14[%swap3A_312, %swap3A_313] {strides = array<i32>} : memref<80x128xf32, #tpu.memory_space<vmem>>, vector<1x16xf32>,
        %swap3A_315 = vector.shape_cast %swap3A_314 : vector<1x16xf32> to vector<16xf32>
        %swap3A_316 = vector.shape_cast %mul3A_311 : vector<16xf32> to vector<1x16xf32>
        tpu.vector_store %arg14[%swap3A_312, %swap3A_313], %swap3A_316 {strides = array<i32>} : memref<80x128xf32, #tpu.memory_space<vmem>>, vector<1x16xf32>,
        %get3A_317 = arith.index_cast %scan3A_220 : i32 to index
        %get3A_318 = arith.constant 112 : index
        %get3A_319 = tpu.vector_load %arg16[%get3A_317, %get3A_318] {strides = array<i32>} : memref<80x128xf32, #tpu.memory_space<vmem>>, vector<1x16xf32>,
        %get3A_320 = vector.shape_cast %get3A_319 : vector<1x16xf32> to vector<16xf32>
        %get3A_321 = arith.index_cast %scan3A_220 : i32 to index
        %get3A_322 = arith.constant 112 : index
        %get3A_323 = tpu.vector_load %arg14[%get3A_321, %get3A_322] {strides = array<i32>} : memref<80x128xf32, #tpu.memory_space<vmem>>, vector<1x16xf32>,
        %get3A_324 = vector.shape_cast %get3A_323 : vector<1x16xf32> to vector<16xf32>
        %mul3A_325 = arith.mulf %get3A_320, %get3A_324 : vector<16xf32>
        %swap3A_326 = arith.index_cast %scan3A_220 : i32 to index
        %swap3A_327 = arith.constant 112 : index
        %swap3A_328 = tpu.vector_load %arg14[%swap3A_326, %swap3A_327] {strides = array<i32>} : memref<80x128xf32, #tpu.memory_space<vmem>>, vector<1x16xf32>,
        %swap3A_329 = vector.shape_cast %swap3A_328 : vector<1x16xf32> to vector<16xf32>
        %swap3A_330 = vector.shape_cast %mul3A_325 : vector<16xf32> to vector<1x16xf32>
        tpu.vector_store %arg14[%swap3A_326, %swap3A_327], %swap3A_330 {strides = array<i32>} : memref<80x128xf32, #tpu.memory_space<vmem>>, vector<1x16xf32>,
      }
      %scan3A_210 = arith.constant 80 : i32
      %dma_start3A_211 = arith.constant 0 : i32
      %dma_start3A_212 = arith.constant 0 : i32
      %dma_start3A_213 = tpu.memref_slice %arg17[%dma_start3A_211, %dma_start3A_212] : memref<10240x128xf32, #tpu.memory_space<vmem_shared>> -> memref<10240x128xf32, #tpu.memory_space<vmem_shared>>
      tpu.enqueue_indirect_dma source(%arg14 : memref<80x128xf32, #tpu.memory_space<vmem>>) target(%dma_start3A_213 : memref<10240x128xf32, #tpu.memory_space<vmem_shared>>) offsets(%arg12 : memref<80xi32, #tpu.memory_space<vmem>>) semaphore(%arg29 : memref<!tpu.dma_semaphore, #tpu.memory_space<semaphore_mem>>) {add = true}
      %add3A_214 = arith.constant 2 : i32
      %add3A_215 = arith.addi %add3A_189, %add3A_214 : i32
      %lt3A_216 = arith.cmpi slt, %add3A_215, %select_n3A : i32
      %convert_element_type3A_217 = arith.extui %lt3A_216 : i1 to i32
      %cond3A_218 = arith.constant 0 : i32
      %cond3A_219 = arith.cmpi ne, %convert_element_type3A_217, %cond3A_218 : i32
      scf.if %cond3A_219 {
        %add3A_220 = arith.constant 2 : i32
        %add3A_221 = arith.addi %add3A_189, %add3A_220 : i32
        %mul3A_222 = arith.constant 80 : i32
        %mul3A_223 = arith.muli %add3A_221, %mul3A_222 : i32
        %add3A_224 = arith.addi %mul3A_2, %mul3A_223 : i32
        %dma_start3A_225 = tpu.memref_slice %arg2[%add3A_224] : memref<320000xi32, #tpu.memory_space<hbm>> -> memref<80xi32, #tpu.memory_space<hbm>>
        %dma_start3A_226 = tpu.memref_slice %arg2[%add3A_224] : memref<320000xi32, #tpu.memory_space<hbm>> -> memref<80xi32, #tpu.memory_space<hbm>>
        tpu.enqueue_dma source(%dma_start3A_226 : memref<80xi32, #tpu.memory_space<hbm>>) target(%arg8 : memref<80xi32, #tpu.memory_space<vmem>>) target_semaphore(%arg19 : memref<!tpu.dma_semaphore, #tpu.memory_space<semaphore_mem>>)
        %dma_start3A_227 = tpu.memref_slice %arg3[%add3A_224] : memref<320000xi32, #tpu.memory_space<hbm>> -> memref<80xi32, #tpu.memory_space<hbm>>
        %dma_start3A_228 = tpu.memref_slice %arg3[%add3A_224] : memref<320000xi32, #tpu.memory_space<hbm>> -> memref<80xi32, #tpu.memory_space<hbm>>
        tpu.enqueue_dma source(%dma_start3A_228 : memref<80xi32, #tpu.memory_space<hbm>>) target(%arg10 : memref<80xi32, #tpu.memory_space<vmem>>) target_semaphore(%arg21 : memref<!tpu.dma_semaphore, #tpu.memory_space<semaphore_mem>>)
      } else {
      }
    }
    %while3A_79 = arith.constant 1 : i32
    scf.for %while3A_92 = %while3A_77 to %while3A_73 step %while3A_79  : i32 {
      %mul3A_93 = arith.constant 4 : i32
      %mul3A_94 = arith.muli %while3A_92, %mul3A_93 : i32
      %add3A_95 = arith.constant 0 : i32
      %add3A_96 = arith.addi %mul3A_94, %add3A_95 : i32
      %add3A_97 = arith.constant 1 : i32
      %add3A_98 = arith.addi %add3A_96, %add3A_97 : i32
      %lt3A = arith.cmpi slt, %add3A_98, %select_n3A : i32
      %convert_element_type3A = arith.extui %lt3A : i1 to i32
      %cond3A = arith.constant 0 : i32
      %cond3A_99 = arith.cmpi ne, %convert_element_type3A, %cond3A : i32
      scf.if %cond3A_99 {
        %dma_wait3A_220 = arith.constant 0 : i32
        %dma_wait3A_221 = tpu.memref_slice %arg2[%dma_wait3A_220] : memref<320000xi32, #tpu.memory_space<hbm>> -> memref<80xi32, #tpu.memory_space<hbm>>
        %dma_wait3A_222 = arith.constant 0 : i32
        %dma_wait3A_223 = tpu.memref_slice %arg2[%dma_wait3A_222] : memref<320000xi32, #tpu.memory_space<hbm>> -> memref<80xi32, #tpu.memory_space<hbm>>
        tpu.wait_dma2 semaphore(%arg19 : memref<!tpu.dma_semaphore, #tpu.memory_space<semaphore_mem>>) src(%dma_wait3A_223 : memref<80xi32, #tpu.memory_space<hbm>>) dst(%arg8 : memref<80xi32, #tpu.memory_space<vmem>>)
        %dma_wait3A_224 = arith.constant 0 : i32
        %dma_wait3A_225 = tpu.memref_slice %arg3[%dma_wait3A_224] : memref<320000xi32, #tpu.memory_space<hbm>> -> memref<80xi32, #tpu.memory_space<hbm>>
        %dma_wait3A_226 = arith.constant 0 : i32
        %dma_wait3A_227 = tpu.memref_slice %arg3[%dma_wait3A_226] : memref<320000xi32, #tpu.memory_space<hbm>> -> memref<80xi32, #tpu.memory_space<hbm>>
        tpu.wait_dma2 semaphore(%arg21 : memref<!tpu.dma_semaphore, #tpu.memory_space<semaphore_mem>>) src(%dma_wait3A_227 : memref<80xi32, #tpu.memory_space<hbm>>) dst(%arg10 : memref<80xi32, #tpu.memory_space<vmem>>)
        %ge3A = arith.constant 1 : i32
        %ge3A_228 = arith.cmpi sge, %add3A_96, %ge3A : i32
        %convert_element_type3A_229 = arith.extui %ge3A_228 : i1 to i32
        %cond3A_230 = arith.constant 0 : i32
        %cond3A_231 = arith.cmpi ne, %convert_element_type3A_229, %cond3A_230 : i32
        scf.if %cond3A_231 {
          %dma_wait3A_244 = arith.constant 0 : i32
          %dma_wait3A_245 = arith.constant 0 : i32
          %dma_wait3A_246 = tpu.memref_slice %arg17[%dma_wait3A_244, %dma_wait3A_245] : memref<10240x128xf32, #tpu.memory_space<vmem_shared>> -> memref<10240x128xf32, #tpu.memory_space<vmem_shared>>
          tpu.wait_indirect_dma semaphore(%arg29 : memref<!tpu.dma_semaphore, #tpu.memory_space<semaphore_mem>>) src(%arg14 : memref<80x128xf32, #tpu.memory_space<vmem>>) dst(%dma_wait3A_246 : memref<10240x128xf32, #tpu.memory_space<vmem_shared>>)
        } else {
        }
        %dma_start3A_232 = arith.constant 0 : i32
        %dma_start3A_233 = arith.constant 0 : i32
        %dma_start3A_234 = tpu.memref_slice %arg4[%dma_start3A_232, %dma_start3A_233] : memref<10000x128xf32, #tpu.memory_space<hbm>> -> memref<10000x128xf32, #tpu.memory_space<hbm>>
        tpu.enqueue_indirect_dma source(%dma_start3A_234 : memref<10000x128xf32, #tpu.memory_space<hbm>>) target(%arg14 : memref<80x128xf32, #tpu.memory_space<vmem>>) offsets(%arg8 : memref<80xi32, #tpu.memory_space<vmem>>) semaphore(%arg25 : memref<!tpu.dma_semaphore, #tpu.memory_space<semaphore_mem>>)
        %add3A_235 = arith.constant 1 : i32
        %add3A_236 = arith.addi %add3A_96, %add3A_235 : i32
        %mul3A_237 = arith.constant 80 : i32
        %mul3A_238 = arith.muli %add3A_236, %mul3A_237 : i32
        %add3A_239 = arith.addi %mul3A_2, %mul3A_238 : i32
        %dma_start3A_240 = arith.constant 0 : i32
        %dma_start3A_241 = tpu.memref_slice %arg5[%add3A_239, %dma_start3A_240] : memref<320000x128xf32, #tpu.memory_space<hbm>> -> memref<80x128xf32, #tpu.memory_space<hbm>>
        %dma_start3A_242 = arith.constant 0 : i32
        %dma_start3A_243 = tpu.memref_slice %arg5[%add3A_239, %dma_start3A_242] : memref<320000x128xf32, #tpu.memory_space<hbm>> -> memref<80x128xf32, #tpu.memory_space<hbm>>
        tpu.enqueue_dma source(%dma_start3A_243 : memref<80x128xf32, #tpu.memory_space<hbm>>) target(%arg16 : memref<80x128xf32, #tpu.memory_space<vmem>>) target_semaphore(%arg27 : memref<!tpu.dma_semaphore, #tpu.memory_space<semaphore_mem>>)
      } else {
      }
      %dma_wait3A_100 = arith.constant 0 : i32
      %dma_wait3A_101 = arith.constant 0 : i32
      %dma_wait3A_102 = tpu.memref_slice %arg4[%dma_wait3A_100, %dma_wait3A_101] : memref<10000x128xf32, #tpu.memory_space<hbm>> -> memref<10000x128xf32, #tpu.memory_space<hbm>>
      tpu.wait_indirect_dma semaphore(%arg24 : memref<!tpu.dma_semaphore, #tpu.memory_space<semaphore_mem>>) src(%dma_wait3A_102 : memref<10000x128xf32, #tpu.memory_space<hbm>>) dst(%arg13 : memref<80x128xf32, #tpu.memory_space<vmem>>)
      %dma_wait3A_103 = arith.constant 0 : i32
      %dma_wait3A_104 = arith.constant 0 : i32
      %dma_wait3A_105 = tpu.memref_slice %arg5[%dma_wait3A_103, %dma_wait3A_104] : memref<320000x128xf32, #tpu.memory_space<hbm>> -> memref<80x128xf32, #tpu.memory_space<hbm>>
      %dma_wait3A_106 = arith.constant 0 : i32
      %dma_wait3A_107 = arith.constant 0 : i32
      %dma_wait3A_108 = tpu.memref_slice %arg5[%dma_wait3A_106, %dma_wait3A_107] : memref<320000x128xf32, #tpu.memory_space<hbm>> -> memref<80x128xf32, #tpu.memory_space<hbm>>
      tpu.wait_dma2 semaphore(%arg26 : memref<!tpu.dma_semaphore, #tpu.memory_space<semaphore_mem>>) src(%dma_wait3A_108 : memref<80x128xf32, #tpu.memory_space<hbm>>) dst(%arg15 : memref<80x128xf32, #tpu.memory_space<vmem>>)
      %scan3A_109 = arith.constant 0 : i32
      %scan3A_110 = arith.constant 0 : i32
      %scan3A_111 = arith.constant 80 : i32
      %scan3A_112 = arith.addi %scan3A_110, %scan3A_111 : i32
      %scan3A_113 = arith.constant 1 : i32
      scf.for %scan3A_220 = %scan3A_110 to %scan3A_112 step %scan3A_113  : i32 {
        %get3A = arith.index_cast %scan3A_220 : i32 to index
        %get3A_221 = arith.constant 0 : index
        %get3A_222 = tpu.vector_load %arg15[%get3A, %get3A_221] {strides = array<i32>} : memref<80x128xf32, #tpu.memory_space<vmem>>, vector<1x16xf32>,
        %get3A_223 = vector.shape_cast %get3A_222 : vector<1x16xf32> to vector<16xf32>
        %get3A_224 = arith.index_cast %scan3A_220 : i32 to index
        %get3A_225 = arith.constant 0 : index
        %get3A_226 = tpu.vector_load %arg13[%get3A_224, %get3A_225] {strides = array<i32>} : memref<80x128xf32, #tpu.memory_space<vmem>>, vector<1x16xf32>,
        %get3A_227 = vector.shape_cast %get3A_226 : vector<1x16xf32> to vector<16xf32>
        %mul3A_228 = arith.mulf %get3A_223, %get3A_227 : vector<16xf32>
        %swap3A = arith.index_cast %scan3A_220 : i32 to index
        %swap3A_229 = arith.constant 0 : index
        %swap3A_230 = tpu.vector_load %arg13[%swap3A, %swap3A_229] {strides = array<i32>} : memref<80x128xf32, #tpu.memory_space<vmem>>, vector<1x16xf32>,
        %swap3A_231 = vector.shape_cast %swap3A_230 : vector<1x16xf32> to vector<16xf32>
        %swap3A_232 = vector.shape_cast %mul3A_228 : vector<16xf32> to vector<1x16xf32>
        tpu.vector_store %arg13[%swap3A, %swap3A_229], %swap3A_232 {strides = array<i32>} : memref<80x128xf32, #tpu.memory_space<vmem>>, vector<1x16xf32>,
        %get3A_233 = arith.index_cast %scan3A_220 : i32 to index
        %get3A_234 = arith.constant 16 : index
        %get3A_235 = tpu.vector_load %arg15[%get3A_233, %get3A_234] {strides = array<i32>} : memref<80x128xf32, #tpu.memory_space<vmem>>, vector<1x16xf32>,
        %get3A_236 = vector.shape_cast %get3A_235 : vector<1x16xf32> to vector<16xf32>
        %get3A_237 = arith.index_cast %scan3A_220 : i32 to index
        %get3A_238 = arith.constant 16 : index
        %get3A_239 = tpu.vector_load %arg13[%get3A_237, %get3A_238] {strides = array<i32>} : memref<80x128xf32, #tpu.memory_space<vmem>>, vector<1x16xf32>,
        %get3A_240 = vector.shape_cast %get3A_239 : vector<1x16xf32> to vector<16xf32>
        %mul3A_241 = arith.mulf %get3A_236, %get3A_240 : vector<16xf32>
        %swap3A_242 = arith.index_cast %scan3A_220 : i32 to index
        %swap3A_243 = arith.constant 16 : index
        %swap3A_244 = tpu.vector_load %arg13[%swap3A_242, %swap3A_243] {strides = array<i32>} : memref<80x128xf32, #tpu.memory_space<vmem>>, vector<1x16xf32>,
        %swap3A_245 = vector.shape_cast %swap3A_244 : vector<1x16xf32> to vector<16xf32>
        %swap3A_246 = vector.shape_cast %mul3A_241 : vector<16xf32> to vector<1x16xf32>
        tpu.vector_store %arg13[%swap3A_242, %swap3A_243], %swap3A_246 {strides = array<i32>} : memref<80x128xf32, #tpu.memory_space<vmem>>, vector<1x16xf32>,
        %get3A_247 = arith.index_cast %scan3A_220 : i32 to index
        %get3A_248 = arith.constant 32 : index
        %get3A_249 = tpu.vector_load %arg15[%get3A_247, %get3A_248] {strides = array<i32>} : memref<80x128xf32, #tpu.memory_space<vmem>>, vector<1x16xf32>,
        %get3A_250 = vector.shape_cast %get3A_249 : vector<1x16xf32> to vector<16xf32>
        %get3A_251 = arith.index_cast %scan3A_220 : i32 to index
        %get3A_252 = arith.constant 32 : index
        %get3A_253 = tpu.vector_load %arg13[%get3A_251, %get3A_252] {strides = array<i32>} : memref<80x128xf32, #tpu.memory_space<vmem>>, vector<1x16xf32>,
        %get3A_254 = vector.shape_cast %get3A_253 : vector<1x16xf32> to vector<16xf32>
        %mul3A_255 = arith.mulf %get3A_250, %get3A_254 : vector<16xf32>
        %swap3A_256 = arith.index_cast %scan3A_220 : i32 to index
        %swap3A_257 = arith.constant 32 : index
        %swap3A_258 = tpu.vector_load %arg13[%swap3A_256, %swap3A_257] {strides = array<i32>} : memref<80x128xf32, #tpu.memory_space<vmem>>, vector<1x16xf32>,
        %swap3A_259 = vector.shape_cast %swap3A_258 : vector<1x16xf32> to vector<16xf32>
        %swap3A_260 = vector.shape_cast %mul3A_255 : vector<16xf32> to vector<1x16xf32>
        tpu.vector_store %arg13[%swap3A_256, %swap3A_257], %swap3A_260 {strides = array<i32>} : memref<80x128xf32, #tpu.memory_space<vmem>>, vector<1x16xf32>,
        %get3A_261 = arith.index_cast %scan3A_220 : i32 to index
        %get3A_262 = arith.constant 48 : index
        %get3A_263 = tpu.vector_load %arg15[%get3A_261, %get3A_262] {strides = array<i32>} : memref<80x128xf32, #tpu.memory_space<vmem>>, vector<1x16xf32>,
        %get3A_264 = vector.shape_cast %get3A_263 : vector<1x16xf32> to vector<16xf32>
        %get3A_265 = arith.index_cast %scan3A_220 : i32 to index
        %get3A_266 = arith.constant 48 : index
        %get3A_267 = tpu.vector_load %arg13[%get3A_265, %get3A_266] {strides = array<i32>} : memref<80x128xf32, #tpu.memory_space<vmem>>, vector<1x16xf32>,
        %get3A_268 = vector.shape_cast %get3A_267 : vector<1x16xf32> to vector<16xf32>
        %mul3A_269 = arith.mulf %get3A_264, %get3A_268 : vector<16xf32>
        %swap3A_270 = arith.index_cast %scan3A_220 : i32 to index
        %swap3A_271 = arith.constant 48 : index
        %swap3A_272 = tpu.vector_load %arg13[%swap3A_270, %swap3A_271] {strides = array<i32>} : memref<80x128xf32, #tpu.memory_space<vmem>>, vector<1x16xf32>,
        %swap3A_273 = vector.shape_cast %swap3A_272 : vector<1x16xf32> to vector<16xf32>
        %swap3A_274 = vector.shape_cast %mul3A_269 : vector<16xf32> to vector<1x16xf32>
        tpu.vector_store %arg13[%swap3A_270, %swap3A_271], %swap3A_274 {strides = array<i32>} : memref<80x128xf32, #tpu.memory_space<vmem>>, vector<1x16xf32>,
        %get3A_275 = arith.index_cast %scan3A_220 : i32 to index
        %get3A_276 = arith.constant 64 : index
        %get3A_277 = tpu.vector_load %arg15[%get3A_275, %get3A_276] {strides = array<i32>} : memref<80x128xf32, #tpu.memory_space<vmem>>, vector<1x16xf32>,
        %get3A_278 = vector.shape_cast %get3A_277 : vector<1x16xf32> to vector<16xf32>
        %get3A_279 = arith.index_cast %scan3A_220 : i32 to index
        %get3A_280 = arith.constant 64 : index
        %get3A_281 = tpu.vector_load %arg13[%get3A_279, %get3A_280] {strides = array<i32>} : memref<80x128xf32, #tpu.memory_space<vmem>>, vector<1x16xf32>,
        %get3A_282 = vector.shape_cast %get3A_281 : vector<1x16xf32> to vector<16xf32>
        %mul3A_283 = arith.mulf %get3A_278, %get3A_282 : vector<16xf32>
        %swap3A_284 = arith.index_cast %scan3A_220 : i32 to index
        %swap3A_285 = arith.constant 64 : index
        %swap3A_286 = tpu.vector_load %arg13[%swap3A_284, %swap3A_285] {strides = array<i32>} : memref<80x128xf32, #tpu.memory_space<vmem>>, vector<1x16xf32>,
        %swap3A_287 = vector.shape_cast %swap3A_286 : vector<1x16xf32> to vector<16xf32>
        %swap3A_288 = vector.shape_cast %mul3A_283 : vector<16xf32> to vector<1x16xf32>
        tpu.vector_store %arg13[%swap3A_284, %swap3A_285], %swap3A_288 {strides = array<i32>} : memref<80x128xf32, #tpu.memory_space<vmem>>, vector<1x16xf32>,
        %get3A_289 = arith.index_cast %scan3A_220 : i32 to index
        %get3A_290 = arith.constant 80 : index
        %get3A_291 = tpu.vector_load %arg15[%get3A_289, %get3A_290] {strides = array<i32>} : memref<80x128xf32, #tpu.memory_space<vmem>>, vector<1x16xf32>,
        %get3A_292 = vector.shape_cast %get3A_291 : vector<1x16xf32> to vector<16xf32>
        %get3A_293 = arith.index_cast %scan3A_220 : i32 to index
        %get3A_294 = arith.constant 80 : index
        %get3A_295 = tpu.vector_load %arg13[%get3A_293, %get3A_294] {strides = array<i32>} : memref<80x128xf32, #tpu.memory_space<vmem>>, vector<1x16xf32>,
        %get3A_296 = vector.shape_cast %get3A_295 : vector<1x16xf32> to vector<16xf32>
        %mul3A_297 = arith.mulf %get3A_292, %get3A_296 : vector<16xf32>
        %swap3A_298 = arith.index_cast %scan3A_220 : i32 to index
        %swap3A_299 = arith.constant 80 : index
        %swap3A_300 = tpu.vector_load %arg13[%swap3A_298, %swap3A_299] {strides = array<i32>} : memref<80x128xf32, #tpu.memory_space<vmem>>, vector<1x16xf32>,
        %swap3A_301 = vector.shape_cast %swap3A_300 : vector<1x16xf32> to vector<16xf32>
        %swap3A_302 = vector.shape_cast %mul3A_297 : vector<16xf32> to vector<1x16xf32>
        tpu.vector_store %arg13[%swap3A_298, %swap3A_299], %swap3A_302 {strides = array<i32>} : memref<80x128xf32, #tpu.memory_space<vmem>>, vector<1x16xf32>,
        %get3A_303 = arith.index_cast %scan3A_220 : i32 to index
        %get3A_304 = arith.constant 96 : index
        %get3A_305 = tpu.vector_load %arg15[%get3A_303, %get3A_304] {strides = array<i32>} : memref<80x128xf32, #tpu.memory_space<vmem>>, vector<1x16xf32>,
        %get3A_306 = vector.shape_cast %get3A_305 : vector<1x16xf32> to vector<16xf32>
        %get3A_307 = arith.index_cast %scan3A_220 : i32 to index
        %get3A_308 = arith.constant 96 : index
        %get3A_309 = tpu.vector_load %arg13[%get3A_307, %get3A_308] {strides = array<i32>} : memref<80x128xf32, #tpu.memory_space<vmem>>, vector<1x16xf32>,
        %get3A_310 = vector.shape_cast %get3A_309 : vector<1x16xf32> to vector<16xf32>
        %mul3A_311 = arith.mulf %get3A_306, %get3A_310 : vector<16xf32>
        %swap3A_312 = arith.index_cast %scan3A_220 : i32 to index
        %swap3A_313 = arith.constant 96 : index
        %swap3A_314 = tpu.vector_load %arg13[%swap3A_312, %swap3A_313] {strides = array<i32>} : memref<80x128xf32, #tpu.memory_space<vmem>>, vector<1x16xf32>,
        %swap3A_315 = vector.shape_cast %swap3A_314 : vector<1x16xf32> to vector<16xf32>
        %swap3A_316 = vector.shape_cast %mul3A_311 : vector<16xf32> to vector<1x16xf32>
        tpu.vector_store %arg13[%swap3A_312, %swap3A_313], %swap3A_316 {strides = array<i32>} : memref<80x128xf32, #tpu.memory_space<vmem>>, vector<1x16xf32>,
        %get3A_317 = arith.index_cast %scan3A_220 : i32 to index
        %get3A_318 = arith.constant 112 : index
        %get3A_319 = tpu.vector_load %arg15[%get3A_317, %get3A_318] {strides = array<i32>} : memref<80x128xf32, #tpu.memory_space<vmem>>, vector<1x16xf32>,
        %get3A_320 = vector.shape_cast %get3A_319 : vector<1x16xf32> to vector<16xf32>
        %get3A_321 = arith.index_cast %scan3A_220 : i32 to index
        %get3A_322 = arith.constant 112 : index
        %get3A_323 = tpu.vector_load %arg13[%get3A_321, %get3A_322] {strides = array<i32>} : memref<80x128xf32, #tpu.memory_space<vmem>>, vector<1x16xf32>,
        %get3A_324 = vector.shape_cast %get3A_323 : vector<1x16xf32> to vector<16xf32>
        %mul3A_325 = arith.mulf %get3A_320, %get3A_324 : vector<16xf32>
        %swap3A_326 = arith.index_cast %scan3A_220 : i32 to index
        %swap3A_327 = arith.constant 112 : index
        %swap3A_328 = tpu.vector_load %arg13[%swap3A_326, %swap3A_327] {strides = array<i32>} : memref<80x128xf32, #tpu.memory_space<vmem>>, vector<1x16xf32>,
        %swap3A_329 = vector.shape_cast %swap3A_328 : vector<1x16xf32> to vector<16xf32>
        %swap3A_330 = vector.shape_cast %mul3A_325 : vector<16xf32> to vector<1x16xf32>
        tpu.vector_store %arg13[%swap3A_326, %swap3A_327], %swap3A_330 {strides = array<i32>} : memref<80x128xf32, #tpu.memory_space<vmem>>, vector<1x16xf32>,
      }
      %scan3A_114 = arith.constant 80 : i32
      %dma_start3A_115 = arith.constant 0 : i32
      %dma_start3A_116 = arith.constant 0 : i32
      %dma_start3A_117 = tpu.memref_slice %arg17[%dma_start3A_115, %dma_start3A_116] : memref<10240x128xf32, #tpu.memory_space<vmem_shared>> -> memref<10240x128xf32, #tpu.memory_space<vmem_shared>>
      tpu.enqueue_indirect_dma source(%arg13 : memref<80x128xf32, #tpu.memory_space<vmem>>) target(%dma_start3A_117 : memref<10240x128xf32, #tpu.memory_space<vmem_shared>>) offsets(%arg9 : memref<80xi32, #tpu.memory_space<vmem>>) semaphore(%arg28 : memref<!tpu.dma_semaphore, #tpu.memory_space<semaphore_mem>>) {add = true}
      %add3A_118 = arith.constant 2 : i32
      %add3A_119 = arith.addi %add3A_96, %add3A_118 : i32
      %lt3A_120 = arith.cmpi slt, %add3A_119, %select_n3A : i32
      %convert_element_type3A_121 = arith.extui %lt3A_120 : i1 to i32
      %cond3A_122 = arith.constant 0 : i32
      %cond3A_123 = arith.cmpi ne, %convert_element_type3A_121, %cond3A_122 : i32
      scf.if %cond3A_123 {
        %add3A_220 = arith.constant 2 : i32
        %add3A_221 = arith.addi %add3A_96, %add3A_220 : i32
        %mul3A_222 = arith.constant 80 : i32
        %mul3A_223 = arith.muli %add3A_221, %mul3A_222 : i32
        %add3A_224 = arith.addi %mul3A_2, %mul3A_223 : i32
        %dma_start3A_225 = tpu.memref_slice %arg2[%add3A_224] : memref<320000xi32, #tpu.memory_space<hbm>> -> memref<80xi32, #tpu.memory_space<hbm>>
        %dma_start3A_226 = tpu.memref_slice %arg2[%add3A_224] : memref<320000xi32, #tpu.memory_space<hbm>> -> memref<80xi32, #tpu.memory_space<hbm>>
        tpu.enqueue_dma source(%dma_start3A_226 : memref<80xi32, #tpu.memory_space<hbm>>) target(%arg7 : memref<80xi32, #tpu.memory_space<vmem>>) target_semaphore(%arg18 : memref<!tpu.dma_semaphore, #tpu.memory_space<semaphore_mem>>)
        %dma_start3A_227 = tpu.memref_slice %arg3[%add3A_224] : memref<320000xi32, #tpu.memory_space<hbm>> -> memref<80xi32, #tpu.memory_space<hbm>>
        %dma_start3A_228 = tpu.memref_slice %arg3[%add3A_224] : memref<320000xi32, #tpu.memory_space<hbm>> -> memref<80xi32, #tpu.memory_space<hbm>>
        tpu.enqueue_dma source(%dma_start3A_228 : memref<80xi32, #tpu.memory_space<hbm>>) target(%arg11 : memref<80xi32, #tpu.memory_space<vmem>>) target_semaphore(%arg22 : memref<!tpu.dma_semaphore, #tpu.memory_space<semaphore_mem>>)
      } else {
      }
      %add3A_124 = arith.constant 1 : i32
      %add3A_125 = arith.addi %mul3A_94, %add3A_124 : i32
      %add3A_126 = arith.constant 1 : i32
      %add3A_127 = arith.addi %add3A_125, %add3A_126 : i32
      %lt3A_128 = arith.cmpi slt, %add3A_127, %select_n3A : i32
      %convert_element_type3A_129 = arith.extui %lt3A_128 : i1 to i32
      %cond3A_130 = arith.constant 0 : i32
      %cond3A_131 = arith.cmpi ne, %convert_element_type3A_129, %cond3A_130 : i32
      scf.if %cond3A_131 {
        %dma_wait3A_220 = arith.constant 0 : i32
        %dma_wait3A_221 = tpu.memref_slice %arg2[%dma_wait3A_220] : memref<320000xi32, #tpu.memory_space<hbm>> -> memref<80xi32, #tpu.memory_space<hbm>>
        %dma_wait3A_222 = arith.constant 0 : i32
        %dma_wait3A_223 = tpu.memref_slice %arg2[%dma_wait3A_222] : memref<320000xi32, #tpu.memory_space<hbm>> -> memref<80xi32, #tpu.memory_space<hbm>>
        tpu.wait_dma2 semaphore(%arg18 : memref<!tpu.dma_semaphore, #tpu.memory_space<semaphore_mem>>) src(%dma_wait3A_223 : memref<80xi32, #tpu.memory_space<hbm>>) dst(%arg7 : memref<80xi32, #tpu.memory_space<vmem>>)
        %dma_wait3A_224 = arith.constant 0 : i32
        %dma_wait3A_225 = tpu.memref_slice %arg3[%dma_wait3A_224] : memref<320000xi32, #tpu.memory_space<hbm>> -> memref<80xi32, #tpu.memory_space<hbm>>
        %dma_wait3A_226 = arith.constant 0 : i32
        %dma_wait3A_227 = tpu.memref_slice %arg3[%dma_wait3A_226] : memref<320000xi32, #tpu.memory_space<hbm>> -> memref<80xi32, #tpu.memory_space<hbm>>
        tpu.wait_dma2 semaphore(%arg22 : memref<!tpu.dma_semaphore, #tpu.memory_space<semaphore_mem>>) src(%dma_wait3A_227 : memref<80xi32, #tpu.memory_space<hbm>>) dst(%arg11 : memref<80xi32, #tpu.memory_space<vmem>>)
        %ge3A = arith.constant 1 : i32
        %ge3A_228 = arith.cmpi sge, %add3A_125, %ge3A : i32
        %convert_element_type3A_229 = arith.extui %ge3A_228 : i1 to i32
        %cond3A_230 = arith.constant 0 : i32
        %cond3A_231 = arith.cmpi ne, %convert_element_type3A_229, %cond3A_230 : i32
        scf.if %cond3A_231 {
          %dma_wait3A_244 = arith.constant 0 : i32
          %dma_wait3A_245 = arith.constant 0 : i32
          %dma_wait3A_246 = tpu.memref_slice %arg17[%dma_wait3A_244, %dma_wait3A_245] : memref<10240x128xf32, #tpu.memory_space<vmem_shared>> -> memref<10240x128xf32, #tpu.memory_space<vmem_shared>>
          tpu.wait_indirect_dma semaphore(%arg28 : memref<!tpu.dma_semaphore, #tpu.memory_space<semaphore_mem>>) src(%arg13 : memref<80x128xf32, #tpu.memory_space<vmem>>) dst(%dma_wait3A_246 : memref<10240x128xf32, #tpu.memory_space<vmem_shared>>)
        } else {
        }
        %dma_start3A_232 = arith.constant 0 : i32
        %dma_start3A_233 = arith.constant 0 : i32
        %dma_start3A_234 = tpu.memref_slice %arg4[%dma_start3A_232, %dma_start3A_233] : memref<10000x128xf32, #tpu.memory_space<hbm>> -> memref<10000x128xf32, #tpu.memory_space<hbm>>
        tpu.enqueue_indirect_dma source(%dma_start3A_234 : memref<10000x128xf32, #tpu.memory_space<hbm>>) target(%arg13 : memref<80x128xf32, #tpu.memory_space<vmem>>) offsets(%arg7 : memref<80xi32, #tpu.memory_space<vmem>>) semaphore(%arg24 : memref<!tpu.dma_semaphore, #tpu.memory_space<semaphore_mem>>)
        %add3A_235 = arith.constant 1 : i32
        %add3A_236 = arith.addi %add3A_125, %add3A_235 : i32
        %mul3A_237 = arith.constant 80 : i32
        %mul3A_238 = arith.muli %add3A_236, %mul3A_237 : i32
        %add3A_239 = arith.addi %mul3A_2, %mul3A_238 : i32
        %dma_start3A_240 = arith.constant 0 : i32
        %dma_start3A_241 = tpu.memref_slice %arg5[%add3A_239, %dma_start3A_240] : memref<320000x128xf32, #tpu.memory_space<hbm>> -> memref<80x128xf32, #tpu.memory_space<hbm>>
        %dma_start3A_242 = arith.constant 0 : i32
        %dma_start3A_243 = tpu.memref_slice %arg5[%add3A_239, %dma_start3A_242] : memref<320000x128xf32, #tpu.memory_space<hbm>> -> memref<80x128xf32, #tpu.memory_space<hbm>>
        tpu.enqueue_dma source(%dma_start3A_243 : memref<80x128xf32, #tpu.memory_space<hbm>>) target(%arg15 : memref<80x128xf32, #tpu.memory_space<vmem>>) target_semaphore(%arg26 : memref<!tpu.dma_semaphore, #tpu.memory_space<semaphore_mem>>)
      } else {
      }
      %dma_wait3A_132 = arith.constant 0 : i32
      %dma_wait3A_133 = arith.constant 0 : i32
      %dma_wait3A_134 = tpu.memref_slice %arg4[%dma_wait3A_132, %dma_wait3A_133] : memref<10000x128xf32, #tpu.memory_space<hbm>> -> memref<10000x128xf32, #tpu.memory_space<hbm>>
      tpu.wait_indirect_dma semaphore(%arg25 : memref<!tpu.dma_semaphore, #tpu.memory_space<semaphore_mem>>) src(%dma_wait3A_134 : memref<10000x128xf32, #tpu.memory_space<hbm>>) dst(%arg14 : memref<80x128xf32, #tpu.memory_space<vmem>>)
      %dma_wait3A_135 = arith.constant 0 : i32
      %dma_wait3A_136 = arith.constant 0 : i32
      %dma_wait3A_137 = tpu.memref_slice %arg5[%dma_wait3A_135, %dma_wait3A_136] : memref<320000x128xf32, #tpu.memory_space<hbm>> -> memref<80x128xf32, #tpu.memory_space<hbm>>
      %dma_wait3A_138 = arith.constant 0 : i32
      %dma_wait3A_139 = arith.constant 0 : i32
      %dma_wait3A_140 = tpu.memref_slice %arg5[%dma_wait3A_138, %dma_wait3A_139] : memref<320000x128xf32, #tpu.memory_space<hbm>> -> memref<80x128xf32, #tpu.memory_space<hbm>>
      tpu.wait_dma2 semaphore(%arg27 : memref<!tpu.dma_semaphore, #tpu.memory_space<semaphore_mem>>) src(%dma_wait3A_140 : memref<80x128xf32, #tpu.memory_space<hbm>>) dst(%arg16 : memref<80x128xf32, #tpu.memory_space<vmem>>)
      %scan3A_141 = arith.constant 0 : i32
      %scan3A_142 = arith.constant 0 : i32
      %scan3A_143 = arith.constant 80 : i32
      %scan3A_144 = arith.addi %scan3A_142, %scan3A_143 : i32
      %scan3A_145 = arith.constant 1 : i32
      scf.for %scan3A_220 = %scan3A_142 to %scan3A_144 step %scan3A_145  : i32 {
        %get3A = arith.index_cast %scan3A_220 : i32 to index
        %get3A_221 = arith.constant 0 : index
        %get3A_222 = tpu.vector_load %arg16[%get3A, %get3A_221] {strides = array<i32>} : memref<80x128xf32, #tpu.memory_space<vmem>>, vector<1x16xf32>,
        %get3A_223 = vector.shape_cast %get3A_222 : vector<1x16xf32> to vector<16xf32>
        %get3A_224 = arith.index_cast %scan3A_220 : i32 to index
        %get3A_225 = arith.constant 0 : index
        %get3A_226 = tpu.vector_load %arg14[%get3A_224, %get3A_225] {strides = array<i32>} : memref<80x128xf32, #tpu.memory_space<vmem>>, vector<1x16xf32>,
        %get3A_227 = vector.shape_cast %get3A_226 : vector<1x16xf32> to vector<16xf32>
        %mul3A_228 = arith.mulf %get3A_223, %get3A_227 : vector<16xf32>
        %swap3A = arith.index_cast %scan3A_220 : i32 to index
        %swap3A_229 = arith.constant 0 : index
        %swap3A_230 = tpu.vector_load %arg14[%swap3A, %swap3A_229] {strides = array<i32>} : memref<80x128xf32, #tpu.memory_space<vmem>>, vector<1x16xf32>,
        %swap3A_231 = vector.shape_cast %swap3A_230 : vector<1x16xf32> to vector<16xf32>
        %swap3A_232 = vector.shape_cast %mul3A_228 : vector<16xf32> to vector<1x16xf32>
        tpu.vector_store %arg14[%swap3A, %swap3A_229], %swap3A_232 {strides = array<i32>} : memref<80x128xf32, #tpu.memory_space<vmem>>, vector<1x16xf32>,
        %get3A_233 = arith.index_cast %scan3A_220 : i32 to index
        %get3A_234 = arith.constant 16 : index
        %get3A_235 = tpu.vector_load %arg16[%get3A_233, %get3A_234] {strides = array<i32>} : memref<80x128xf32, #tpu.memory_space<vmem>>, vector<1x16xf32>,
        %get3A_236 = vector.shape_cast %get3A_235 : vector<1x16xf32> to vector<16xf32>
        %get3A_237 = arith.index_cast %scan3A_220 : i32 to index
        %get3A_238 = arith.constant 16 : index
        %get3A_239 = tpu.vector_load %arg14[%get3A_237, %get3A_238] {strides = array<i32>} : memref<80x128xf32, #tpu.memory_space<vmem>>, vector<1x16xf32>,
        %get3A_240 = vector.shape_cast %get3A_239 : vector<1x16xf32> to vector<16xf32>
        %mul3A_241 = arith.mulf %get3A_236, %get3A_240 : vector<16xf32>
        %swap3A_242 = arith.index_cast %scan3A_220 : i32 to index
        %swap3A_243 = arith.constant 16 : index
        %swap3A_244 = tpu.vector_load %arg14[%swap3A_242, %swap3A_243] {strides = array<i32>} : memref<80x128xf32, #tpu.memory_space<vmem>>, vector<1x16xf32>,
        %swap3A_245 = vector.shape_cast %swap3A_244 : vector<1x16xf32> to vector<16xf32>
        %swap3A_246 = vector.shape_cast %mul3A_241 : vector<16xf32> to vector<1x16xf32>
        tpu.vector_store %arg14[%swap3A_242, %swap3A_243], %swap3A_246 {strides = array<i32>} : memref<80x128xf32, #tpu.memory_space<vmem>>, vector<1x16xf32>,
        %get3A_247 = arith.index_cast %scan3A_220 : i32 to index
        %get3A_248 = arith.constant 32 : index
        %get3A_249 = tpu.vector_load %arg16[%get3A_247, %get3A_248] {strides = array<i32>} : memref<80x128xf32, #tpu.memory_space<vmem>>, vector<1x16xf32>,
        %get3A_250 = vector.shape_cast %get3A_249 : vector<1x16xf32> to vector<16xf32>
        %get3A_251 = arith.index_cast %scan3A_220 : i32 to index
        %get3A_252 = arith.constant 32 : index
        %get3A_253 = tpu.vector_load %arg14[%get3A_251, %get3A_252] {strides = array<i32>} : memref<80x128xf32, #tpu.memory_space<vmem>>, vector<1x16xf32>,
        %get3A_254 = vector.shape_cast %get3A_253 : vector<1x16xf32> to vector<16xf32>
        %mul3A_255 = arith.mulf %get3A_250, %get3A_254 : vector<16xf32>
        %swap3A_256 = arith.index_cast %scan3A_220 : i32 to index
        %swap3A_257 = arith.constant 32 : index
        %swap3A_258 = tpu.vector_load %arg14[%swap3A_256, %swap3A_257] {strides = array<i32>} : memref<80x128xf32, #tpu.memory_space<vmem>>, vector<1x16xf32>,
        %swap3A_259 = vector.shape_cast %swap3A_258 : vector<1x16xf32> to vector<16xf32>
        %swap3A_260 = vector.shape_cast %mul3A_255 : vector<16xf32> to vector<1x16xf32>
        tpu.vector_store %arg14[%swap3A_256, %swap3A_257], %swap3A_260 {strides = array<i32>} : memref<80x128xf32, #tpu.memory_space<vmem>>, vector<1x16xf32>,
        %get3A_261 = arith.index_cast %scan3A_220 : i32 to index
        %get3A_262 = arith.constant 48 : index
        %get3A_263 = tpu.vector_load %arg16[%get3A_261, %get3A_262] {strides = array<i32>} : memref<80x128xf32, #tpu.memory_space<vmem>>, vector<1x16xf32>,
        %get3A_264 = vector.shape_cast %get3A_263 : vector<1x16xf32> to vector<16xf32>
        %get3A_265 = arith.index_cast %scan3A_220 : i32 to index
        %get3A_266 = arith.constant 48 : index
        %get3A_267 = tpu.vector_load %arg14[%get3A_265, %get3A_266] {strides = array<i32>} : memref<80x128xf32, #tpu.memory_space<vmem>>, vector<1x16xf32>,
        %get3A_268 = vector.shape_cast %get3A_267 : vector<1x16xf32> to vector<16xf32>
        %mul3A_269 = arith.mulf %get3A_264, %get3A_268 : vector<16xf32>
        %swap3A_270 = arith.index_cast %scan3A_220 : i32 to index
        %swap3A_271 = arith.constant 48 : index
        %swap3A_272 = tpu.vector_load %arg14[%swap3A_270, %swap3A_271] {strides = array<i32>} : memref<80x128xf32, #tpu.memory_space<vmem>>, vector<1x16xf32>,
        %swap3A_273 = vector.shape_cast %swap3A_272 : vector<1x16xf32> to vector<16xf32>
        %swap3A_274 = vector.shape_cast %mul3A_269 : vector<16xf32> to vector<1x16xf32>
        tpu.vector_store %arg14[%swap3A_270, %swap3A_271], %swap3A_274 {strides = array<i32>} : memref<80x128xf32, #tpu.memory_space<vmem>>, vector<1x16xf32>,
        %get3A_275 = arith.index_cast %scan3A_220 : i32 to index
        %get3A_276 = arith.constant 64 : index
        %get3A_277 = tpu.vector_load %arg16[%get3A_275, %get3A_276] {strides = array<i32>} : memref<80x128xf32, #tpu.memory_space<vmem>>, vector<1x16xf32>,
        %get3A_278 = vector.shape_cast %get3A_277 : vector<1x16xf32> to vector<16xf32>
        %get3A_279 = arith.index_cast %scan3A_220 : i32 to index
        %get3A_280 = arith.constant 64 : index
        %get3A_281 = tpu.vector_load %arg14[%get3A_279, %get3A_280] {strides = array<i32>} : memref<80x128xf32, #tpu.memory_space<vmem>>, vector<1x16xf32>,
        %get3A_282 = vector.shape_cast %get3A_281 : vector<1x16xf32> to vector<16xf32>
        %mul3A_283 = arith.mulf %get3A_278, %get3A_282 : vector<16xf32>
        %swap3A_284 = arith.index_cast %scan3A_220 : i32 to index
        %swap3A_285 = arith.constant 64 : index
        %swap3A_286 = tpu.vector_load %arg14[%swap3A_284, %swap3A_285] {strides = array<i32>} : memref<80x128xf32, #tpu.memory_space<vmem>>, vector<1x16xf32>,
        %swap3A_287 = vector.shape_cast %swap3A_286 : vector<1x16xf32> to vector<16xf32>
        %swap3A_288 = vector.shape_cast %mul3A_283 : vector<16xf32> to vector<1x16xf32>
        tpu.vector_store %arg14[%swap3A_284, %swap3A_285], %swap3A_288 {strides = array<i32>} : memref<80x128xf32, #tpu.memory_space<vmem>>, vector<1x16xf32>,
        %get3A_289 = arith.index_cast %scan3A_220 : i32 to index
        %get3A_290 = arith.constant 80 : index
        %get3A_291 = tpu.vector_load %arg16[%get3A_289, %get3A_290] {strides = array<i32>} : memref<80x128xf32, #tpu.memory_space<vmem>>, vector<1x16xf32>,
        %get3A_292 = vector.shape_cast %get3A_291 : vector<1x16xf32> to vector<16xf32>
        %get3A_293 = arith.index_cast %scan3A_220 : i32 to index
        %get3A_294 = arith.constant 80 : index
        %get3A_295 = tpu.vector_load %arg14[%get3A_293, %get3A_294] {strides = array<i32>} : memref<80x128xf32, #tpu.memory_space<vmem>>, vector<1x16xf32>,
        %get3A_296 = vector.shape_cast %get3A_295 : vector<1x16xf32> to vector<16xf32>
        %mul3A_297 = arith.mulf %get3A_292, %get3A_296 : vector<16xf32>
        %swap3A_298 = arith.index_cast %scan3A_220 : i32 to index
        %swap3A_299 = arith.constant 80 : index
        %swap3A_300 = tpu.vector_load %arg14[%swap3A_298, %swap3A_299] {strides = array<i32>} : memref<80x128xf32, #tpu.memory_space<vmem>>, vector<1x16xf32>,
        %swap3A_301 = vector.shape_cast %swap3A_300 : vector<1x16xf32> to vector<16xf32>
        %swap3A_302 = vector.shape_cast %mul3A_297 : vector<16xf32> to vector<1x16xf32>
        tpu.vector_store %arg14[%swap3A_298, %swap3A_299], %swap3A_302 {strides = array<i32>} : memref<80x128xf32, #tpu.memory_space<vmem>>, vector<1x16xf32>,
        %get3A_303 = arith.index_cast %scan3A_220 : i32 to index
        %get3A_304 = arith.constant 96 : index
        %get3A_305 = tpu.vector_load %arg16[%get3A_303, %get3A_304] {strides = array<i32>} : memref<80x128xf32, #tpu.memory_space<vmem>>, vector<1x16xf32>,
        %get3A_306 = vector.shape_cast %get3A_305 : vector<1x16xf32> to vector<16xf32>
        %get3A_307 = arith.index_cast %scan3A_220 : i32 to index
        %get3A_308 = arith.constant 96 : index
        %get3A_309 = tpu.vector_load %arg14[%get3A_307, %get3A_308] {strides = array<i32>} : memref<80x128xf32, #tpu.memory_space<vmem>>, vector<1x16xf32>,
        %get3A_310 = vector.shape_cast %get3A_309 : vector<1x16xf32> to vector<16xf32>
        %mul3A_311 = arith.mulf %get3A_306, %get3A_310 : vector<16xf32>
        %swap3A_312 = arith.index_cast %scan3A_220 : i32 to index
        %swap3A_313 = arith.constant 96 : index
        %swap3A_314 = tpu.vector_load %arg14[%swap3A_312, %swap3A_313] {strides = array<i32>} : memref<80x128xf32, #tpu.memory_space<vmem>>, vector<1x16xf32>,
        %swap3A_315 = vector.shape_cast %swap3A_314 : vector<1x16xf32> to vector<16xf32>
        %swap3A_316 = vector.shape_cast %mul3A_311 : vector<16xf32> to vector<1x16xf32>
        tpu.vector_store %arg14[%swap3A_312, %swap3A_313], %swap3A_316 {strides = array<i32>} : memref<80x128xf32, #tpu.memory_space<vmem>>, vector<1x16xf32>,
        %get3A_317 = arith.index_cast %scan3A_220 : i32 to index
        %get3A_318 = arith.constant 112 : index
        %get3A_319 = tpu.vector_load %arg16[%get3A_317, %get3A_318] {strides = array<i32>} : memref<80x128xf32, #tpu.memory_space<vmem>>, vector<1x16xf32>,
        %get3A_320 = vector.shape_cast %get3A_319 : vector<1x16xf32> to vector<16xf32>
        %get3A_321 = arith.index_cast %scan3A_220 : i32 to index
        %get3A_322 = arith.constant 112 : index
        %get3A_323 = tpu.vector_load %arg14[%get3A_321, %get3A_322] {strides = array<i32>} : memref<80x128xf32, #tpu.memory_space<vmem>>, vector<1x16xf32>,
        %get3A_324 = vector.shape_cast %get3A_323 : vector<1x16xf32> to vector<16xf32>
        %mul3A_325 = arith.mulf %get3A_320, %get3A_324 : vector<16xf32>
        %swap3A_326 = arith.index_cast %scan3A_220 : i32 to index
        %swap3A_327 = arith.constant 112 : index
        %swap3A_328 = tpu.vector_load %arg14[%swap3A_326, %swap3A_327] {strides = array<i32>} : memref<80x128xf32, #tpu.memory_space<vmem>>, vector<1x16xf32>,
        %swap3A_329 = vector.shape_cast %swap3A_328 : vector<1x16xf32> to vector<16xf32>
        %swap3A_330 = vector.shape_cast %mul3A_325 : vector<16xf32> to vector<1x16xf32>
        tpu.vector_store %arg14[%swap3A_326, %swap3A_327], %swap3A_330 {strides = array<i32>} : memref<80x128xf32, #tpu.memory_space<vmem>>, vector<1x16xf32>,
      }
      %scan3A_146 = arith.constant 80 : i32
      %dma_start3A_147 = arith.constant 0 : i32
      %dma_start3A_148 = arith.constant 0 : i32
      %dma_start3A_149 = tpu.memref_slice %arg17[%dma_start3A_147, %dma_start3A_148] : memref<10240x128xf32, #tpu.memory_space<vmem_shared>> -> memref<10240x128xf32, #tpu.memory_space<vmem_shared>>
      tpu.enqueue_indirect_dma source(%arg14 : memref<80x128xf32, #tpu.memory_space<vmem>>) target(%dma_start3A_149 : memref<10240x128xf32, #tpu.memory_space<vmem_shared>>) offsets(%arg10 : memref<80xi32, #tpu.memory_space<vmem>>) semaphore(%arg29 : memref<!tpu.dma_semaphore, #tpu.memory_space<semaphore_mem>>) {add = true}
      %add3A_150 = arith.constant 2 : i32
      %add3A_151 = arith.addi %add3A_125, %add3A_150 : i32
      %lt3A_152 = arith.cmpi slt, %add3A_151, %select_n3A : i32
      %convert_element_type3A_153 = arith.extui %lt3A_152 : i1 to i32
      %cond3A_154 = arith.constant 0 : i32
      %cond3A_155 = arith.cmpi ne, %convert_element_type3A_153, %cond3A_154 : i32
      scf.if %cond3A_155 {
        %add3A_220 = arith.constant 2 : i32
        %add3A_221 = arith.addi %add3A_125, %add3A_220 : i32
        %mul3A_222 = arith.constant 80 : i32
        %mul3A_223 = arith.muli %add3A_221, %mul3A_222 : i32
        %add3A_224 = arith.addi %mul3A_2, %mul3A_223 : i32
        %dma_start3A_225 = tpu.memref_slice %arg2[%add3A_224] : memref<320000xi32, #tpu.memory_space<hbm>> -> memref<80xi32, #tpu.memory_space<hbm>>
        %dma_start3A_226 = tpu.memref_slice %arg2[%add3A_224] : memref<320000xi32, #tpu.memory_space<hbm>> -> memref<80xi32, #tpu.memory_space<hbm>>
        tpu.enqueue_dma source(%dma_start3A_226 : memref<80xi32, #tpu.memory_space<hbm>>) target(%arg8 : memref<80xi32, #tpu.memory_space<vmem>>) target_semaphore(%arg19 : memref<!tpu.dma_semaphore, #tpu.memory_space<semaphore_mem>>)
        %dma_start3A_227 = tpu.memref_slice %arg3[%add3A_224] : memref<320000xi32, #tpu.memory_space<hbm>> -> memref<80xi32, #tpu.memory_space<hbm>>
        %dma_start3A_228 = tpu.memref_slice %arg3[%add3A_224] : memref<320000xi32, #tpu.memory_space<hbm>> -> memref<80xi32, #tpu.memory_space<hbm>>
        tpu.enqueue_dma source(%dma_start3A_228 : memref<80xi32, #tpu.memory_space<hbm>>) target(%arg12 : memref<80xi32, #tpu.memory_space<vmem>>) target_semaphore(%arg23 : memref<!tpu.dma_semaphore, #tpu.memory_space<semaphore_mem>>)
      } else {
      }
      %add3A_156 = arith.constant 2 : i32
      %add3A_157 = arith.addi %mul3A_94, %add3A_156 : i32
      %add3A_158 = arith.constant 1 : i32
      %add3A_159 = arith.addi %add3A_157, %add3A_158 : i32
      %lt3A_160 = arith.cmpi slt, %add3A_159, %select_n3A : i32
      %convert_element_type3A_161 = arith.extui %lt3A_160 : i1 to i32
      %cond3A_162 = arith.constant 0 : i32
      %cond3A_163 = arith.cmpi ne, %convert_element_type3A_161, %cond3A_162 : i32
      scf.if %cond3A_163 {
        %dma_wait3A_220 = arith.constant 0 : i32
        %dma_wait3A_221 = tpu.memref_slice %arg2[%dma_wait3A_220] : memref<320000xi32, #tpu.memory_space<hbm>> -> memref<80xi32, #tpu.memory_space<hbm>>
        %dma_wait3A_222 = arith.constant 0 : i32
        %dma_wait3A_223 = tpu.memref_slice %arg2[%dma_wait3A_222] : memref<320000xi32, #tpu.memory_space<hbm>> -> memref<80xi32, #tpu.memory_space<hbm>>
        tpu.wait_dma2 semaphore(%arg19 : memref<!tpu.dma_semaphore, #tpu.memory_space<semaphore_mem>>) src(%dma_wait3A_223 : memref<80xi32, #tpu.memory_space<hbm>>) dst(%arg8 : memref<80xi32, #tpu.memory_space<vmem>>)
        %dma_wait3A_224 = arith.constant 0 : i32
        %dma_wait3A_225 = tpu.memref_slice %arg3[%dma_wait3A_224] : memref<320000xi32, #tpu.memory_space<hbm>> -> memref<80xi32, #tpu.memory_space<hbm>>
        %dma_wait3A_226 = arith.constant 0 : i32
        %dma_wait3A_227 = tpu.memref_slice %arg3[%dma_wait3A_226] : memref<320000xi32, #tpu.memory_space<hbm>> -> memref<80xi32, #tpu.memory_space<hbm>>
        tpu.wait_dma2 semaphore(%arg23 : memref<!tpu.dma_semaphore, #tpu.memory_space<semaphore_mem>>) src(%dma_wait3A_227 : memref<80xi32, #tpu.memory_space<hbm>>) dst(%arg12 : memref<80xi32, #tpu.memory_space<vmem>>)
        %ge3A = arith.constant 1 : i32
        %ge3A_228 = arith.cmpi sge, %add3A_157, %ge3A : i32
        %convert_element_type3A_229 = arith.extui %ge3A_228 : i1 to i32
        %cond3A_230 = arith.constant 0 : i32
        %cond3A_231 = arith.cmpi ne, %convert_element_type3A_229, %cond3A_230 : i32
        scf.if %cond3A_231 {
          %dma_wait3A_244 = arith.constant 0 : i32
          %dma_wait3A_245 = arith.constant 0 : i32
          %dma_wait3A_246 = tpu.memref_slice %arg17[%dma_wait3A_244, %dma_wait3A_245] : memref<10240x128xf32, #tpu.memory_space<vmem_shared>> -> memref<10240x128xf32, #tpu.memory_space<vmem_shared>>
          tpu.wait_indirect_dma semaphore(%arg29 : memref<!tpu.dma_semaphore, #tpu.memory_space<semaphore_mem>>) src(%arg14 : memref<80x128xf32, #tpu.memory_space<vmem>>) dst(%dma_wait3A_246 : memref<10240x128xf32, #tpu.memory_space<vmem_shared>>)
        } else {
        }
        %dma_start3A_232 = arith.constant 0 : i32
        %dma_start3A_233 = arith.constant 0 : i32
        %dma_start3A_234 = tpu.memref_slice %arg4[%dma_start3A_232, %dma_start3A_233] : memref<10000x128xf32, #tpu.memory_space<hbm>> -> memref<10000x128xf32, #tpu.memory_space<hbm>>
        tpu.enqueue_indirect_dma source(%dma_start3A_234 : memref<10000x128xf32, #tpu.memory_space<hbm>>) target(%arg14 : memref<80x128xf32, #tpu.memory_space<vmem>>) offsets(%arg8 : memref<80xi32, #tpu.memory_space<vmem>>) semaphore(%arg25 : memref<!tpu.dma_semaphore, #tpu.memory_space<semaphore_mem>>)
        %add3A_235 = arith.constant 1 : i32
        %add3A_236 = arith.addi %add3A_157, %add3A_235 : i32
        %mul3A_237 = arith.constant 80 : i32
        %mul3A_238 = arith.muli %add3A_236, %mul3A_237 : i32
        %add3A_239 = arith.addi %mul3A_2, %mul3A_238 : i32
        %dma_start3A_240 = arith.constant 0 : i32
        %dma_start3A_241 = tpu.memref_slice %arg5[%add3A_239, %dma_start3A_240] : memref<320000x128xf32, #tpu.memory_space<hbm>> -> memref<80x128xf32, #tpu.memory_space<hbm>>
        %dma_start3A_242 = arith.constant 0 : i32
        %dma_start3A_243 = tpu.memref_slice %arg5[%add3A_239, %dma_start3A_242] : memref<320000x128xf32, #tpu.memory_space<hbm>> -> memref<80x128xf32, #tpu.memory_space<hbm>>
        tpu.enqueue_dma source(%dma_start3A_243 : memref<80x128xf32, #tpu.memory_space<hbm>>) target(%arg16 : memref<80x128xf32, #tpu.memory_space<vmem>>) target_semaphore(%arg27 : memref<!tpu.dma_semaphore, #tpu.memory_space<semaphore_mem>>)
      } else {
      }
      %dma_wait3A_164 = arith.constant 0 : i32
      %dma_wait3A_165 = arith.constant 0 : i32
      %dma_wait3A_166 = tpu.memref_slice %arg4[%dma_wait3A_164, %dma_wait3A_165] : memref<10000x128xf32, #tpu.memory_space<hbm>> -> memref<10000x128xf32, #tpu.memory_space<hbm>>
      tpu.wait_indirect_dma semaphore(%arg24 : memref<!tpu.dma_semaphore, #tpu.memory_space<semaphore_mem>>) src(%dma_wait3A_166 : memref<10000x128xf32, #tpu.memory_space<hbm>>) dst(%arg13 : memref<80x128xf32, #tpu.memory_space<vmem>>)
      %dma_wait3A_167 = arith.constant 0 : i32
      %dma_wait3A_168 = arith.constant 0 : i32
      %dma_wait3A_169 = tpu.memref_slice %arg5[%dma_wait3A_167, %dma_wait3A_168] : memref<320000x128xf32, #tpu.memory_space<hbm>> -> memref<80x128xf32, #tpu.memory_space<hbm>>
      %dma_wait3A_170 = arith.constant 0 : i32
      %dma_wait3A_171 = arith.constant 0 : i32
      %dma_wait3A_172 = tpu.memref_slice %arg5[%dma_wait3A_170, %dma_wait3A_171] : memref<320000x128xf32, #tpu.memory_space<hbm>> -> memref<80x128xf32, #tpu.memory_space<hbm>>
      tpu.wait_dma2 semaphore(%arg26 : memref<!tpu.dma_semaphore, #tpu.memory_space<semaphore_mem>>) src(%dma_wait3A_172 : memref<80x128xf32, #tpu.memory_space<hbm>>) dst(%arg15 : memref<80x128xf32, #tpu.memory_space<vmem>>)
      %scan3A_173 = arith.constant 0 : i32
      %scan3A_174 = arith.constant 0 : i32
      %scan3A_175 = arith.constant 80 : i32
      %scan3A_176 = arith.addi %scan3A_174, %scan3A_175 : i32
      %scan3A_177 = arith.constant 1 : i32
      scf.for %scan3A_220 = %scan3A_174 to %scan3A_176 step %scan3A_177  : i32 {
        %get3A = arith.index_cast %scan3A_220 : i32 to index
        %get3A_221 = arith.constant 0 : index
        %get3A_222 = tpu.vector_load %arg15[%get3A, %get3A_221] {strides = array<i32>} : memref<80x128xf32, #tpu.memory_space<vmem>>, vector<1x16xf32>,
        %get3A_223 = vector.shape_cast %get3A_222 : vector<1x16xf32> to vector<16xf32>
        %get3A_224 = arith.index_cast %scan3A_220 : i32 to index
        %get3A_225 = arith.constant 0 : index
        %get3A_226 = tpu.vector_load %arg13[%get3A_224, %get3A_225] {strides = array<i32>} : memref<80x128xf32, #tpu.memory_space<vmem>>, vector<1x16xf32>,
        %get3A_227 = vector.shape_cast %get3A_226 : vector<1x16xf32> to vector<16xf32>
        %mul3A_228 = arith.mulf %get3A_223, %get3A_227 : vector<16xf32>
        %swap3A = arith.index_cast %scan3A_220 : i32 to index
        %swap3A_229 = arith.constant 0 : index
        %swap3A_230 = tpu.vector_load %arg13[%swap3A, %swap3A_229] {strides = array<i32>} : memref<80x128xf32, #tpu.memory_space<vmem>>, vector<1x16xf32>,
        %swap3A_231 = vector.shape_cast %swap3A_230 : vector<1x16xf32> to vector<16xf32>
        %swap3A_232 = vector.shape_cast %mul3A_228 : vector<16xf32> to vector<1x16xf32>
        tpu.vector_store %arg13[%swap3A, %swap3A_229], %swap3A_232 {strides = array<i32>} : memref<80x128xf32, #tpu.memory_space<vmem>>, vector<1x16xf32>,
        %get3A_233 = arith.index_cast %scan3A_220 : i32 to index
        %get3A_234 = arith.constant 16 : index
        %get3A_235 = tpu.vector_load %arg15[%get3A_233, %get3A_234] {strides = array<i32>} : memref<80x128xf32, #tpu.memory_space<vmem>>, vector<1x16xf32>,
        %get3A_236 = vector.shape_cast %get3A_235 : vector<1x16xf32> to vector<16xf32>
        %get3A_237 = arith.index_cast %scan3A_220 : i32 to index
        %get3A_238 = arith.constant 16 : index
        %get3A_239 = tpu.vector_load %arg13[%get3A_237, %get3A_238] {strides = array<i32>} : memref<80x128xf32, #tpu.memory_space<vmem>>, vector<1x16xf32>,
        %get3A_240 = vector.shape_cast %get3A_239 : vector<1x16xf32> to vector<16xf32>
        %mul3A_241 = arith.mulf %get3A_236, %get3A_240 : vector<16xf32>
        %swap3A_242 = arith.index_cast %scan3A_220 : i32 to index
        %swap3A_243 = arith.constant 16 : index
        %swap3A_244 = tpu.vector_load %arg13[%swap3A_242, %swap3A_243] {strides = array<i32>} : memref<80x128xf32, #tpu.memory_space<vmem>>, vector<1x16xf32>,
        %swap3A_245 = vector.shape_cast %swap3A_244 : vector<1x16xf32> to vector<16xf32>
        %swap3A_246 = vector.shape_cast %mul3A_241 : vector<16xf32> to vector<1x16xf32>
        tpu.vector_store %arg13[%swap3A_242, %swap3A_243], %swap3A_246 {strides = array<i32>} : memref<80x128xf32, #tpu.memory_space<vmem>>, vector<1x16xf32>,
        %get3A_247 = arith.index_cast %scan3A_220 : i32 to index
        %get3A_248 = arith.constant 32 : index
        %get3A_249 = tpu.vector_load %arg15[%get3A_247, %get3A_248] {strides = array<i32>} : memref<80x128xf32, #tpu.memory_space<vmem>>, vector<1x16xf32>,
        %get3A_250 = vector.shape_cast %get3A_249 : vector<1x16xf32> to vector<16xf32>
        %get3A_251 = arith.index_cast %scan3A_220 : i32 to index
        %get3A_252 = arith.constant 32 : index
        %get3A_253 = tpu.vector_load %arg13[%get3A_251, %get3A_252] {strides = array<i32>} : memref<80x128xf32, #tpu.memory_space<vmem>>, vector<1x16xf32>,
        %get3A_254 = vector.shape_cast %get3A_253 : vector<1x16xf32> to vector<16xf32>
        %mul3A_255 = arith.mulf %get3A_250, %get3A_254 : vector<16xf32>
        %swap3A_256 = arith.index_cast %scan3A_220 : i32 to index
        %swap3A_257 = arith.constant 32 : index
        %swap3A_258 = tpu.vector_load %arg13[%swap3A_256, %swap3A_257] {strides = array<i32>} : memref<80x128xf32, #tpu.memory_space<vmem>>, vector<1x16xf32>,
        %swap3A_259 = vector.shape_cast %swap3A_258 : vector<1x16xf32> to vector<16xf32>
        %swap3A_260 = vector.shape_cast %mul3A_255 : vector<16xf32> to vector<1x16xf32>
        tpu.vector_store %arg13[%swap3A_256, %swap3A_257], %swap3A_260 {strides = array<i32>} : memref<80x128xf32, #tpu.memory_space<vmem>>, vector<1x16xf32>,
        %get3A_261 = arith.index_cast %scan3A_220 : i32 to index
        %get3A_262 = arith.constant 48 : index
        %get3A_263 = tpu.vector_load %arg15[%get3A_261, %get3A_262] {strides = array<i32>} : memref<80x128xf32, #tpu.memory_space<vmem>>, vector<1x16xf32>,
        %get3A_264 = vector.shape_cast %get3A_263 : vector<1x16xf32> to vector<16xf32>
        %get3A_265 = arith.index_cast %scan3A_220 : i32 to index
        %get3A_266 = arith.constant 48 : index
        %get3A_267 = tpu.vector_load %arg13[%get3A_265, %get3A_266] {strides = array<i32>} : memref<80x128xf32, #tpu.memory_space<vmem>>, vector<1x16xf32>,
        %get3A_268 = vector.shape_cast %get3A_267 : vector<1x16xf32> to vector<16xf32>
        %mul3A_269 = arith.mulf %get3A_264, %get3A_268 : vector<16xf32>
        %swap3A_270 = arith.index_cast %scan3A_220 : i32 to index
        %swap3A_271 = arith.constant 48 : index
        %swap3A_272 = tpu.vector_load %arg13[%swap3A_270, %swap3A_271] {strides = array<i32>} : memref<80x128xf32, #tpu.memory_space<vmem>>, vector<1x16xf32>,
        %swap3A_273 = vector.shape_cast %swap3A_272 : vector<1x16xf32> to vector<16xf32>
        %swap3A_274 = vector.shape_cast %mul3A_269 : vector<16xf32> to vector<1x16xf32>
        tpu.vector_store %arg13[%swap3A_270, %swap3A_271], %swap3A_274 {strides = array<i32>} : memref<80x128xf32, #tpu.memory_space<vmem>>, vector<1x16xf32>,
        %get3A_275 = arith.index_cast %scan3A_220 : i32 to index
        %get3A_276 = arith.constant 64 : index
        %get3A_277 = tpu.vector_load %arg15[%get3A_275, %get3A_276] {strides = array<i32>} : memref<80x128xf32, #tpu.memory_space<vmem>>, vector<1x16xf32>,
        %get3A_278 = vector.shape_cast %get3A_277 : vector<1x16xf32> to vector<16xf32>
        %get3A_279 = arith.index_cast %scan3A_220 : i32 to index
        %get3A_280 = arith.constant 64 : index
        %get3A_281 = tpu.vector_load %arg13[%get3A_279, %get3A_280] {strides = array<i32>} : memref<80x128xf32, #tpu.memory_space<vmem>>, vector<1x16xf32>,
        %get3A_282 = vector.shape_cast %get3A_281 : vector<1x16xf32> to vector<16xf32>
        %mul3A_283 = arith.mulf %get3A_278, %get3A_282 : vector<16xf32>
        %swap3A_284 = arith.index_cast %scan3A_220 : i32 to index
        %swap3A_285 = arith.constant 64 : index
        %swap3A_286 = tpu.vector_load %arg13[%swap3A_284, %swap3A_285] {strides = array<i32>} : memref<80x128xf32, #tpu.memory_space<vmem>>, vector<1x16xf32>,
        %swap3A_287 = vector.shape_cast %swap3A_286 : vector<1x16xf32> to vector<16xf32>
        %swap3A_288 = vector.shape_cast %mul3A_283 : vector<16xf32> to vector<1x16xf32>
        tpu.vector_store %arg13[%swap3A_284, %swap3A_285], %swap3A_288 {strides = array<i32>} : memref<80x128xf32, #tpu.memory_space<vmem>>, vector<1x16xf32>,
        %get3A_289 = arith.index_cast %scan3A_220 : i32 to index
        %get3A_290 = arith.constant 80 : index
        %get3A_291 = tpu.vector_load %arg15[%get3A_289, %get3A_290] {strides = array<i32>} : memref<80x128xf32, #tpu.memory_space<vmem>>, vector<1x16xf32>,
        %get3A_292 = vector.shape_cast %get3A_291 : vector<1x16xf32> to vector<16xf32>
        %get3A_293 = arith.index_cast %scan3A_220 : i32 to index
        %get3A_294 = arith.constant 80 : index
        %get3A_295 = tpu.vector_load %arg13[%get3A_293, %get3A_294] {strides = array<i32>} : memref<80x128xf32, #tpu.memory_space<vmem>>, vector<1x16xf32>,
        %get3A_296 = vector.shape_cast %get3A_295 : vector<1x16xf32> to vector<16xf32>
        %mul3A_297 = arith.mulf %get3A_292, %get3A_296 : vector<16xf32>
        %swap3A_298 = arith.index_cast %scan3A_220 : i32 to index
        %swap3A_299 = arith.constant 80 : index
        %swap3A_300 = tpu.vector_load %arg13[%swap3A_298, %swap3A_299] {strides = array<i32>} : memref<80x128xf32, #tpu.memory_space<vmem>>, vector<1x16xf32>,
        %swap3A_301 = vector.shape_cast %swap3A_300 : vector<1x16xf32> to vector<16xf32>
        %swap3A_302 = vector.shape_cast %mul3A_297 : vector<16xf32> to vector<1x16xf32>
        tpu.vector_store %arg13[%swap3A_298, %swap3A_299], %swap3A_302 {strides = array<i32>} : memref<80x128xf32, #tpu.memory_space<vmem>>, vector<1x16xf32>,
        %get3A_303 = arith.index_cast %scan3A_220 : i32 to index
        %get3A_304 = arith.constant 96 : index
        %get3A_305 = tpu.vector_load %arg15[%get3A_303, %get3A_304] {strides = array<i32>} : memref<80x128xf32, #tpu.memory_space<vmem>>, vector<1x16xf32>,
        %get3A_306 = vector.shape_cast %get3A_305 : vector<1x16xf32> to vector<16xf32>
        %get3A_307 = arith.index_cast %scan3A_220 : i32 to index
        %get3A_308 = arith.constant 96 : index
        %get3A_309 = tpu.vector_load %arg13[%get3A_307, %get3A_308] {strides = array<i32>} : memref<80x128xf32, #tpu.memory_space<vmem>>, vector<1x16xf32>,
        %get3A_310 = vector.shape_cast %get3A_309 : vector<1x16xf32> to vector<16xf32>
        %mul3A_311 = arith.mulf %get3A_306, %get3A_310 : vector<16xf32>
        %swap3A_312 = arith.index_cast %scan3A_220 : i32 to index
        %swap3A_313 = arith.constant 96 : index
        %swap3A_314 = tpu.vector_load %arg13[%swap3A_312, %swap3A_313] {strides = array<i32>} : memref<80x128xf32, #tpu.memory_space<vmem>>, vector<1x16xf32>,
        %swap3A_315 = vector.shape_cast %swap3A_314 : vector<1x16xf32> to vector<16xf32>
        %swap3A_316 = vector.shape_cast %mul3A_311 : vector<16xf32> to vector<1x16xf32>
        tpu.vector_store %arg13[%swap3A_312, %swap3A_313], %swap3A_316 {strides = array<i32>} : memref<80x128xf32, #tpu.memory_space<vmem>>, vector<1x16xf32>,
        %get3A_317 = arith.index_cast %scan3A_220 : i32 to index
        %get3A_318 = arith.constant 112 : index
        %get3A_319 = tpu.vector_load %arg15[%get3A_317, %get3A_318] {strides = array<i32>} : memref<80x128xf32, #tpu.memory_space<vmem>>, vector<1x16xf32>,
        %get3A_320 = vector.shape_cast %get3A_319 : vector<1x16xf32> to vector<16xf32>
        %get3A_321 = arith.index_cast %scan3A_220 : i32 to index
        %get3A_322 = arith.constant 112 : index
        %get3A_323 = tpu.vector_load %arg13[%get3A_321, %get3A_322] {strides = array<i32>} : memref<80x128xf32, #tpu.memory_space<vmem>>, vector<1x16xf32>,
        %get3A_324 = vector.shape_cast %get3A_323 : vector<1x16xf32> to vector<16xf32>
        %mul3A_325 = arith.mulf %get3A_320, %get3A_324 : vector<16xf32>
        %swap3A_326 = arith.index_cast %scan3A_220 : i32 to index
        %swap3A_327 = arith.constant 112 : index
        %swap3A_328 = tpu.vector_load %arg13[%swap3A_326, %swap3A_327] {strides = array<i32>} : memref<80x128xf32, #tpu.memory_space<vmem>>, vector<1x16xf32>,
        %swap3A_329 = vector.shape_cast %swap3A_328 : vector<1x16xf32> to vector<16xf32>
        %swap3A_330 = vector.shape_cast %mul3A_325 : vector<16xf32> to vector<1x16xf32>
        tpu.vector_store %arg13[%swap3A_326, %swap3A_327], %swap3A_330 {strides = array<i32>} : memref<80x128xf32, #tpu.memory_space<vmem>>, vector<1x16xf32>,
      }
      %scan3A_178 = arith.constant 80 : i32
      %dma_start3A_179 = arith.constant 0 : i32
      %dma_start3A_180 = arith.constant 0 : i32
      %dma_start3A_181 = tpu.memref_slice %arg17[%dma_start3A_179, %dma_start3A_180] : memref<10240x128xf32, #tpu.memory_space<vmem_shared>> -> memref<10240x128xf32, #tpu.memory_space<vmem_shared>>
      tpu.enqueue_indirect_dma source(%arg13 : memref<80x128xf32, #tpu.memory_space<vmem>>) target(%dma_start3A_181 : memref<10240x128xf32, #tpu.memory_space<vmem_shared>>) offsets(%arg11 : memref<80xi32, #tpu.memory_space<vmem>>) semaphore(%arg28 : memref<!tpu.dma_semaphore, #tpu.memory_space<semaphore_mem>>) {add = true}
      %add3A_182 = arith.constant 2 : i32
      %add3A_183 = arith.addi %add3A_157, %add3A_182 : i32
      %lt3A_184 = arith.cmpi slt, %add3A_183, %select_n3A : i32
      %convert_element_type3A_185 = arith.extui %lt3A_184 : i1 to i32
      %cond3A_186 = arith.constant 0 : i32
      %cond3A_187 = arith.cmpi ne, %convert_element_type3A_185, %cond3A_186 : i32
      scf.if %cond3A_187 {
        %add3A_220 = arith.constant 2 : i32
        %add3A_221 = arith.addi %add3A_157, %add3A_220 : i32
        %mul3A_222 = arith.constant 80 : i32
        %mul3A_223 = arith.muli %add3A_221, %mul3A_222 : i32
        %add3A_224 = arith.addi %mul3A_2, %mul3A_223 : i32
        %dma_start3A_225 = tpu.memref_slice %arg2[%add3A_224] : memref<320000xi32, #tpu.memory_space<hbm>> -> memref<80xi32, #tpu.memory_space<hbm>>
        %dma_start3A_226 = tpu.memref_slice %arg2[%add3A_224] : memref<320000xi32, #tpu.memory_space<hbm>> -> memref<80xi32, #tpu.memory_space<hbm>>
        tpu.enqueue_dma source(%dma_start3A_226 : memref<80xi32, #tpu.memory_space<hbm>>) target(%arg7 : memref<80xi32, #tpu.memory_space<vmem>>) target_semaphore(%arg18 : memref<!tpu.dma_semaphore, #tpu.memory_space<semaphore_mem>>)
        %dma_start3A_227 = tpu.memref_slice %arg3[%add3A_224] : memref<320000xi32, #tpu.memory_space<hbm>> -> memref<80xi32, #tpu.memory_space<hbm>>
        %dma_start3A_228 = tpu.memref_slice %arg3[%add3A_224] : memref<320000xi32, #tpu.memory_space<hbm>> -> memref<80xi32, #tpu.memory_space<hbm>>
        tpu.enqueue_dma source(%dma_start3A_228 : memref<80xi32, #tpu.memory_space<hbm>>) target(%arg9 : memref<80xi32, #tpu.memory_space<vmem>>) target_semaphore(%arg20 : memref<!tpu.dma_semaphore, #tpu.memory_space<semaphore_mem>>)
      } else {
      }
      %add3A_188 = arith.constant 3 : i32
      %add3A_189 = arith.addi %mul3A_94, %add3A_188 : i32
      %add3A_190 = arith.constant 1 : i32
      %add3A_191 = arith.addi %add3A_189, %add3A_190 : i32
      %lt3A_192 = arith.cmpi slt, %add3A_191, %select_n3A : i32
      %convert_element_type3A_193 = arith.extui %lt3A_192 : i1 to i32
      %cond3A_194 = arith.constant 0 : i32
      %cond3A_195 = arith.cmpi ne, %convert_element_type3A_193, %cond3A_194 : i32
      scf.if %cond3A_195 {
        %dma_wait3A_220 = arith.constant 0 : i32
        %dma_wait3A_221 = tpu.memref_slice %arg2[%dma_wait3A_220] : memref<320000xi32, #tpu.memory_space<hbm>> -> memref<80xi32, #tpu.memory_space<hbm>>
        %dma_wait3A_222 = arith.constant 0 : i32
        %dma_wait3A_223 = tpu.memref_slice %arg2[%dma_wait3A_222] : memref<320000xi32, #tpu.memory_space<hbm>> -> memref<80xi32, #tpu.memory_space<hbm>>
        tpu.wait_dma2 semaphore(%arg18 : memref<!tpu.dma_semaphore, #tpu.memory_space<semaphore_mem>>) src(%dma_wait3A_223 : memref<80xi32, #tpu.memory_space<hbm>>) dst(%arg7 : memref<80xi32, #tpu.memory_space<vmem>>)
        %dma_wait3A_224 = arith.constant 0 : i32
        %dma_wait3A_225 = tpu.memref_slice %arg3[%dma_wait3A_224] : memref<320000xi32, #tpu.memory_space<hbm>> -> memref<80xi32, #tpu.memory_space<hbm>>
        %dma_wait3A_226 = arith.constant 0 : i32
        %dma_wait3A_227 = tpu.memref_slice %arg3[%dma_wait3A_226] : memref<320000xi32, #tpu.memory_space<hbm>> -> memref<80xi32, #tpu.memory_space<hbm>>
        tpu.wait_dma2 semaphore(%arg20 : memref<!tpu.dma_semaphore, #tpu.memory_space<semaphore_mem>>) src(%dma_wait3A_227 : memref<80xi32, #tpu.memory_space<hbm>>) dst(%arg9 : memref<80xi32, #tpu.memory_space<vmem>>)
        %ge3A = arith.constant 1 : i32
        %ge3A_228 = arith.cmpi sge, %add3A_189, %ge3A : i32
        %convert_element_type3A_229 = arith.extui %ge3A_228 : i1 to i32
        %cond3A_230 = arith.constant 0 : i32
        %cond3A_231 = arith.cmpi ne, %convert_element_type3A_229, %cond3A_230 : i32
        scf.if %cond3A_231 {
          %dma_wait3A_244 = arith.constant 0 : i32
          %dma_wait3A_245 = arith.constant 0 : i32
          %dma_wait3A_246 = tpu.memref_slice %arg17[%dma_wait3A_244, %dma_wait3A_245] : memref<10240x128xf32, #tpu.memory_space<vmem_shared>> -> memref<10240x128xf32, #tpu.memory_space<vmem_shared>>
          tpu.wait_indirect_dma semaphore(%arg28 : memref<!tpu.dma_semaphore, #tpu.memory_space<semaphore_mem>>) src(%arg13 : memref<80x128xf32, #tpu.memory_space<vmem>>) dst(%dma_wait3A_246 : memref<10240x128xf32, #tpu.memory_space<vmem_shared>>)
        } else {
        }
        %dma_start3A_232 = arith.constant 0 : i32
        %dma_start3A_233 = arith.constant 0 : i32
        %dma_start3A_234 = tpu.memref_slice %arg4[%dma_start3A_232, %dma_start3A_233] : memref<10000x128xf32, #tpu.memory_space<hbm>> -> memref<10000x128xf32, #tpu.memory_space<hbm>>
        tpu.enqueue_indirect_dma source(%dma_start3A_234 : memref<10000x128xf32, #tpu.memory_space<hbm>>) target(%arg13 : memref<80x128xf32, #tpu.memory_space<vmem>>) offsets(%arg7 : memref<80xi32, #tpu.memory_space<vmem>>) semaphore(%arg24 : memref<!tpu.dma_semaphore, #tpu.memory_space<semaphore_mem>>)
        %add3A_235 = arith.constant 1 : i32
        %add3A_236 = arith.addi %add3A_189, %add3A_235 : i32
        %mul3A_237 = arith.constant 80 : i32
        %mul3A_238 = arith.muli %add3A_236, %mul3A_237 : i32
        %add3A_239 = arith.addi %mul3A_2, %mul3A_238 : i32
        %dma_start3A_240 = arith.constant 0 : i32
        %dma_start3A_241 = tpu.memref_slice %arg5[%add3A_239, %dma_start3A_240] : memref<320000x128xf32, #tpu.memory_space<hbm>> -> memref<80x128xf32, #tpu.memory_space<hbm>>
        %dma_start3A_242 = arith.constant 0 : i32
        %dma_start3A_243 = tpu.memref_slice %arg5[%add3A_239, %dma_start3A_242] : memref<320000x128xf32, #tpu.memory_space<hbm>> -> memref<80x128xf32, #tpu.memory_space<hbm>>
        tpu.enqueue_dma source(%dma_start3A_243 : memref<80x128xf32, #tpu.memory_space<hbm>>) target(%arg15 : memref<80x128xf32, #tpu.memory_space<vmem>>) target_semaphore(%arg26 : memref<!tpu.dma_semaphore, #tpu.memory_space<semaphore_mem>>)
      } else {
      }
      %dma_wait3A_196 = arith.constant 0 : i32
      %dma_wait3A_197 = arith.constant 0 : i32
      %dma_wait3A_198 = tpu.memref_slice %arg4[%dma_wait3A_196, %dma_wait3A_197] : memref<10000x128xf32, #tpu.memory_space<hbm>> -> memref<10000x128xf32, #tpu.memory_space<hbm>>
      tpu.wait_indirect_dma semaphore(%arg25 : memref<!tpu.dma_semaphore, #tpu.memory_space<semaphore_mem>>) src(%dma_wait3A_198 : memref<10000x128xf32, #tpu.memory_space<hbm>>) dst(%arg14 : memref<80x128xf32, #tpu.memory_space<vmem>>)
      %dma_wait3A_199 = arith.constant 0 : i32
      %dma_wait3A_200 = arith.constant 0 : i32
      %dma_wait3A_201 = tpu.memref_slice %arg5[%dma_wait3A_199, %dma_wait3A_200] : memref<320000x128xf32, #tpu.memory_space<hbm>> -> memref<80x128xf32, #tpu.memory_space<hbm>>
      %dma_wait3A_202 = arith.constant 0 : i32
      %dma_wait3A_203 = arith.constant 0 : i32
      %dma_wait3A_204 = tpu.memref_slice %arg5[%dma_wait3A_202, %dma_wait3A_203] : memref<320000x128xf32, #tpu.memory_space<hbm>> -> memref<80x128xf32, #tpu.memory_space<hbm>>
      tpu.wait_dma2 semaphore(%arg27 : memref<!tpu.dma_semaphore, #tpu.memory_space<semaphore_mem>>) src(%dma_wait3A_204 : memref<80x128xf32, #tpu.memory_space<hbm>>) dst(%arg16 : memref<80x128xf32, #tpu.memory_space<vmem>>)
      %scan3A_205 = arith.constant 0 : i32
      %scan3A_206 = arith.constant 0 : i32
      %scan3A_207 = arith.constant 80 : i32
      %scan3A_208 = arith.addi %scan3A_206, %scan3A_207 : i32
      %scan3A_209 = arith.constant 1 : i32
      scf.for %scan3A_220 = %scan3A_206 to %scan3A_208 step %scan3A_209  : i32 {
        %get3A = arith.index_cast %scan3A_220 : i32 to index
        %get3A_221 = arith.constant 0 : index
        %get3A_222 = tpu.vector_load %arg16[%get3A, %get3A_221] {strides = array<i32>} : memref<80x128xf32, #tpu.memory_space<vmem>>, vector<1x16xf32>,
        %get3A_223 = vector.shape_cast %get3A_222 : vector<1x16xf32> to vector<16xf32>
        %get3A_224 = arith.index_cast %scan3A_220 : i32 to index
        %get3A_225 = arith.constant 0 : index
        %get3A_226 = tpu.vector_load %arg14[%get3A_224, %get3A_225] {strides = array<i32>} : memref<80x128xf32, #tpu.memory_space<vmem>>, vector<1x16xf32>,
        %get3A_227 = vector.shape_cast %get3A_226 : vector<1x16xf32> to vector<16xf32>
        %mul3A_228 = arith.mulf %get3A_223, %get3A_227 : vector<16xf32>
        %swap3A = arith.index_cast %scan3A_220 : i32 to index
        %swap3A_229 = arith.constant 0 : index
        %swap3A_230 = tpu.vector_load %arg14[%swap3A, %swap3A_229] {strides = array<i32>} : memref<80x128xf32, #tpu.memory_space<vmem>>, vector<1x16xf32>,
        %swap3A_231 = vector.shape_cast %swap3A_230 : vector<1x16xf32> to vector<16xf32>
        %swap3A_232 = vector.shape_cast %mul3A_228 : vector<16xf32> to vector<1x16xf32>
        tpu.vector_store %arg14[%swap3A, %swap3A_229], %swap3A_232 {strides = array<i32>} : memref<80x128xf32, #tpu.memory_space<vmem>>, vector<1x16xf32>,
        %get3A_233 = arith.index_cast %scan3A_220 : i32 to index
        %get3A_234 = arith.constant 16 : index
        %get3A_235 = tpu.vector_load %arg16[%get3A_233, %get3A_234] {strides = array<i32>} : memref<80x128xf32, #tpu.memory_space<vmem>>, vector<1x16xf32>,
        %get3A_236 = vector.shape_cast %get3A_235 : vector<1x16xf32> to vector<16xf32>
        %get3A_237 = arith.index_cast %scan3A_220 : i32 to index
        %get3A_238 = arith.constant 16 : index
        %get3A_239 = tpu.vector_load %arg14[%get3A_237, %get3A_238] {strides = array<i32>} : memref<80x128xf32, #tpu.memory_space<vmem>>, vector<1x16xf32>,
        %get3A_240 = vector.shape_cast %get3A_239 : vector<1x16xf32> to vector<16xf32>
        %mul3A_241 = arith.mulf %get3A_236, %get3A_240 : vector<16xf32>
        %swap3A_242 = arith.index_cast %scan3A_220 : i32 to index
        %swap3A_243 = arith.constant 16 : index
        %swap3A_244 = tpu.vector_load %arg14[%swap3A_242, %swap3A_243] {strides = array<i32>} : memref<80x128xf32, #tpu.memory_space<vmem>>, vector<1x16xf32>,
        %swap3A_245 = vector.shape_cast %swap3A_244 : vector<1x16xf32> to vector<16xf32>
        %swap3A_246 = vector.shape_cast %mul3A_241 : vector<16xf32> to vector<1x16xf32>
        tpu.vector_store %arg14[%swap3A_242, %swap3A_243], %swap3A_246 {strides = array<i32>} : memref<80x128xf32, #tpu.memory_space<vmem>>, vector<1x16xf32>,
        %get3A_247 = arith.index_cast %scan3A_220 : i32 to index
        %get3A_248 = arith.constant 32 : index
        %get3A_249 = tpu.vector_load %arg16[%get3A_247, %get3A_248] {strides = array<i32>} : memref<80x128xf32, #tpu.memory_space<vmem>>, vector<1x16xf32>,
        %get3A_250 = vector.shape_cast %get3A_249 : vector<1x16xf32> to vector<16xf32>
        %get3A_251 = arith.index_cast %scan3A_220 : i32 to index
        %get3A_252 = arith.constant 32 : index
        %get3A_253 = tpu.vector_load %arg14[%get3A_251, %get3A_252] {strides = array<i32>} : memref<80x128xf32, #tpu.memory_space<vmem>>, vector<1x16xf32>,
        %get3A_254 = vector.shape_cast %get3A_253 : vector<1x16xf32> to vector<16xf32>
        %mul3A_255 = arith.mulf %get3A_250, %get3A_254 : vector<16xf32>
        %swap3A_256 = arith.index_cast %scan3A_220 : i32 to index
        %swap3A_257 = arith.constant 32 : index
        %swap3A_258 = tpu.vector_load %arg14[%swap3A_256, %swap3A_257] {strides = array<i32>} : memref<80x128xf32, #tpu.memory_space<vmem>>, vector<1x16xf32>,
        %swap3A_259 = vector.shape_cast %swap3A_258 : vector<1x16xf32> to vector<16xf32>
        %swap3A_260 = vector.shape_cast %mul3A_255 : vector<16xf32> to vector<1x16xf32>
        tpu.vector_store %arg14[%swap3A_256, %swap3A_257], %swap3A_260 {strides = array<i32>} : memref<80x128xf32, #tpu.memory_space<vmem>>, vector<1x16xf32>,
        %get3A_261 = arith.index_cast %scan3A_220 : i32 to index
        %get3A_262 = arith.constant 48 : index
        %get3A_263 = tpu.vector_load %arg16[%get3A_261, %get3A_262] {strides = array<i32>} : memref<80x128xf32, #tpu.memory_space<vmem>>, vector<1x16xf32>,
        %get3A_264 = vector.shape_cast %get3A_263 : vector<1x16xf32> to vector<16xf32>
        %get3A_265 = arith.index_cast %scan3A_220 : i32 to index
        %get3A_266 = arith.constant 48 : index
        %get3A_267 = tpu.vector_load %arg14[%get3A_265, %get3A_266] {strides = array<i32>} : memref<80x128xf32, #tpu.memory_space<vmem>>, vector<1x16xf32>,
        %get3A_268 = vector.shape_cast %get3A_267 : vector<1x16xf32> to vector<16xf32>
        %mul3A_269 = arith.mulf %get3A_264, %get3A_268 : vector<16xf32>
        %swap3A_270 = arith.index_cast %scan3A_220 : i32 to index
        %swap3A_271 = arith.constant 48 : index
        %swap3A_272 = tpu.vector_load %arg14[%swap3A_270, %swap3A_271] {strides = array<i32>} : memref<80x128xf32, #tpu.memory_space<vmem>>, vector<1x16xf32>,
        %swap3A_273 = vector.shape_cast %swap3A_272 : vector<1x16xf32> to vector<16xf32>
        %swap3A_274 = vector.shape_cast %mul3A_269 : vector<16xf32> to vector<1x16xf32>
        tpu.vector_store %arg14[%swap3A_270, %swap3A_271], %swap3A_274 {strides = array<i32>} : memref<80x128xf32, #tpu.memory_space<vmem>>, vector<1x16xf32>,
        %get3A_275 = arith.index_cast %scan3A_220 : i32 to index
        %get3A_276 = arith.constant 64 : index
        %get3A_277 = tpu.vector_load %arg16[%get3A_275, %get3A_276] {strides = array<i32>} : memref<80x128xf32, #tpu.memory_space<vmem>>, vector<1x16xf32>,
        %get3A_278 = vector.shape_cast %get3A_277 : vector<1x16xf32> to vector<16xf32>
        %get3A_279 = arith.index_cast %scan3A_220 : i32 to index
        %get3A_280 = arith.constant 64 : index
        %get3A_281 = tpu.vector_load %arg14[%get3A_279, %get3A_280] {strides = array<i32>} : memref<80x128xf32, #tpu.memory_space<vmem>>, vector<1x16xf32>,
        %get3A_282 = vector.shape_cast %get3A_281 : vector<1x16xf32> to vector<16xf32>
        %mul3A_283 = arith.mulf %get3A_278, %get3A_282 : vector<16xf32>
        %swap3A_284 = arith.index_cast %scan3A_220 : i32 to index
        %swap3A_285 = arith.constant 64 : index
        %swap3A_286 = tpu.vector_load %arg14[%swap3A_284, %swap3A_285] {strides = array<i32>} : memref<80x128xf32, #tpu.memory_space<vmem>>, vector<1x16xf32>,
        %swap3A_287 = vector.shape_cast %swap3A_286 : vector<1x16xf32> to vector<16xf32>
        %swap3A_288 = vector.shape_cast %mul3A_283 : vector<16xf32> to vector<1x16xf32>
        tpu.vector_store %arg14[%swap3A_284, %swap3A_285], %swap3A_288 {strides = array<i32>} : memref<80x128xf32, #tpu.memory_space<vmem>>, vector<1x16xf32>,
        %get3A_289 = arith.index_cast %scan3A_220 : i32 to index
        %get3A_290 = arith.constant 80 : index
        %get3A_291 = tpu.vector_load %arg16[%get3A_289, %get3A_290] {strides = array<i32>} : memref<80x128xf32, #tpu.memory_space<vmem>>, vector<1x16xf32>,
        %get3A_292 = vector.shape_cast %get3A_291 : vector<1x16xf32> to vector<16xf32>
        %get3A_293 = arith.index_cast %scan3A_220 : i32 to index
        %get3A_294 = arith.constant 80 : index
        %get3A_295 = tpu.vector_load %arg14[%get3A_293, %get3A_294] {strides = array<i32>} : memref<80x128xf32, #tpu.memory_space<vmem>>, vector<1x16xf32>,
        %get3A_296 = vector.shape_cast %get3A_295 : vector<1x16xf32> to vector<16xf32>
        %mul3A_297 = arith.mulf %get3A_292, %get3A_296 : vector<16xf32>
        %swap3A_298 = arith.index_cast %scan3A_220 : i32 to index
        %swap3A_299 = arith.constant 80 : index
        %swap3A_300 = tpu.vector_load %arg14[%swap3A_298, %swap3A_299] {strides = array<i32>} : memref<80x128xf32, #tpu.memory_space<vmem>>, vector<1x16xf32>,
        %swap3A_301 = vector.shape_cast %swap3A_300 : vector<1x16xf32> to vector<16xf32>
        %swap3A_302 = vector.shape_cast %mul3A_297 : vector<16xf32> to vector<1x16xf32>
        tpu.vector_store %arg14[%swap3A_298, %swap3A_299], %swap3A_302 {strides = array<i32>} : memref<80x128xf32, #tpu.memory_space<vmem>>, vector<1x16xf32>,
        %get3A_303 = arith.index_cast %scan3A_220 : i32 to index
        %get3A_304 = arith.constant 96 : index
        %get3A_305 = tpu.vector_load %arg16[%get3A_303, %get3A_304] {strides = array<i32>} : memref<80x128xf32, #tpu.memory_space<vmem>>, vector<1x16xf32>,
        %get3A_306 = vector.shape_cast %get3A_305 : vector<1x16xf32> to vector<16xf32>
        %get3A_307 = arith.index_cast %scan3A_220 : i32 to index
        %get3A_308 = arith.constant 96 : index
        %get3A_309 = tpu.vector_load %arg14[%get3A_307, %get3A_308] {strides = array<i32>} : memref<80x128xf32, #tpu.memory_space<vmem>>, vector<1x16xf32>,
        %get3A_310 = vector.shape_cast %get3A_309 : vector<1x16xf32> to vector<16xf32>
        %mul3A_311 = arith.mulf %get3A_306, %get3A_310 : vector<16xf32>
        %swap3A_312 = arith.index_cast %scan3A_220 : i32 to index
        %swap3A_313 = arith.constant 96 : index
        %swap3A_314 = tpu.vector_load %arg14[%swap3A_312, %swap3A_313] {strides = array<i32>} : memref<80x128xf32, #tpu.memory_space<vmem>>, vector<1x16xf32>,
        %swap3A_315 = vector.shape_cast %swap3A_314 : vector<1x16xf32> to vector<16xf32>
        %swap3A_316 = vector.shape_cast %mul3A_311 : vector<16xf32> to vector<1x16xf32>
        tpu.vector_store %arg14[%swap3A_312, %swap3A_313], %swap3A_316 {strides = array<i32>} : memref<80x128xf32, #tpu.memory_space<vmem>>, vector<1x16xf32>,
        %get3A_317 = arith.index_cast %scan3A_220 : i32 to index
        %get3A_318 = arith.constant 112 : index
        %get3A_319 = tpu.vector_load %arg16[%get3A_317, %get3A_318] {strides = array<i32>} : memref<80x128xf32, #tpu.memory_space<vmem>>, vector<1x16xf32>,
        %get3A_320 = vector.shape_cast %get3A_319 : vector<1x16xf32> to vector<16xf32>
        %get3A_321 = arith.index_cast %scan3A_220 : i32 to index
        %get3A_322 = arith.constant 112 : index
        %get3A_323 = tpu.vector_load %arg14[%get3A_321, %get3A_322] {strides = array<i32>} : memref<80x128xf32, #tpu.memory_space<vmem>>, vector<1x16xf32>,
        %get3A_324 = vector.shape_cast %get3A_323 : vector<1x16xf32> to vector<16xf32>
        %mul3A_325 = arith.mulf %get3A_320, %get3A_324 : vector<16xf32>
        %swap3A_326 = arith.index_cast %scan3A_220 : i32 to index
        %swap3A_327 = arith.constant 112 : index
        %swap3A_328 = tpu.vector_load %arg14[%swap3A_326, %swap3A_327] {strides = array<i32>} : memref<80x128xf32, #tpu.memory_space<vmem>>, vector<1x16xf32>,
        %swap3A_329 = vector.shape_cast %swap3A_328 : vector<1x16xf32> to vector<16xf32>
        %swap3A_330 = vector.shape_cast %mul3A_325 : vector<16xf32> to vector<1x16xf32>
        tpu.vector_store %arg14[%swap3A_326, %swap3A_327], %swap3A_330 {strides = array<i32>} : memref<80x128xf32, #tpu.memory_space<vmem>>, vector<1x16xf32>,
      }
      %scan3A_210 = arith.constant 80 : i32
      %dma_start3A_211 = arith.constant 0 : i32
      %dma_start3A_212 = arith.constant 0 : i32
      %dma_start3A_213 = tpu.memref_slice %arg17[%dma_start3A_211, %dma_start3A_212] : memref<10240x128xf32, #tpu.memory_space<vmem_shared>> -> memref<10240x128xf32, #tpu.memory_space<vmem_shared>>
      tpu.enqueue_indirect_dma source(%arg14 : memref<80x128xf32, #tpu.memory_space<vmem>>) target(%dma_start3A_213 : memref<10240x128xf32, #tpu.memory_space<vmem_shared>>) offsets(%arg12 : memref<80xi32, #tpu.memory_space<vmem>>) semaphore(%arg29 : memref<!tpu.dma_semaphore, #tpu.memory_space<semaphore_mem>>) {add = true}
      %add3A_214 = arith.constant 2 : i32
      %add3A_215 = arith.addi %add3A_189, %add3A_214 : i32
      %lt3A_216 = arith.cmpi slt, %add3A_215, %select_n3A : i32
      %convert_element_type3A_217 = arith.extui %lt3A_216 : i1 to i32
      %cond3A_218 = arith.constant 0 : i32
      %cond3A_219 = arith.cmpi ne, %convert_element_type3A_217, %cond3A_218 : i32
      scf.if %cond3A_219 {
        %add3A_220 = arith.constant 2 : i32
        %add3A_221 = arith.addi %add3A_189, %add3A_220 : i32
        %mul3A_222 = arith.constant 80 : i32
        %mul3A_223 = arith.muli %add3A_221, %mul3A_222 : i32
        %add3A_224 = arith.addi %mul3A_2, %mul3A_223 : i32
        %dma_start3A_225 = tpu.memref_slice %arg2[%add3A_224] : memref<320000xi32, #tpu.memory_space<hbm>> -> memref<80xi32, #tpu.memory_space<hbm>>
        %dma_start3A_226 = tpu.memref_slice %arg2[%add3A_224] : memref<320000xi32, #tpu.memory_space<hbm>> -> memref<80xi32, #tpu.memory_space<hbm>>
        tpu.enqueue_dma source(%dma_start3A_226 : memref<80xi32, #tpu.memory_space<hbm>>) target(%arg8 : memref<80xi32, #tpu.memory_space<vmem>>) target_semaphore(%arg19 : memref<!tpu.dma_semaphore, #tpu.memory_space<semaphore_mem>>)
        %dma_start3A_227 = tpu.memref_slice %arg3[%add3A_224] : memref<320000xi32, #tpu.memory_space<hbm>> -> memref<80xi32, #tpu.memory_space<hbm>>
        %dma_start3A_228 = tpu.memref_slice %arg3[%add3A_224] : memref<320000xi32, #tpu.memory_space<hbm>> -> memref<80xi32, #tpu.memory_space<hbm>>
        tpu.enqueue_dma source(%dma_start3A_228 : memref<80xi32, #tpu.memory_space<hbm>>) target(%arg10 : memref<80xi32, #tpu.memory_space<vmem>>) target_semaphore(%arg21 : memref<!tpu.dma_semaphore, #tpu.memory_space<semaphore_mem>>)
      } else {
      }
    }
    %dma_wait3A = arith.constant 0 : i32
    %dma_wait3A_80 = arith.constant 0 : i32
    %dma_wait3A_81 = tpu.memref_slice %arg17[%dma_wait3A, %dma_wait3A_80] : memref<10240x128xf32, #tpu.memory_space<vmem_shared>> -> memref<10240x128xf32, #tpu.memory_space<vmem_shared>>
    tpu.wait_indirect_dma semaphore(%arg28 : memref<!tpu.dma_semaphore, #tpu.memory_space<semaphore_mem>>) src(%arg13 : memref<80x128xf32, #tpu.memory_space<vmem>>) dst(%dma_wait3A_81 : memref<10240x128xf32, #tpu.memory_space<vmem_shared>>)
    %dma_wait3A_82 = arith.constant 0 : i32
    %dma_wait3A_83 = arith.constant 0 : i32
    %dma_wait3A_84 = tpu.memref_slice %arg17[%dma_wait3A_82, %dma_wait3A_83] : memref<10240x128xf32, #tpu.memory_space<vmem_shared>> -> memref<10240x128xf32, #tpu.memory_space<vmem_shared>>
    tpu.wait_indirect_dma semaphore(%arg29 : memref<!tpu.dma_semaphore, #tpu.memory_space<semaphore_mem>>) src(%arg14 : memref<80x128xf32, #tpu.memory_space<vmem>>) dst(%dma_wait3A_84 : memref<10240x128xf32, #tpu.memory_space<vmem_shared>>)
    %barrier3A_85 = arith.constant 0 : index
    tpu.barrier barrier_id(%barrier3A_85)
    %scan3A_86 = arith.constant 0 : i32
    %scan3A_87 = arith.constant 0 : i32
    %scan3A_88 = arith.constant 8 : i32
    %scan3A_89 = arith.addi %scan3A_87, %scan3A_88 : i32
    %scan3A_90 = arith.constant 1 : i32
    scf.for %scan3A_92 = %scan3A_87 to %scan3A_89 step %scan3A_90  : i32 {
      %mul3A_93 = arith.constant 640 : i32
      %mul3A_94 = arith.muli %arg1, %mul3A_93 : i32
      %mul3A_95 = arith.constant 80 : i32
      %mul3A_96 = arith.muli %scan3A_92, %mul3A_95 : i32
      %add3A_97 = arith.addi %mul3A_94, %mul3A_96 : i32
      "tpu.region"() ({
        %run_scoped3A = tpu.sem_alloc : memref<!tpu.dma_semaphore, #tpu.memory_space<semaphore_mem>>
        %dma_start3A_101 = arith.constant 0 : i32
        %dma_start3A_102 = tpu.memref_slice %arg17[%add3A_97, %dma_start3A_101] : memref<10240x128xf32, #tpu.memory_space<vmem_shared>> -> memref<80x128xf32, #tpu.memory_space<vmem_shared>>
        %dma_start3A_103 = arith.constant 0 : i32
        %dma_start3A_104 = tpu.memref_slice %arg17[%add3A_97, %dma_start3A_103] : memref<10240x128xf32, #tpu.memory_space<vmem_shared>> -> memref<80x128xf32, #tpu.memory_space<vmem_shared>>
        tpu.enqueue_dma source(%dma_start3A_104 : memref<80x128xf32, #tpu.memory_space<vmem_shared>>) target(%arg13 : memref<80x128xf32, #tpu.memory_space<vmem>>) target_semaphore(%run_scoped3A : memref<!tpu.dma_semaphore, #tpu.memory_space<semaphore_mem>>)
        %dma_wait3A_105 = arith.constant 0 : i32
        %dma_wait3A_106 = tpu.memref_slice %arg17[%add3A_97, %dma_wait3A_105] : memref<10240x128xf32, #tpu.memory_space<vmem_shared>> -> memref<80x128xf32, #tpu.memory_space<vmem_shared>>
        %dma_wait3A_107 = arith.constant 0 : i32
        %dma_wait3A_108 = tpu.memref_slice %arg17[%add3A_97, %dma_wait3A_107] : memref<10240x128xf32, #tpu.memory_space<vmem_shared>> -> memref<80x128xf32, #tpu.memory_space<vmem_shared>>
        tpu.wait_dma2 semaphore(%run_scoped3A : memref<!tpu.dma_semaphore, #tpu.memory_space<semaphore_mem>>) src(%dma_wait3A_108 : memref<80x128xf32, #tpu.memory_space<vmem_shared>>) dst(%arg13 : memref<80x128xf32, #tpu.memory_space<vmem>>)
        tpu.yield
      }) : () -> ()
      %mul3A_98 = arith.constant 10240 : i32
      %mul3A_99 = arith.muli %arg0, %mul3A_98 : i32
      %add3A_100 = arith.addi %mul3A_99, %add3A_97 : i32
      "tpu.region"() ({
        %run_scoped3A = tpu.sem_alloc : memref<!tpu.dma_semaphore, #tpu.memory_space<semaphore_mem>>
        %dma_start3A_101 = arith.constant 0 : i32
        %dma_start3A_102 = tpu.memref_slice %arg6[%add3A_100, %dma_start3A_101] : memref<20480x128xf32, #tpu.memory_space<hbm>> -> memref<80x128xf32, #tpu.memory_space<hbm>>
        %dma_start3A_103 = arith.constant 0 : i32
        %dma_start3A_104 = tpu.memref_slice %arg6[%add3A_100, %dma_start3A_103] : memref<20480x128xf32, #tpu.memory_space<hbm>> -> memref<80x128xf32, #tpu.memory_space<hbm>>
        tpu.enqueue_dma source(%arg13 : memref<80x128xf32, #tpu.memory_space<vmem>>) target(%dma_start3A_104 : memref<80x128xf32, #tpu.memory_space<hbm>>) target_semaphore(%run_scoped3A : memref<!tpu.dma_semaphore, #tpu.memory_space<semaphore_mem>>)
        %dma_wait3A_105 = arith.constant 0 : i32
        %dma_wait3A_106 = tpu.memref_slice %arg6[%add3A_100, %dma_wait3A_105] : memref<20480x128xf32, #tpu.memory_space<hbm>> -> memref<80x128xf32, #tpu.memory_space<hbm>>
        %dma_wait3A_107 = arith.constant 0 : i32
        %dma_wait3A_108 = tpu.memref_slice %arg6[%add3A_100, %dma_wait3A_107] : memref<20480x128xf32, #tpu.memory_space<hbm>> -> memref<80x128xf32, #tpu.memory_space<hbm>>
        tpu.wait_dma2 semaphore(%run_scoped3A : memref<!tpu.dma_semaphore, #tpu.memory_space<semaphore_mem>>) src(%arg13 : memref<80x128xf32, #tpu.memory_space<vmem>>) dst(%dma_wait3A_108 : memref<80x128xf32, #tpu.memory_space<hbm>>)
        tpu.yield
      }) : () -> ()
    }
    %scan3A_91 = arith.constant 8 : i32
    return
  }
}

module attributes {stable_mosaic.version = 14 : i64} {
  func.func @_out_body(%arg0: i32, %arg1: memref<2000x128xf32, #tpu.memory_space<vmem>>, %arg2: memref<2x2000x128xf32, #tpu.memory_space<vmem>>, %arg3: memref<128x128xf32, #tpu.memory_space<vmem>>, %arg4: memref<1x128xf32, #tpu.memory_space<vmem>>, %arg5: memref<128x128xf32, #tpu.memory_space<vmem>>, %arg6: memref<1x128xf32, #tpu.memory_space<vmem>>, %arg7: memref<2000x128xf32, #tpu.memory_space<vmem>>) attributes {dimension_semantics = [#tpu.dimension_semantics<arbitrary>], iteration_bounds = array<i64: 5>, scalar_prefetch = 0 : i64, scratch_operands = 0 : i64, tpu.core_type = #tpu.core_type<tc>, window_params = [{transform_indices = @transform_0, window_bounds = array<i64: 2000, 128>}, {transform_indices = @transform_1, window_bounds = array<i64: 2, 2000, 128>}, {pipeline_mode = #tpu.pipeline_mode<synchronous>, transform_indices = @transform_2, window_bounds = array<i64: 128, 128>}, {pipeline_mode = #tpu.pipeline_mode<synchronous>, transform_indices = @transform_3, window_bounds = array<i64: 1, 128>}, {pipeline_mode = #tpu.pipeline_mode<synchronous>, transform_indices = @transform_4, window_bounds = array<i64: 128, 128>}, {pipeline_mode = #tpu.pipeline_mode<synchronous>, transform_indices = @transform_5, window_bounds = array<i64: 1, 128>}, {transform_indices = @transform_6, window_bounds = array<i64: 2000, 128>}]} {
    %get3A = arith.constant 0 : index
    %get3A_0 = arith.constant 0 : index
    %get3A_1 = arith.constant 0 : index
    %get3A_2 = vector.load %arg2[%get3A, %get3A_0, %get3A_1] : memref<2x2000x128xf32, #tpu.memory_space<vmem>>, vector<1x2000x128xf32>
    %get3A_3 = vector.shape_cast %get3A_2 : vector<1x2000x128xf32> to vector<2000x128xf32>
    %get3A_4 = arith.constant 1 : index
    %get3A_5 = arith.constant 0 : index
    %get3A_6 = arith.constant 0 : index
    %get3A_7 = vector.load %arg2[%get3A_4, %get3A_5, %get3A_6] : memref<2x2000x128xf32, #tpu.memory_space<vmem>>, vector<1x2000x128xf32>
    %get3A_8 = vector.shape_cast %get3A_7 : vector<1x2000x128xf32> to vector<2000x128xf32>
    %add3A = arith.addf %get3A_3, %get3A_8 : vector<2000x128xf32>
    %get3A_9 = arith.constant 0 : index
    %get3A_10 = arith.constant 0 : index
    %get3A_11 = vector.load %arg1[%get3A_9, %get3A_10] : memref<2000x128xf32, #tpu.memory_space<vmem>>, vector<2000x128xf32>
    %get3A_12 = arith.constant 0 : index
    %get3A_13 = arith.constant 0 : index
    %get3A_14 = vector.load %arg3[%get3A_12, %get3A_13] : memref<128x128xf32, #tpu.memory_space<vmem>>, vector<128x128xf32>
    %dot_general3A = arith.constant dense<0.000000e+00> : vector<2000x128xf32>
    %dot_general3A_15 = tpu.matmul %get3A_11, %get3A_14, %dot_general3A {dimension_numbers = #tpu.dot_dimension_numbers<[1], [0], [0], [1], [0, 0, 1, 1], [], []>, transpose_lhs_hint = false} : vector<2000x128xf32>, vector<128x128xf32>, vector<2000x128xf32> -> vector<2000x128xf32>
    %get3A_16 = arith.constant 0 : index
    %get3A_17 = arith.constant 0 : index
    %get3A_18 = vector.load %arg4[%get3A_16, %get3A_17] : memref<1x128xf32, #tpu.memory_space<vmem>>, vector<1x128xf32>
    %add3A_19 = vector.broadcast %get3A_18 : vector<1x128xf32> to vector<2000x128xf32>
    %add3A_20 = arith.addf %dot_general3A_15, %add3A_19 : vector<2000x128xf32>
    %get3A_21 = arith.constant 0 : index
    %get3A_22 = arith.constant 0 : index
    %get3A_23 = vector.load %arg5[%get3A_21, %get3A_22] : memref<128x128xf32, #tpu.memory_space<vmem>>, vector<128x128xf32>
    %dot_general3A_24 = arith.constant dense<0.000000e+00> : vector<2000x128xf32>
    %dot_general3A_25 = tpu.matmul %add3A, %get3A_23, %dot_general3A_24 {dimension_numbers = #tpu.dot_dimension_numbers<[1], [0], [0], [1], [0, 0, 1, 1], [], []>, transpose_lhs_hint = false} : vector<2000x128xf32>, vector<128x128xf32>, vector<2000x128xf32> -> vector<2000x128xf32>
    %add3A_26 = arith.addf %add3A_20, %dot_general3A_25 : vector<2000x128xf32>
    %get3A_27 = arith.constant 0 : index
    %get3A_28 = arith.constant 0 : index
    %get3A_29 = vector.load %arg6[%get3A_27, %get3A_28] : memref<1x128xf32, #tpu.memory_space<vmem>>, vector<1x128xf32>
    %add3A_30 = vector.broadcast %get3A_29 : vector<1x128xf32> to vector<2000x128xf32>
    %add3A_31 = arith.addf %add3A_26, %add3A_30 : vector<2000x128xf32>
    %max3A = arith.constant 0.000000e+00 : f32
    %max3A_32 = vector.broadcast %max3A : f32 to vector<2000x128xf32>
    %max3A_33 = arith.maximumf %add3A_31, %max3A_32 : vector<2000x128xf32>
    %swap3A = arith.constant 0 : index
    %swap3A_34 = arith.constant 0 : index
    %swap3A_35 = vector.load %arg7[%swap3A, %swap3A_34] : memref<2000x128xf32, #tpu.memory_space<vmem>>, vector<2000x128xf32>
    tpu.vector_store %arg7[%swap3A, %swap3A_34], %max3A_33 {strides = array<i32>} : memref<2000x128xf32, #tpu.memory_space<vmem>>, vector<2000x128xf32>,
    return
  }
  func.func @transform_0(%arg0: i32) -> (i32, i32) {
    %c0_i32 = arith.constant 0 : i32
    %c0_i32_0 = arith.constant 0 : i32
    return %arg0, %c0_i32 : i32, i32
  }
  func.func @transform_1(%arg0: i32) -> (i32, i32, i32) {
    %c0_i32 = arith.constant 0 : i32
    %c0_i32_0 = arith.constant 0 : i32
    %c0_i32_1 = arith.constant 0 : i32
    return %c0_i32, %arg0, %c0_i32_0 : i32, i32, i32
  }
  func.func @transform_2(%arg0: i32) -> (i32, i32) {
    %c0_i32 = arith.constant 0 : i32
    %c0_i32_0 = arith.constant 0 : i32
    %c0_i32_1 = arith.constant 0 : i32
    return %c0_i32, %c0_i32_0 : i32, i32
  }
  func.func @transform_3(%arg0: i32) -> (i32, i32) {
    %c0_i32 = arith.constant 0 : i32
    %c0_i32_0 = arith.constant 0 : i32
    %c0_i32_1 = arith.constant 0 : i32
    return %c0_i32, %c0_i32_0 : i32, i32
  }
  func.func @transform_4(%arg0: i32) -> (i32, i32) {
    %c0_i32 = arith.constant 0 : i32
    %c0_i32_0 = arith.constant 0 : i32
    %c0_i32_1 = arith.constant 0 : i32
    return %c0_i32, %c0_i32_0 : i32, i32
  }
  func.func @transform_5(%arg0: i32) -> (i32, i32) {
    %c0_i32 = arith.constant 0 : i32
    %c0_i32_0 = arith.constant 0 : i32
    %c0_i32_1 = arith.constant 0 : i32
    return %c0_i32, %c0_i32_0 : i32, i32
  }
  func.func @transform_6(%arg0: i32) -> (i32, i32) {
    %c0_i32 = arith.constant 0 : i32
    %c0_i32_0 = arith.constant 0 : i32
    return %arg0, %c0_i32 : i32, i32
  }
}

module attributes {stable_mosaic.version = 14 : i64} {
  func.func @_mlp_body(%arg0: i32, %arg1: memref<3200x17xf32, #tpu.memory_space<vmem>>, %arg2: memref<17x128xf32, #tpu.memory_space<vmem>>, %arg3: memref<1x128xf32, #tpu.memory_space<vmem>>, %arg4: memref<128x128xf32, #tpu.memory_space<vmem>>, %arg5: memref<1x128xf32, #tpu.memory_space<vmem>>, %arg6: memref<3200x128xf32, #tpu.memory_space<vmem>>) attributes {dimension_semantics = [#tpu.dimension_semantics<arbitrary>], iteration_bounds = array<i64: 100>, scalar_prefetch = 0 : i64, scratch_operands = 0 : i64, tpu.core_type = #tpu.core_type<tc>, window_params = [{transform_indices = @transform_0, window_bounds = array<i64: 3200, 17>}, {pipeline_mode = #tpu.pipeline_mode<synchronous>, transform_indices = @transform_1, window_bounds = array<i64: 17, 128>}, {pipeline_mode = #tpu.pipeline_mode<synchronous>, transform_indices = @transform_2, window_bounds = array<i64: 1, 128>}, {pipeline_mode = #tpu.pipeline_mode<synchronous>, transform_indices = @transform_3, window_bounds = array<i64: 128, 128>}, {pipeline_mode = #tpu.pipeline_mode<synchronous>, transform_indices = @transform_4, window_bounds = array<i64: 1, 128>}, {transform_indices = @transform_5, window_bounds = array<i64: 3200, 128>}]} {
    %get3A = arith.constant 0 : index
    %get3A_0 = arith.constant 0 : index
    %get3A_1 = vector.load %arg1[%get3A, %get3A_0] : memref<3200x17xf32, #tpu.memory_space<vmem>>, vector<3200x17xf32>
    %get3A_2 = arith.constant 0 : index
    %get3A_3 = arith.constant 0 : index
    %get3A_4 = vector.load %arg2[%get3A_2, %get3A_3] : memref<17x128xf32, #tpu.memory_space<vmem>>, vector<17x128xf32>
    %dot_general3A = arith.constant dense<0.000000e+00> : vector<3200x128xf32>
    %dot_general3A_5 = tpu.matmul %get3A_1, %get3A_4, %dot_general3A {dimension_numbers = #tpu.dot_dimension_numbers<[1], [0], [0], [1], [0, 0, 1, 1], [], []>, transpose_lhs_hint = false} : vector<3200x17xf32>, vector<17x128xf32>, vector<3200x128xf32> -> vector<3200x128xf32>
    %get3A_6 = arith.constant 0 : index
    %get3A_7 = arith.constant 0 : index
    %get3A_8 = vector.load %arg3[%get3A_6, %get3A_7] : memref<1x128xf32, #tpu.memory_space<vmem>>, vector<1x128xf32>
    %add3A = vector.broadcast %get3A_8 : vector<1x128xf32> to vector<3200x128xf32>
    %add3A_9 = arith.addf %dot_general3A_5, %add3A : vector<3200x128xf32>
    %max3A = arith.constant 0.000000e+00 : f32
    %max3A_10 = vector.broadcast %max3A : f32 to vector<3200x128xf32>
    %max3A_11 = arith.maximumf %add3A_9, %max3A_10 : vector<3200x128xf32>
    %get3A_12 = arith.constant 0 : index
    %get3A_13 = arith.constant 0 : index
    %get3A_14 = vector.load %arg4[%get3A_12, %get3A_13] : memref<128x128xf32, #tpu.memory_space<vmem>>, vector<128x128xf32>
    %dot_general3A_15 = arith.constant dense<0.000000e+00> : vector<3200x128xf32>
    %dot_general3A_16 = tpu.matmul %max3A_11, %get3A_14, %dot_general3A_15 {dimension_numbers = #tpu.dot_dimension_numbers<[1], [0], [0], [1], [0, 0, 1, 1], [], []>, transpose_lhs_hint = false} : vector<3200x128xf32>, vector<128x128xf32>, vector<3200x128xf32> -> vector<3200x128xf32>
    %get3A_17 = arith.constant 0 : index
    %get3A_18 = arith.constant 0 : index
    %get3A_19 = vector.load %arg5[%get3A_17, %get3A_18] : memref<1x128xf32, #tpu.memory_space<vmem>>, vector<1x128xf32>
    %add3A_20 = vector.broadcast %get3A_19 : vector<1x128xf32> to vector<3200x128xf32>
    %add3A_21 = arith.addf %dot_general3A_16, %add3A_20 : vector<3200x128xf32>
    %swap3A = arith.constant 0 : index
    %swap3A_22 = arith.constant 0 : index
    %swap3A_23 = vector.load %arg6[%swap3A, %swap3A_22] : memref<3200x128xf32, #tpu.memory_space<vmem>>, vector<3200x128xf32>
    tpu.vector_store %arg6[%swap3A, %swap3A_22], %add3A_21 {strides = array<i32>} : memref<3200x128xf32, #tpu.memory_space<vmem>>, vector<3200x128xf32>,
    return
  }
  func.func @transform_0(%arg0: i32) -> (i32, i32) {
    %c0_i32 = arith.constant 0 : i32
    %c0_i32_0 = arith.constant 0 : i32
    return %arg0, %c0_i32 : i32, i32
  }
  func.func @transform_1(%arg0: i32) -> (i32, i32) {
    %c0_i32 = arith.constant 0 : i32
    %c0_i32_0 = arith.constant 0 : i32
    %c0_i32_1 = arith.constant 0 : i32
    return %c0_i32, %c0_i32_0 : i32, i32
  }
  func.func @transform_2(%arg0: i32) -> (i32, i32) {
    %c0_i32 = arith.constant 0 : i32
    %c0_i32_0 = arith.constant 0 : i32
    %c0_i32_1 = arith.constant 0 : i32
    return %c0_i32, %c0_i32_0 : i32, i32
  }
  func.func @transform_3(%arg0: i32) -> (i32, i32) {
    %c0_i32 = arith.constant 0 : i32
    %c0_i32_0 = arith.constant 0 : i32
    %c0_i32_1 = arith.constant 0 : i32
    return %c0_i32, %c0_i32_0 : i32, i32
  }
  func.func @transform_4(%arg0: i32) -> (i32, i32) {
    %c0_i32 = arith.constant 0 : i32
    %c0_i32_0 = arith.constant 0 : i32
    %c0_i32_1 = arith.constant 0 : i32
    return %c0_i32, %c0_i32_0 : i32, i32
  }
  func.func @transform_5(%arg0: i32) -> (i32, i32) {
    %c0_i32 = arith.constant 0 : i32
    %c0_i32_0 = arith.constant 0 : i32
    return %arg0, %c0_i32 : i32, i32
  }
}

</mosaic_0001>

<sc_bundles>
// kernel: kernel.5.cloned.1.call-start
scs
__scs_entry_jumppad:
0x0: {  	(pc) =	sbr.rel $0x88, $3  }
0x1: {  	(tag) =	ssettag $0x0;
	lr =	simm.s32 $0x1  }
0x2: {  	[smem:$0x3F96] =	sst lr;
	_ =	strace $0xD0000000  }
0x3: {  	_ = 	snop  }
0x4: {  	_ = 	snop  }
0x5: {  	_ = 	snop  }
0x6: {  	_ = 	snop  }
0x7: {  	_ = 	snop  }
__scs_overlays_trampoline_lowered:
0x8: {  	[smem:$0x3FA5] =	sst s0  }
0x9: {  	[smem:$0x3FA6] =	sst s1  }
0xa: {  	[smem:$0x3FA7] =	sst s2  }
0xb: {  	[smem:$0x3FA8] =	sst s3  }
0xc: {  	[smem:$0x3FA9] =	sst s4  }
0xd: {  	[smem:$0x3FAA] =	sst s5  }
0xe: {  	[smem:$0x3FAB] =	sst s6  }
0xf: {  	[smem:$0x3FAC] =	sst s7  }
0x10: {  	[smem:$0x3FAD] =	sst s8  }
0x11: {  	[smem:$0x3FAE] =	sst s9;
	s0 =	simm.s32 @!p0 $0x0  }
0x12: {  	s1 =	sld [smem:$0x3F94];
	s0 =	simm.s32 @p0 $0x1  }
0x13: {  	[smem:$0x3FAF] =	sst s0;
	s0 =	simm.s32 @!p1 $0x0  }
0x14: {  	s2 =	sld [smem:$0x3F93];
	s0 =	simm.s32 @p1 $0x1  }
0x15: {  	[smem:$0x3FB0] =	sst s0;
	s0 =	simm.s32 @!p2 $0x0  }
0x16: {  	s3 =	sld [smem:$0x3FDB];
	s0 =	simm.s32 @p2 $0x1  }
0x17: {  	s4 =	simm.s32 $0x1BF5;
	[smem:$0x3FB2] =	sst s0  }
0x18: {  	s0 =	sld [smem:$0x3F95];
	_ =	swait.ge [sflag:s4], $0x0  }
0x19: {  	s7 =	sld [smem:$0x3F96]  }
0x1a: {  	s8 =	sadd.s32 $0xFFFFE003, lr  }
0x1b: {  	s9 =	sadd.s32 $0xFFFFFEF7, lr;
	s5 =	simm.s32 $0xFFFFFFFF;
	p2 =	slt.u32 s8, $0xFFFFF086  }
0x1c: {  	p1 =	slt.u32 s9, $0xF7A;
	s5 =	simm.s32 @!p2 $0x0  }
0x1d: {  	s5 =	simm.s32 @p1 $0x1;
	p0 =	seq.s32 s7, s2  }
0x1e: {  	s7 =	smul.u32 @!p0 $0xF7A, s2;
	p2 =	seq.s32 @!p0 s5, $0x0  }
0x1f: {  	s9 =	smul.u32 $0xF7A, s1;
	s8 =	simm.s32 @!p0 $0x1BF5;
	p2 =	por !p2, p0  }
0x20: {  	[sflag:s8] =	ssyncset.s32 @!p0 $0xFFFFF086;
	s6 =	sadd.s32 @!p0 s3, s7;
	s7 =	simm.s32 @!p0 $0x108  }
0x21: {  	s3 =	sadd.s32 s3, s9;
	s6 =	sadd.s32 @!p0 $0x88, s6;
	s7 =	simm.s32 @p2 $0x1082  }
0x22: {  	[simem:s7], [sflag:s8] =	dma.local @!p0 [hbm:s6], $0xF7A  }
0x23: {  	s9 =	sor.u32 $0xD0000000, s2;
	s6 =	simm.s32 $0x108;
	_ =	swait.ge @!p0 [sflag:s8], $0x0  }
0x24: {  	s3 =	sadd.s32 $0x88, s3;
	s6 =	simm.s32 @!p1 $0x1082;
	[sflag:s4] =	ssyncset.s32 $0xFFFFF086  }
0x25: {  	[simem:s6], [sflag:s4] =	dma.local [hbm:s3], $0xF7A  }
0x26: {  	[smem:$0x3F96] =	sst s1;
	(tag) =	ssettag s2;
	_ =	strace s9  }
0x27: {  	s1 =	sld [smem:$0x3FA6]  }
0x28: {  	s2 =	sld [smem:$0x3FA7]  }
0x29: {  	s4 =	sld [smem:$0x3FA9]  }
0x2a: {  	p0 =	seq.s32 s5, $0x0;
	s5 =	sld [smem:$0x3FAA]  }
0x2b: {  	s6 =	sld [smem:$0x3FAB]  }
0x2c: {  	s7 =	sld [smem:$0x3FAC]  }
0x2d: {  	s3 =	simm.s32 $0x108;
	s8 =	sld [smem:$0x3FAD]  }
0x2e: {  	s3 =	simm.s32 @!p0 $0x1082;
	s9 =	sld [smem:$0x3FAE]  }
0x2f: {  	lr =	sadd.s32 s0, s3;
	s0 =	sld [smem:$0x3FA5]  }
0x30: {  	s3 =	sld [smem:$0x3FA8]  }
0x31: {  	[smem:$0x3FB1] =	sst s10  }
0x32: {  	s10 =	sld [smem:$0x3FAF];
	_ =	sdelay $0x3  }
0x33: {  	p0 =	seq.s32 s10, $0x1;
	s10 =	sld [smem:$0x3FB1];
	_ =	sdelay $0x3  }
0x34: {  	[smem:$0x3FB1] =	sst s10  }
0x35: {  	s10 =	sld [smem:$0x3FB0];
	_ =	sdelay $0x3  }
0x36: {  	p1 =	seq.s32 s10, $0x1;
	s10 =	sld [smem:$0x3FB1];
	_ =	sdelay $0x3  }
0x37: {  	[smem:$0x3FB1] =	sst s10  }
0x38: {  	s10 =	sld [smem:$0x3FB2]  }
0x39: {  	_ = 	snop;
	(pc) =	sbr.ind lr, $3  }
0x3a: {  	_ = 	snop  }
0x3b: {  	_ = 	snop  }
0x3c: {  	p2 =	seq.s32 s10, $0x1;
	s10 =	sld [smem:$0x3FB1]  }
0x3d: {  	_ =	shalt  }
0x3e: {  	_ =	shalt  }
0x3f: {  	_ =	shalt  }
0x40: {  	_ =	shalt  }
0x41: {  	_ =	shalt  }
0x42: {  	_ =	shalt  }
0x43: {  	_ =	shalt  }
0x44: {  	_ =	shalt  }
0x45: {  	_ =	shalt  }
0x46: {  	_ =	shalt  }
0x47: {  	_ =	shalt  }
0x48: {  	_ =	shalt  }
0x49: {  	_ =	shalt  }
0x4a: {  	_ =	shalt  }
0x4b: {  	_ =	shalt  }
0x4c: {  	_ =	shalt  }
0x4d: {  	_ =	shalt  }
0x4e: {  	_ =	shalt  }
0x4f: {  	_ =	shalt  }
0x50: {  	_ =	shalt  }
0x51: {  	_ =	shalt  }
0x52: {  	_ =	shalt  }
0x53: {  	_ =	shalt  }
0x54: {  	_ =	shalt  }
0x55: {  	_ =	shalt  }
0x56: {  	_ =	shalt  }
0x57: {  	_ =	shalt  }
0x58: {  	_ =	shalt  }
0x59: {  	_ =	shalt  }
0x5a: {  	_ =	shalt  }
0x5b: {  	_ =	shalt  }
0x5c: {  	_ =	shalt  }
0x5d: {  	_ =	shalt  }
0x5e: {  	_ =	shalt  }
0x5f: {  	_ =	shalt  }
0x60: {  	_ =	shalt  }
0x61: {  	_ =	shalt  }
0x62: {  	_ =	shalt  }
0x63: {  	_ =	shalt  }
0x64: {  	_ =	shalt  }
0x65: {  	_ =	shalt  }
0x66: {  	_ =	shalt  }
0x67: {  	_ =	shalt  }
0x68: {  	_ =	shalt  }
0x69: {  	_ =	shalt  }
0x6a: {  	_ =	shalt  }
0x6b: {  	_ =	shalt  }
0x6c: {  	_ =	shalt  }
0x6d: {  	_ =	shalt  }
0x6e: {  	_ =	shalt  }
0x6f: {  	_ =	shalt  }
0x70: {  	_ =	shalt  }
0x71: {  	_ =	shalt  }
0x72: {  	_ =	shalt  }
0x73: {  	_ =	shalt  }
0x74: {  	_ =	shalt  }
0x75: {  	_ =	shalt  }
0x76: {  	_ =	shalt  }
0x77: {  	_ =	shalt  }
0x78: {  	_ =	shalt  }
0x79: {  	_ =	shalt  }
0x7a: {  	_ =	shalt  }
0x7b: {  	_ =	shalt  }
0x7c: {  	_ =	shalt  }
0x7d: {  	_ =	shalt  }
0x7e: {  	_ =	shalt  }
0x7f: {  	_ =	shalt  }
0x80: {  	_ =	shalt  }
0x81: {  	_ =	shalt  }
0x82: {  	_ =	shalt  }
0x83: {  	_ =	shalt  }
0x84: {  	_ =	shalt  }
0x85: {  	_ =	shalt  }
0x86: {  	_ =	shalt  }
0x87: {  	_ =	shalt  }
.Lfunc_end0:
.L_simem_size_0:
called_computation_lowered:
.L_overlay_start_0:
0x88: {  	s2 =	sld [smem:$0x3FD9]  }
0x89: {  	s3 =	sld [smem:$0x3FFE];
	_ =	sdelay $0x1  }
0x8a: {  	s1 =	srdreg.scid  }
0x8b: {  	s0 =	sand.u32 $0x1, s1  }
0x8c: {  	s17 =	sshll.u32 s0, $0xA;
	s2 =	sadd.s32 s3, s2  }
0x8d: {  	s2 =	sadd.s32 s2, s17  }
0x8e: {  	[smem:$0x3FBD] =	sst s2  }
0x8f: {  	_ = 	snop  }
0x90: {  	s2 =	sld [smem:$0x3FC9]  }
0x91: {  	s18 =	sld [smem:$0x3FD0];
	(tm) =	ssettm $0x1  }
0x92: {  	s4 =	sld [smem:$0x3FFB];
	_ =	sdelay $0x3  }
0x93: {  	_ =	strace s4  }
0x94: {  	s4 =	sld [smem:$0x3FFC];
	_ =	sdelay $0x3  }
0x95: {  	_ =	strace s4  }
0x96: {  	s4 =	sld [smem:$0x3FFD];
	_ =	sdelay $0x3  }
0x97: {  	_ =	strace s4  }
0x98: {  	_ =	strace $0x8FFFFFFF  }
0x99: {  	s19 =	sld [smem:$0x3FDB];
	_ =	sdelay $0x1  }
0x9a: {  	s5 =	simm.s32 $_scs_section_size  }
0x9b: {  	s6 =	simm.s32 $_size__tile_overlayer_lowered;
	s7 =	simm.s32 $_tile_overlayer_lowered  }
0x9c: {  	s22 =	simm.s32 $0x1BFF;
	s21 =	sshll.u32 s7, $0x1;
	s4 =	sadd.s32 s5, s19  }
0x9d: {  	s8 =	simm.s32 $0x0;
	s20 =	sshll.u32 s6, $0x1;
	s6 =	sadd.s32 s21, s4  }
0x9e: {  	[timem:s8], [sflag:s22] =	dma.local [hbm:s6], s20  }
0x9f: {  	_ =	swait.ge [sflag:s22], s20  }
0xa0: {  	s5 =	ssub.s32 $0x0, s20;
	[sflag:s22] =	ssyncset.done $0x0  }
0xa1: {  	[sflag:s22] =	ssyncadd.s32 s5;
	_ =	sdelay $0x1  }
0xa2: {  	s23 =	simm.s32 $0x1B8B  }
0xa3: {  	_ =	swait.ge [sflag:s23], $0x1  }
0xa4: {  	[sflag:s23] =	ssyncset.done $0x0  }
0xa5: {  	s25 =	simm.s32 $0x1B8E;
	s24 =	sld [smem:$0x3FFE];
	[sflag:s23] =	ssyncadd.s32 $0xFFFFFFFF  }
0xa6: {  	s26 =	simm.s32 $execute0_lowered;
	[smem:$0x3FD2] =	sst s25  }
0xa7: {  	s6 =	sshll.u32 s26, $0x1;
	_ =	strace $0x80000046;
	[dreg:$0x1] =	wrdreg $0xFFFFFFFF  }
0xa8: {  	s28 =	simm.s32 $_size_execute0_lowered;
	s4 =	sadd.s32 s4, s6;
	[dreg:$0x0] =	wrdreg $0x0  }
0xa9: {  	s6 =	sshll.u32 s28, $0x1;
	[dreg:$0x2] =	wrdreg s4  }
0xaa: {  	[dreg:$0x3] =	wrdreg s6  }
0xab: {  	[dreg:$0x4] =	wrdreg $0xC0  }
0xac: {  	_ =	task [dreg:s8], $0x5FFFF  }
0xad: {  	[dreg:$0x1] =	wrdreg $0xFFFFFFFF  }
0xae: {  	[dreg:$0x0] =	wrdreg $0x60  }
0xaf: {  	[dreg:$0x2] =	wrdreg s24  }
0xb0: {  	[dreg:$0x3] =	wrdreg s18  }
0xb1: {  	[dreg:$0x4] =	wrdreg s2  }
0xb2: {  	[dreg:$0x5] =	wrdreg $0xA3000  }
0xb3: {  	[dreg:$0x6] =	wrdreg $0x9  }
0xb4: {  	_ =	task.clear_ibuf [dreg:s8], $0x7FFFF;
	_ =	strace $0x90000046  }
0xb5: {  	s29 =	simm.s32 $0x9;
	_ =	strace $0x80000048  }
0xb6: {  	_ =	swait.ge [sflag:s29], $0x1  }
0xb7: {  	[sflag:s29] =	ssyncadd.s32 $0xFFFFFFFF  }
0xb8: {  	_ =	strace $0x90000048  }
0xb9: {  	_ =	sfence  }
0xba: {  	s30 =	sld [smem:$0x0];
	_ =	sdelay $0x2  }
0xbb: {  	s31 =	sshll.u32 s1, $0xD;
	s1 =	sshrl.u32 s1, $0x2  }
0xbc: {  	s3 =	sand.u32 $0x4000, s31;
	s1 =	sadd.s32 s1, s30  }
0xbd: {  	s0 =	sor.u32 s3, s0;
	s1 =	sshll.u32 s1, $0x11  }
0xbe: {  	s0 =	sor.u32 s1, s0  }
0xbf: {  	s0 =	sadd.s32 $0x8F2B, s0  }
0xc0: {  	[sflag:s0] =	ssyncadd.remote.s32 $0x1  }
0xc1: {  	_ =	sfence.sel $0xFFFF  }
0xc2: {  	[dreg:$0x0] =	wrdreg $0xFFFFFFFF;
	(pc) =	sbr.abs _section_cstart, $3  }
0xc3: {  	[dreg:$0x1] =	wrdreg $0xFFFFFFFF  }
0xc4: {  	_ =	task.clear_ibuf [dreg:s8], $0x2FFFF;
	_ =	strace $0x9FFFFFFF  }
0xc5: {  	(tm) =	ssettm $0x7FFFFFFF  }
tec
execute0_lowered:
.L_overlay_start_1:
0x0: {  	(tag) =	ssettag $0x1  }
0x1: {  	s1 =	rddreg [dreg:$0x0]  }
0x2: {  	s0 =	rddreg [dreg:$0x1]  }
0x3: {  	s2 =	rddreg [dreg:$0x2]  }
0x4: {  	s3 =	rddreg [dreg:$0x3]  }
0x5: {  	s4 =	simm.s32 $0x0;
	s5 =	srdreg.scid;
	s21 =	stileid.u32  }
0x6: {  	[smem:$0x7FF] =	sst s4;
	s5 =	sand.u32 $0x1, s5;
	s6 =	smul.u32 $0x280, s21  }
0x7: {  	s8 =	sshll.u32 s21, $0x1;
	s11 =	smul.u32 $0xFFFFB000, s21;
	s12 =	sadd.s32 $0xAE00, s1  }
0x8: {  	s7 =	ssub.s32 $0x2, s5;
	s9 =	smul.u32 $0x2800, s5;
	s8 =	sor.u32 s5, s8  }
0x9: {  	s10 =	sshrl.u32 s7, $0x1;
	s5 =	smul.u32 $0x2800, s8;
	s13 =	sadd.s32 $0xA0, s6  }
0xa: {  	s14 =	sadd.s32 $0xF0, s6;
	s18 =	sadd.s32 $0x140, s6;
	s19 =	sadd.s32 $0x190, s6  }
0xb: {  	s20 =	sadd.s32 $0x1E0, s6;
	s7 =	ssub.s32 s7, s10;
	s10 =	ssub.s32 s11, s9  }
0xc: {  	s11 =	sor.u32 $0x50, s6;
	s15 =	sadd.s32 s9, s6;
	s6 =	sadd.s32 $0x230, s6  }
0xd: {  	s16 =	sadd.s32 s9, s13;
	s25 =	sadd.s32 s9, s18;
	s26 =	sadd.s32 s9, s19  }
0xe: {  	s31 =	sadd.s32 s9, s20;
	s13 =	sshll.u32 s13, $0x7;
	s15 =	sshll.u32 s15, $0x4  }
0xf: {  	s17 =	sadd.s32 s9, s11;
	s22 =	sshll.u32 s16, $0x4;
	s10 =	sadd.s32 $0x4E200, s10  }
0x10: {  	s16 =	sadd.s32 $0x4ECE00, s1;
	s29 =	sadd.s32 s13, s3;
	s15 =	sadd.s32 s12, s15  }
0x11: {  	s13 =	simm.s32 $0x9;
	[dreg:$0x5] =	wrdreg s15;
	s15 =	sshll.u32 s17, $0x4  }
0x12: {  	s17 =	sadd.s32 s9, s14;
	s9 =	sadd.s32 s9, s6;
	s14 =	sshll.u32 s14, $0x7  }
0x13: {  	s15 =	sadd.s32 s12, s15;
	s23 =	sshll.u32 s17, $0x4;
	s9 =	sshll.u32 s9, $0x4  }
0x14: {  	s30 =	sadd.s32 s14, s3;
	s14 =	simm.s32 $0x8;
	[dreg:$0x6] =	wrdreg s15  }
0x15: {  	s15 =	sadd.s32 s12, s22;
	s24 =	sadd.s32 s12, s23;
	s22 =	sshll.u32 s26, $0x4  }
0x16: {  	s23 =	sshll.u32 s31, $0x4;
	s9 =	sadd.s32 s12, s9;
	[dreg:$0x7] =	wrdreg s15  }
0x17: {  	s31 =	smul.u32 $0x28000, s8;
	[dreg:$0x8] =	wrdreg s24;
	s15 =	sshll.u32 s25, $0x4  }
0x18: {  	s24 =	sadd.s32 s12, s23;
	s25 =	ssub.s32 $0x4E200, s5;
	[dreg:$0xc] =	wrdreg s9  }
0x19: {  	s15 =	sadd.s32 s12, s15;
	[dreg:$0xb] =	wrdreg s24;
	s26 =	smin.u32 s25, $0x2800  }
0x1a: {  	s25 =	smul.u32 $0x50000, s21;
	s21 =	sshll.u32 s18, $0x7;
	s18 =	simm.s32 $0xA  }
0x1b: {  	[dreg:$0x9] =	wrdreg s15;
	s15 =	sadd.s32 s12, s22;
	s9 =	smul.u32 $0xCCD, s26  }
0x1c: {  	s12 =	smin.u32 s10, $0x2800;
	s22 =	sshrl.u32 s5, $0x3;
	s10 =	smax.u32 s7, $0x1  }
0x1d: {  	s7 =	simm.s32 $0xD;
	[dreg:$0xa] =	wrdreg s15;
	s15 =	sadd.s32 $0x1000, s1  }
0x1e: {  	s8 =	smul.u32 $0xCCD, s12;
	s24 =	sor.u32 $0xA, s22;
	s1 =	sadd.s32 s16, s31  }
0x1f: {  	s12 =	sshll.u32 s11, $0x7;
	_ =	strace $0x80000047;
	[dreg:$0xf] =	wrdreg s1  }
0x20: {  	s17 =	sshrl.u32 s9, $0x12;
	s23 =	sadd.s32 s15, s22;
	[dreg:$0x12] =	wrdreg s10  }
0x21: {  	s9 =	sadd.s32 s0, s22;
	s26 =	sadd.s32 s15, s24;
	[dreg:$0x13] =	wrdreg s29  }
0x22: {  	s31 =	sadd.s32 s0, s24;
	s28 =	sadd.s32 s12, s3;
	[dreg:$0x14] =	wrdreg s30  }
0x23: {  	s1 =	sadd.s32 s21, s3;
	s22 =	sshll.u32 s19, $0x7;
	[dreg:$0xd] =	wrdreg s23  }
0x24: {  	s24 =	sshll.u32 s20, $0x7;
	s10 =	simm.s32 $0x180;
	[dreg:$0xe] =	wrdreg s9  }
0x25: {  	s12 =	simm.s32 $0x7;
	s19 =	simm.s32 $0x2B00;
	[dreg:$0x10] =	wrdreg s26  }
0x26: {  	s20 =	simm.s32 $0x200;
	s21 =	simm.s32 $0x280;
	[dreg:$0x11] =	wrdreg s31  }
0x27: {  	s23 =	sshrl.u32 s8, $0x14;
	s9 =	sshrl.u32 s25, $0x2;
	[dreg:$0x15] =	wrdreg s1  }
0x28: {  	s1 =	sadd.s32 s22, s3;
	s25 =	sadd.s32 s24, s3;
	s31 =	sshll.u32 s6, $0x7  }
0x29: {  	s6 =	simm.s32 $0x300;
	s8 =	simm.s32 $0x100;
	[dreg:$0x16] =	wrdreg s1  }
0x2a: {  	s22 =	simm.s32 $0x0;
	[dreg:$0x17] =	wrdreg s25;
	s1 =	sadd.s32 s31, s3  }
0x2b: {  	v0 =	vimm.f32 $0.0e+00;
	s26 =	sadd.s32 s9, s3;
	s9 =	simm.s32 $0x50;
	[dreg:$0x18] =	wrdreg s1  }
.LBB2_1:
0x2c: {  	s24 =	simm.s32 $0x0;
	s25 =	simm.s32 $0x200  }
.LBB2_2:
0x2d: {  	p0 =	sne.s32 s25, $0x9E00;
	[tilespmem:s24+$0x370] =	vst v0  }
0x2e: {  	[tilespmem:s24+$0x300] =	vst v0  }
0x2f: {  	[tilespmem:s24+$0x310] =	vst v0  }
.Ltmp0:
0x30: {  	[tilespmem:s24+$0x320] =	vst v0;
	(pc) =	sbr.rel @p0 .LBB2_2-.Ltmp0, $4  }
0x31: {  	[tilespmem:s24+$0x330] =	vst v0  }
0x32: {  	[tilespmem:s24+$0x340] =	vst v0  }
0x33: {  	[tilespmem:s24+$0x350] =	vst v0  }
0x34: {  	[tilespmem:s24+$0x360] =	vst v0;
	s24 =	sshra.s32 s25, $0x2;
	s25 =	sadd.s32 $0x200, s25  }
0x35: {  	[tilespmem:s24+$0x370] =	vst v0  }
0x36: {  	[tilespmem:s24+$0x300] =	vst v0  }
0x37: {  	[tilespmem:s24+$0x310] =	vst v0  }
0x38: {  	[tilespmem:s24+$0x320] =	vst v0  }
0x39: {  	[tilespmem:s24+$0x330] =	vst v0  }
0x3a: {  	[tilespmem:s24+$0x340] =	vst v0  }
0x3b: {  	[tilespmem:s24+$0x350] =	vst v0  }
0x3c: {  	[tilespmem:s24+$0x360] =	vst v0  }
0x3d: {  	[spmem:s26] =	stream.linear.scatter [tilespmem:s6], [sflag:$0xD], $0x2800, $0x38;
	[tilespmem:$0x1E300] =	vst v63  }
0x3e: {  	_ =	swait.ge [sflag:s7], $0x2800  }
0x3f: {  	[sflag:s7] =	ssyncset.done $0x0  }
0x40: {  	[sflag:s7] =	ssyncadd.s32 $0xFFFFD800  }
0x41: {  	[spmem:s28] =	stream.linear.scatter [tilespmem:s6], [sflag:$0xD], $0x2800, $0x38;
	[tilespmem:$0x1E300] =	vst v63  }
0x42: {  	_ =	swait.ge [sflag:s7], $0x2800  }
0x43: {  	[sflag:s7] =	ssyncset.done $0x0  }
0x44: {  	[sflag:s7] =	ssyncadd.s32 $0xFFFFD800  }
0x45: {  	[spmem:s29] =	stream.linear.scatter [tilespmem:s6], [sflag:$0xD], $0x2800, $0x38;
	[tilespmem:$0x1E300] =	vst v63  }
0x46: {  	_ =	swait.ge [sflag:s7], $0x2800  }
0x47: {  	[sflag:s7] =	ssyncset.done $0x0  }
0x48: {  	[sflag:s7] =	ssyncadd.s32 $0xFFFFD800  }
0x49: {  	[spmem:s30] =	stream.linear.scatter [tilespmem:s6], [sflag:$0xD], $0x2800, $0x38;
	[tilespmem:$0x1E300] =	vst v63  }
0x4a: {  	_ =	swait.ge [sflag:s7], $0x2800  }
0x4b: {  	[sflag:s7] =	ssyncset.done $0x0  }
0x4c: {  	s25 =	rddreg [dreg:$0x15];
	[sflag:s7] =	ssyncadd.s32 $0xFFFFD800  }
0x4d: {  	[spmem:s25] =	stream.linear.scatter [tilespmem:s6], [sflag:$0xD], $0x2800, $0x38;
	[tilespmem:$0x1E300] =	vst v63  }
0x4e: {  	_ =	swait.ge [sflag:s7], $0x2800  }
0x4f: {  	[sflag:s7] =	ssyncset.done $0x0  }
0x50: {  	s11 =	smov.u32 s26;
	s26 =	rddreg [dreg:$0x16];
	[sflag:s7] =	ssyncadd.s32 $0xFFFFD800  }
0x51: {  	[spmem:s26] =	stream.linear.scatter [tilespmem:s6], [sflag:$0xD], $0x2800, $0x38;
	[tilespmem:$0x1E300] =	vst v63  }
0x52: {  	_ =	swait.ge [sflag:s7], $0x2800  }
0x53: {  	[sflag:s7] =	ssyncset.done $0x0  }
0x54: {  	s1 =	smov.u32 s28;
	s28 =	rddreg [dreg:$0x17];
	[sflag:s7] =	ssyncadd.s32 $0xFFFFD800  }
0x55: {  	[spmem:s28] =	stream.linear.scatter [tilespmem:s6], [sflag:$0xD], $0x2800, $0x38;
	[tilespmem:$0x1E300] =	vst v63  }
0x56: {  	_ =	swait.ge [sflag:s7], $0x2800  }
0x57: {  	[sflag:s7] =	ssyncset.done $0x0  }
0x58: {  	s29 =	rddreg [dreg:$0x18];
	[sflag:s7] =	ssyncadd.s32 $0xFFFFD800  }
0x59: {  	[spmem:s29] =	stream.linear.scatter [tilespmem:s6], [sflag:$0xD], $0x2800, $0x38;
	[tilespmem:$0x1E300] =	vst v63  }
0x5a: {  	_ =	swait.ge [sflag:s7], $0x2800  }
0x5b: {  	[sflag:s7] =	ssyncset.done $0x0  }
0x5c: {  	[sflag:s7] =	ssyncadd.s32 $0xFFFFD800  }
0x5d: {  	[bflag:$0x0] =	sbarrier.arrive $0xFFFF  }
0x5e: {  	s25 =	simm.s32 $0x0;
	s30 =	rddreg [dreg:$0xd]  }
0x5f: {  	[tilespmem:s25], [sflag:$0xD] =	stream.linear.gather [hbm4b:s30+s25], $0x50, $0x38;
	[tilespmem:$0x1E300] =	vst v63  }
0x60: {  	_ =	swait.ge [sflag:s7], $0x50  }
0x61: {  	[sflag:s7] =	ssyncset.done $0x0  }
0x62: {  	s31 =	rddreg [dreg:$0xe];
	[sflag:s7] =	ssyncadd.s32 $0xFFFFFFB0  }
0x63: {  	[tilespmem:s8], [sflag:$0xD] =	stream.linear.gather [hbm4b:s31+s25], $0x50, $0x38;
	[tilespmem:$0x1E300] =	vst v63  }
0x64: {  	_ =	swait.ge [sflag:s7], $0x50  }
0x65: {  	[sflag:s7] =	ssyncset.done $0x0  }
0x66: {  	[sflag:s7] =	ssyncadd.s32 $0xFFFFFFB0  }
0x67: {  	[tilespmem:s6], [sflag:$0x7] =	stream.indirect.gather [hbm4b:s2+s9], $0x80, s25, s9, $0xb8;
	[tilespmem:$0x1E300] =	vst v63  }
0x68: {  	s28 =	simm.s32 $0x5300;
	s26 =	rddreg [dreg:$0xf]  }
0x69: {  	[tilespmem:s28], [sflag:$0x9] =	stream.linear.gather [hbm4b:s26+s25], $0x2800, $0x38;
	[tilespmem:$0x1E300] =	vst v63  }
0x6a: {  	s30 =	simm.s32 $0x80;
	s29 =	rddreg [dreg:$0x10]  }
0x6b: {  	[tilespmem:s30], [sflag:$0x2] =	stream.linear.gather [hbm4b:s29+s25], $0x50, $0x38;
	[tilespmem:$0x1E300] =	vst v63  }
0x6c: {  	s31 =	rddreg [dreg:$0x11]  }
0x6d: {  	[tilespmem:s10], [sflag:$0x4] =	stream.linear.gather [hbm4b:s31+s25], $0x50, $0x38;
	[tilespmem:$0x1E300] =	vst v63  }
.LBB2_4:
0x6e: {  	s24 =	sshll.u32 s25, $0x2  }
0x6f: {  	s26 =	sor.u32 $0x1, s24  }
0x70: {  	p0 =	sge.u32 s26, s17  }
0x71: {  	s28 =	simm.s32 @!p0 $0x2  }
0x72: {  	_ =	swait.ge @!p0 [sflag:s28], $0x50  }
0x73: {  	[sflag:s28] =	ssyncset.done @!p0 $0x0  }
0x74: {  	[sflag:s28] =	ssyncadd.s32 @!p0 $0xFFFFFFB0;
	s28 =	simm.s32 @!p0 $0x4  }
0x75: {  	p1 =	seq.s32 @!p0 s24, $0x0;
	_ =	swait.ge @!p0 [sflag:s28], $0x50  }
0x76: {  	p1 =	por p1, p0;
	[sflag:s28] =	ssyncset.done @!p0 $0x0  }
0x77: {  	s26 =	smul.u32 @!p0 $0x50, s26;
	[sflag:s28] =	ssyncadd.s32 @!p0 $0xFFFFFFB0;
	s28 =	simm.s32 @!p1 $0xC  }
0x78: {  	s29 =	simm.s32 @!p0 $0x80;
	_ =	swait.ge @!p1 [sflag:s28], $0x2800  }
0x79: {  	s30 =	simm.s32 @!p0 $0x2B00;
	s26 =	sadd.s32 @!p0 s5, s26;
	[sflag:s28] =	ssyncset.done @!p1 $0x0  }
0x7a: {  	s26 =	sshll.u32 @!p0 s26, $0x4;
	[sflag:s28] =	ssyncadd.s32 @!p1 $0xFFFFD800;
	s28 =	simm.s32 @!p0 $0x50  }
0x7b: {  	[tilespmem:s30], [sflag:$0x8] =	stream.indirect.gather @!p0 [hbm4b:s2+s28], $0x80, s29, s28, $0xb8;
	[tilespmem:$0x1E300] =	vst v63  }
0x7c: {  	s26 =	sadd.s32 @!p0 s16, s26;
	s28 =	simm.s32 @!p0 $0x0;
	s29 =	simm.s32 @!p0 $0x7B00  }
0x7d: {  	[tilespmem:s29], [sflag:$0xA] =	stream.linear.gather @!p0 [hbm4b:s26+s28], $0x2800, $0x38;
	[tilespmem:$0x1E300] =	vst v63  }
0x7e: {  	_ =	swait.ge [sflag:s12], $0x2800  }
0x7f: {  	[sflag:s12] =	ssyncset.done $0x0  }
0x80: {  	[sflag:s12] =	ssyncadd.s32 $0xFFFFD800  }
0x81: {  	_ =	swait.ge [sflag:s13], $0x2800  }
0x82: {  	[sflag:s13] =	ssyncset.done $0x0  }
0x83: {  	s26 =	simm.s32 $0x0;
	[sflag:s13] =	ssyncadd.s32 $0xFFFFD800  }
0x84: {  	v8 =	vld [tilespmem:s26+$0x5300]  }
0x85: {  	v12 =	vld [tilespmem:s26+$0x5310]  }
0x86: {  	v6 =	vld [tilespmem:s26+$0x5320]  }
0x87: {  	v5 =	vld [tilespmem:s26+$0x5330]  }
0x88: {  	v4 =	vld [tilespmem:s26+$0x5340]  }
0x89: {  	v3 =	vld [tilespmem:s26+$0x5350]  }
0x8a: {  	v2 =	vld [tilespmem:s26+$0x5360]  }
0x8b: {  	v1 =	vld [tilespmem:s26+$0x5370]  }
0x8c: {  	v13 =	vld [tilespmem:s26+$0x300]  }
0x8d: {  	v14 =	vld [tilespmem:s26+$0x310]  }
0x8e: {  	v11 =	vld [tilespmem:s26+$0x320]  }
0x8f: {  	v10 =	vld [tilespmem:s26+$0x330]  }
0x90: {  	v9 =	vld [tilespmem:s26+$0x340]  }
0x91: {  	v7 =	vld [tilespmem:s26+$0x350];
	v13 =	vmul.f32 v13, v8  }
0x92: {  	s28 =	simm.s32 $0x200;
	v12 =	vmul.f32 v14, v12;
	v8 =	vld [tilespmem:s26+$0x360]  }
.LBB2_5:
0x93: {  	s29 =	sshra.s32 s28, $0x2;
	p0 =	sne.s32 s28, $0x9E00;
	[tilespmem:s26+$0x300] =	vst v13;
	v6 =	vmul.f32 v11, v6;
	v11 =	vld [tilespmem:s26+$0x370]  }
0x94: {  	v13 =	vld [tilespmem:s29+$0x5300];
	[tilespmem:s26+$0x310] =	vst v12;
	v5 =	vmul.f32 v10, v5  }
0x95: {  	v12 =	vld [tilespmem:s29+$0x5310];
	[tilespmem:s26+$0x320] =	vst v6;
	v4 =	vmul.f32 v9, v4  }
0x96: {  	v6 =	vld [tilespmem:s29+$0x5320];
	[tilespmem:s26+$0x330] =	vst v5;
	v3 =	vmul.f32 v7, v3  }
0x97: {  	v5 =	vld [tilespmem:s29+$0x5330];
	[tilespmem:s26+$0x340] =	vst v4;
	v2 =	vmul.f32 v8, v2  }
0x98: {  	v4 =	vld [tilespmem:s29+$0x5340];
	[tilespmem:s26+$0x350] =	vst v3;
	v1 =	vmul.f32 v11, v1  }
0x99: {  	v3 =	vld [tilespmem:s29+$0x5350];
	[tilespmem:s26+$0x360] =	vst v2  }
0x9a: {  	v2 =	vld [tilespmem:s29+$0x5360];
	[tilespmem:s26+$0x370] =	vst v1;
	s26 =	smov.u32 s29  }
0x9b: {  	v1 =	vld [tilespmem:s26+$0x5370]  }
0x9c: {  	v7 =	vld [tilespmem:s26+$0x300]  }
0x9d: {  	v8 =	vld [tilespmem:s26+$0x310]  }
.Ltmp1:
0x9e: {  	v11 =	vld [tilespmem:s26+$0x320];
	(pc) =	sbr.rel @p0 .LBB2_5-.Ltmp1, $4  }
0x9f: {  	v10 =	vld [tilespmem:s26+$0x330]  }
0xa0: {  	v9 =	vld [tilespmem:s26+$0x340]  }
0xa1: {  	v13 =	vmul.f32 v7, v13;
	v7 =	vld [tilespmem:s26+$0x350]  }
0xa2: {  	s28 =	sadd.s32 $0x200, s28;
	v12 =	vmul.f32 v8, v12;
	v8 =	vld [tilespmem:s26+$0x360]  }
0xa3: {  	[tilespmem:s26+$0x300] =	vst v13;
	v6 =	vmul.f32 v11, v6;
	v11 =	vld [tilespmem:s26+$0x370]  }
0xa4: {  	[tilespmem:s26+$0x310] =	vst v12;
	v5 =	vmul.f32 v10, v5  }
0xa5: {  	[tilespmem:s26+$0x320] =	vst v6;
	v4 =	vmul.f32 v9, v4  }
0xa6: {  	[tilespmem:s26+$0x330] =	vst v5;
	v3 =	vmul.f32 v7, v3  }
0xa7: {  	[tilespmem:s26+$0x340] =	vst v4;
	v2 =	vmul.f32 v8, v2  }
0xa8: {  	s28 =	sor.u32 $0x2, s24;
	[tilespmem:s26+$0x350] =	vst v3;
	v1 =	vmul.f32 v11, v1  }
0xa9: {  	p0 =	sge.u32 s28, s17;
	[tilespmem:s26+$0x360] =	vst v2  }
0xaa: {  	[tilespmem:s26+$0x370] =	vst v1;
	s26 =	smul.u32 @!p0 $0x50, s28  }
0xab: {  	[spmem:s3] =	stream.indirect.scatter.add.f32 [tilespmem:s6], [sflag:$0xB], $0x80, s8, s9, $0xb8;
	[tilespmem:$0x1E300] =	vst v63  }
0xac: {  	s26 =	sadd.s32 @!p0 s5, s26  }
0xad: {  	s28 =	sshrl.u32 @!p0 s26, $0x3  }
0xae: {  	s30 =	simm.s32 @!p0 $0x0;
	s29 =	sadd.s32 @!p0 s15, s28  }
0xaf: {  	[tilespmem:s30], [sflag:$0x1] =	stream.linear.gather @!p0 [hbm4b:s29+s30], $0x50, $0x38;
	[tilespmem:$0x1E300] =	vst v63  }
0xb0: {  	s28 =	sadd.s32 @!p0 s0, s28;
	s29 =	simm.s32 @!p0 $0x200  }
0xb1: {  	[tilespmem:s29], [sflag:$0x5] =	stream.linear.gather @!p0 [hbm4b:s28+s30], $0x50, $0x38;
	[tilespmem:$0x1E300] =	vst v63  }
0xb2: {  	s28 =	simm.s32 @!p0 $0x1  }
0xb3: {  	_ =	swait.ge @!p0 [sflag:s28], $0x50  }
0xb4: {  	[sflag:s28] =	ssyncset.done @!p0 $0x0  }
0xb5: {  	[sflag:s28] =	ssyncadd.s32 @!p0 $0xFFFFFFB0;
	s28 =	simm.s32 @!p0 $0x5  }
0xb6: {  	_ =	swait.ge @!p0 [sflag:s28], $0x50  }
0xb7: {  	[sflag:s28] =	ssyncset.done @!p0 $0x0  }
0xb8: {  	[sflag:s28] =	ssyncadd.s32 @!p0 $0xFFFFFFB0;
	s28 =	simm.s32 @!p0 $0xB  }
0xb9: {  	_ =	swait.ge @!p0 [sflag:s28], $0x2800  }
0xba: {  	s26 =	sshll.u32 @!p0 s26, $0x4;
	[sflag:s28] =	ssyncset.done @!p0 $0x0  }
0xbb: {  	s29 =	simm.s32 @!p0 $0x300;
	[sflag:s28] =	ssyncadd.s32 @!p0 $0xFFFFD800;
	s28 =	simm.s32 @!p0 $0x50  }
0xbc: {  	[tilespmem:s29], [sflag:$0x7] =	stream.indirect.gather @!p0 [hbm4b:s2+s28], $0x80, s30, s28, $0xb8;
	[tilespmem:$0x1E300] =	vst v63  }
0xbd: {  	s26 =	sadd.s32 @!p0 s16, s26;
	s28 =	simm.s32 @!p0 $0x5300  }
0xbe: {  	[tilespmem:s28], [sflag:$0x9] =	stream.linear.gather @!p0 [hbm4b:s26+s30], $0x2800, $0x38;
	[tilespmem:$0x1E300] =	vst v63  }
0xbf: {  	_ =	swait.ge [sflag:s14], $0x2800  }
0xc0: {  	[sflag:s14] =	ssyncset.done $0x0  }
0xc1: {  	[sflag:s14] =	ssyncadd.s32 $0xFFFFD800  }
0xc2: {  	_ =	swait.ge [sflag:s18], $0x2800  }
0xc3: {  	[sflag:s18] =	ssyncset.done $0x0  }
0xc4: {  	s26 =	simm.s32 $0x0;
	[sflag:s18] =	ssyncadd.s32 $0xFFFFD800  }
0xc5: {  	v8 =	vld [tilespmem:s26+$0x7B00]  }
0xc6: {  	v12 =	vld [tilespmem:s26+$0x7B10]  }
0xc7: {  	v6 =	vld [tilespmem:s26+$0x7B20]  }
0xc8: {  	v5 =	vld [tilespmem:s26+$0x7B30]  }
0xc9: {  	v4 =	vld [tilespmem:s26+$0x7B40]  }
0xca: {  	v3 =	vld [tilespmem:s26+$0x7B50]  }
0xcb: {  	v2 =	vld [tilespmem:s26+$0x7B60]  }
0xcc: {  	v1 =	vld [tilespmem:s26+$0x7B70]  }
0xcd: {  	v13 =	vld [tilespmem:s26+$0x2B00]  }
0xce: {  	v14 =	vld [tilespmem:s26+$0x2B10]  }
0xcf: {  	v11 =	vld [tilespmem:s26+$0x2B20]  }
0xd0: {  	v10 =	vld [tilespmem:s26+$0x2B30]  }
0xd1: {  	v9 =	vld [tilespmem:s26+$0x2B40]  }
0xd2: {  	v7 =	vld [tilespmem:s26+$0x2B50];
	v13 =	vmul.f32 v13, v8  }
0xd3: {  	s28 =	simm.s32 $0x200;
	v12 =	vmul.f32 v14, v12;
	v8 =	vld [tilespmem:s26+$0x2B60]  }
.LBB2_7:
0xd4: {  	s29 =	sshra.s32 s28, $0x2;
	p0 =	sne.s32 s28, $0x9E00;
	[tilespmem:s26+$0x2B00] =	vst v13;
	v6 =	vmul.f32 v11, v6;
	v11 =	vld [tilespmem:s26+$0x2B70]  }
0xd5: {  	v13 =	vld [tilespmem:s29+$0x7B00];
	[tilespmem:s26+$0x2B10] =	vst v12;
	v5 =	vmul.f32 v10, v5  }
0xd6: {  	v12 =	vld [tilespmem:s29+$0x7B10];
	[tilespmem:s26+$0x2B20] =	vst v6;
	v4 =	vmul.f32 v9, v4  }
0xd7: {  	v6 =	vld [tilespmem:s29+$0x7B20];
	[tilespmem:s26+$0x2B30] =	vst v5;
	v3 =	vmul.f32 v7, v3  }
0xd8: {  	v5 =	vld [tilespmem:s29+$0x7B30];
	[tilespmem:s26+$0x2B40] =	vst v4;
	v2 =	vmul.f32 v8, v2  }
0xd9: {  	v4 =	vld [tilespmem:s29+$0x7B40];
	[tilespmem:s26+$0x2B50] =	vst v3;
	v1 =	vmul.f32 v11, v1  }
0xda: {  	v3 =	vld [tilespmem:s29+$0x7B50];
	[tilespmem:s26+$0x2B60] =	vst v2  }
0xdb: {  	v2 =	vld [tilespmem:s29+$0x7B60];
	[tilespmem:s26+$0x2B70] =	vst v1;
	s26 =	smov.u32 s29  }
0xdc: {  	v1 =	vld [tilespmem:s26+$0x7B70]  }
0xdd: {  	v7 =	vld [tilespmem:s26+$0x2B00]  }
0xde: {  	v8 =	vld [tilespmem:s26+$0x2B10]  }
.Ltmp2:
0xdf: {  	v11 =	vld [tilespmem:s26+$0x2B20];
	(pc) =	sbr.rel @p0 .LBB2_7-.Ltmp2, $4  }
0xe0: {  	v10 =	vld [tilespmem:s26+$0x2B30]  }
0xe1: {  	v9 =	vld [tilespmem:s26+$0x2B40]  }
0xe2: {  	v13 =	vmul.f32 v7, v13;
	v7 =	vld [tilespmem:s26+$0x2B50]  }
0xe3: {  	s28 =	sadd.s32 $0x200, s28;
	v12 =	vmul.f32 v8, v12;
	v8 =	vld [tilespmem:s26+$0x2B60]  }
0xe4: {  	[tilespmem:s26+$0x2B00] =	vst v13;
	v6 =	vmul.f32 v11, v6;
	v11 =	vld [tilespmem:s26+$0x2B70]  }
0xe5: {  	[tilespmem:s26+$0x2B10] =	vst v12;
	v5 =	vmul.f32 v10, v5  }
0xe6: {  	[tilespmem:s26+$0x2B20] =	vst v6;
	v4 =	vmul.f32 v9, v4  }
0xe7: {  	[tilespmem:s26+$0x2B30] =	vst v5;
	v3 =	vmul.f32 v7, v3  }
0xe8: {  	[tilespmem:s26+$0x2B40] =	vst v4;
	v2 =	vmul.f32 v8, v2  }
0xe9: {  	s28 =	sor.u32 $0x3, s24;
	[tilespmem:s26+$0x2B50] =	vst v3;
	v1 =	vmul.f32 v11, v1  }
0xea: {  	p0 =	sge.u32 s28, s17;
	[tilespmem:s26+$0x2B60] =	vst v2  }
0xeb: {  	[tilespmem:s26+$0x2B70] =	vst v1;
	s26 =	smul.u32 @!p0 $0x50, s28  }
0xec: {  	[spmem:s3] =	stream.indirect.scatter.add.f32 [tilespmem:s19], [sflag:$0xC], $0x80, s10, s9, $0xb8;
	[tilespmem:$0x1E300] =	vst v63  }
0xed: {  	s26 =	sadd.s32 @!p0 s5, s26  }
0xee: {  	s28 =	sshrl.u32 @!p0 s26, $0x3  }
0xef: {  	s30 =	simm.s32 @!p0 $0x0;
	s31 =	simm.s32 @!p0 $0x80;
	s29 =	sadd.s32 @!p0 s15, s28  }
0xf0: {  	[tilespmem:s31], [sflag:$0x2] =	stream.linear.gather @!p0 [hbm4b:s29+s30], $0x50, $0x38;
	[tilespmem:$0x1E300] =	vst v63  }
0xf1: {  	s28 =	sadd.s32 @!p0 s0, s28;
	s29 =	simm.s32 @!p0 $0x280  }
0xf2: {  	[tilespmem:s29], [sflag:$0x6] =	stream.linear.gather @!p0 [hbm4b:s28+s30], $0x50, $0x38;
	[tilespmem:$0x1E300] =	vst v63  }
0xf3: {  	s28 =	simm.s32 @!p0 $0x2  }
0xf4: {  	_ =	swait.ge @!p0 [sflag:s28], $0x50  }
0xf5: {  	[sflag:s28] =	ssyncset.done @!p0 $0x0  }
0xf6: {  	[sflag:s28] =	ssyncadd.s32 @!p0 $0xFFFFFFB0;
	s28 =	simm.s32 @!p0 $0x6  }
0xf7: {  	_ =	swait.ge @!p0 [sflag:s28], $0x50  }
0xf8: {  	[sflag:s28] =	ssyncset.done @!p0 $0x0  }
0xf9: {  	[sflag:s28] =	ssyncadd.s32 @!p0 $0xFFFFFFB0;
	s28 =	simm.s32 @!p0 $0xC  }
0xfa: {  	_ =	swait.ge @!p0 [sflag:s28], $0x2800  }
0xfb: {  	s26 =	sshll.u32 @!p0 s26, $0x4;
	[sflag:s28] =	ssyncset.done @!p0 $0x0  }
0xfc: {  	s29 =	simm.s32 @!p0 $0x2B00;
	[sflag:s28] =	ssyncadd.s32 @!p0 $0xFFFFD800;
	s28 =	simm.s32 @!p0 $0x50  }
0xfd: {  	[tilespmem:s29], [sflag:$0x8] =	stream.indirect.gather @!p0 [hbm4b:s2+s28], $0x80, s31, s28, $0xb8;
	[tilespmem:$0x1E300] =	vst v63  }
0xfe: {  	s26 =	sadd.s32 @!p0 s16, s26;
	s28 =	simm.s32 @!p0 $0x7B00  }
0xff: {  	[tilespmem:s28], [sflag:$0xA] =	stream.linear.gather @!p0 [hbm4b:s26+s30], $0x2800, $0x38;
	[tilespmem:$0x1E300] =	vst v63  }
0x100: {  	_ =	swait.ge [sflag:s12], $0x2800  }
0x101: {  	[sflag:s12] =	ssyncset.done $0x0  }
0x102: {  	[sflag:s12] =	ssyncadd.s32 $0xFFFFD800  }
0x103: {  	_ =	swait.ge [sflag:s13], $0x2800  }
0x104: {  	[sflag:s13] =	ssyncset.done $0x0  }
0x105: {  	s26 =	simm.s32 $0x0;
	[sflag:s13] =	ssyncadd.s32 $0xFFFFD800  }
0x106: {  	v8 =	vld [tilespmem:s26+$0x5300]  }
0x107: {  	v12 =	vld [tilespmem:s26+$0x5310]  }
0x108: {  	v6 =	vld [tilespmem:s26+$0x5320]  }
0x109: {  	v5 =	vld [tilespmem:s26+$0x5330]  }
0x10a: {  	v4 =	vld [tilespmem:s26+$0x5340]  }
0x10b: {  	v3 =	vld [tilespmem:s26+$0x5350]  }
0x10c: {  	v2 =	vld [tilespmem:s26+$0x5360]  }
0x10d: {  	v1 =	vld [tilespmem:s26+$0x5370]  }
0x10e: {  	v13 =	vld [tilespmem:s26+$0x300]  }
0x10f: {  	v14 =	vld [tilespmem:s26+$0x310]  }
0x110: {  	v11 =	vld [tilespmem:s26+$0x320]  }
0x111: {  	v10 =	vld [tilespmem:s26+$0x330]  }
0x112: {  	v9 =	vld [tilespmem:s26+$0x340]  }
0x113: {  	v7 =	vld [tilespmem:s26+$0x350];
	v13 =	vmul.f32 v13, v8  }
0x114: {  	s28 =	simm.s32 $0x200;
	v12 =	vmul.f32 v14, v12;
	v8 =	vld [tilespmem:s26+$0x360]  }
.LBB2_9:
0x115: {  	s29 =	sshra.s32 s28, $0x2;
	p0 =	sne.s32 s28, $0x9E00;
	[tilespmem:s26+$0x300] =	vst v13;
	v6 =	vmul.f32 v11, v6;
	v11 =	vld [tilespmem:s26+$0x370]  }
0x116: {  	v13 =	vld [tilespmem:s29+$0x5300];
	[tilespmem:s26+$0x310] =	vst v12;
	v5 =	vmul.f32 v10, v5  }
0x117: {  	v12 =	vld [tilespmem:s29+$0x5310];
	[tilespmem:s26+$0x320] =	vst v6;
	v4 =	vmul.f32 v9, v4  }
0x118: {  	v6 =	vld [tilespmem:s29+$0x5320];
	[tilespmem:s26+$0x330] =	vst v5;
	v3 =	vmul.f32 v7, v3  }
0x119: {  	v5 =	vld [tilespmem:s29+$0x5330];
	[tilespmem:s26+$0x340] =	vst v4;
	v2 =	vmul.f32 v8, v2  }
0x11a: {  	v4 =	vld [tilespmem:s29+$0x5340];
	[tilespmem:s26+$0x350] =	vst v3;
	v1 =	vmul.f32 v11, v1  }
0x11b: {  	v3 =	vld [tilespmem:s29+$0x5350];
	[tilespmem:s26+$0x360] =	vst v2  }
0x11c: {  	v2 =	vld [tilespmem:s29+$0x5360];
	[tilespmem:s26+$0x370] =	vst v1;
	s26 =	smov.u32 s29  }
0x11d: {  	v1 =	vld [tilespmem:s26+$0x5370]  }
0x11e: {  	v7 =	vld [tilespmem:s26+$0x300]  }
0x11f: {  	v8 =	vld [tilespmem:s26+$0x310]  }
.Ltmp3:
0x120: {  	v11 =	vld [tilespmem:s26+$0x320];
	(pc) =	sbr.rel @p0 .LBB2_9-.Ltmp3, $4  }
0x121: {  	v10 =	vld [tilespmem:s26+$0x330]  }
0x122: {  	v9 =	vld [tilespmem:s26+$0x340]  }
0x123: {  	v13 =	vmul.f32 v7, v13;
	v7 =	vld [tilespmem:s26+$0x350]  }
0x124: {  	s28 =	sadd.s32 $0x200, s28;
	v12 =	vmul.f32 v8, v12;
	v8 =	vld [tilespmem:s26+$0x360]  }
0x125: {  	[tilespmem:s26+$0x300] =	vst v13;
	v6 =	vmul.f32 v11, v6;
	v11 =	vld [tilespmem:s26+$0x370]  }
0x126: {  	[tilespmem:s26+$0x310] =	vst v12;
	v5 =	vmul.f32 v10, v5  }
0x127: {  	[tilespmem:s26+$0x320] =	vst v6;
	v4 =	vmul.f32 v9, v4  }
0x128: {  	[tilespmem:s26+$0x330] =	vst v5;
	v3 =	vmul.f32 v7, v3  }
0x129: {  	[tilespmem:s26+$0x340] =	vst v4;
	v2 =	vmul.f32 v8, v2  }
0x12a: {  	s28 =	sadd.s32 $0x4, s24;
	[tilespmem:s26+$0x350] =	vst v3;
	v1 =	vmul.f32 v11, v1  }
0x12b: {  	p0 =	sge.u32 s28, s17;
	[tilespmem:s26+$0x360] =	vst v2  }
0x12c: {  	[tilespmem:s26+$0x370] =	vst v1;
	s26 =	smul.u32 @!p0 $0x50, s28  }
0x12d: {  	[spmem:s3] =	stream.indirect.scatter.add.f32 [tilespmem:s6], [sflag:$0xB], $0x80, s20, s9, $0xb8;
	[tilespmem:$0x1E300] =	vst v63  }
0x12e: {  	s26 =	sadd.s32 @!p0 s5, s26  }
0x12f: {  	s28 =	sshrl.u32 @!p0 s26, $0x3  }
0x130: {  	s30 =	simm.s32 @!p0 $0x0;
	s29 =	sadd.s32 @!p0 s15, s28  }
0x131: {  	[tilespmem:s30], [sflag:$0x1] =	stream.linear.gather @!p0 [hbm4b:s29+s30], $0x50, $0x38;
	[tilespmem:$0x1E300] =	vst v63  }
0x132: {  	s28 =	sadd.s32 @!p0 s0, s28;
	s29 =	simm.s32 @!p0 $0x100  }
0x133: {  	[tilespmem:s29], [sflag:$0x3] =	stream.linear.gather @!p0 [hbm4b:s28+s30], $0x50, $0x38;
	[tilespmem:$0x1E300] =	vst v63  }
0x134: {  	s28 =	simm.s32 @!p0 $0x1  }
0x135: {  	_ =	swait.ge @!p0 [sflag:s28], $0x50  }
0x136: {  	[sflag:s28] =	ssyncset.done @!p0 $0x0  }
0x137: {  	[sflag:s28] =	ssyncadd.s32 @!p0 $0xFFFFFFB0;
	s28 =	simm.s32 @!p0 $0x3  }
0x138: {  	_ =	swait.ge @!p0 [sflag:s28], $0x50  }
0x139: {  	[sflag:s28] =	ssyncset.done @!p0 $0x0  }
0x13a: {  	[sflag:s28] =	ssyncadd.s32 @!p0 $0xFFFFFFB0;
	s28 =	simm.s32 @!p0 $0xB  }
0x13b: {  	_ =	swait.ge @!p0 [sflag:s28], $0x2800  }
0x13c: {  	s26 =	sshll.u32 @!p0 s26, $0x4;
	[sflag:s28] =	ssyncset.done @!p0 $0x0  }
0x13d: {  	s29 =	simm.s32 @!p0 $0x300;
	[sflag:s28] =	ssyncadd.s32 @!p0 $0xFFFFD800;
	s28 =	simm.s32 @!p0 $0x50  }
0x13e: {  	[tilespmem:s29], [sflag:$0x7] =	stream.indirect.gather @!p0 [hbm4b:s2+s28], $0x80, s30, s28, $0xb8;
	[tilespmem:$0x1E300] =	vst v63  }
0x13f: {  	s26 =	sadd.s32 @!p0 s16, s26;
	s28 =	simm.s32 @!p0 $0x5300  }
0x140: {  	[tilespmem:s28], [sflag:$0x9] =	stream.linear.gather @!p0 [hbm4b:s26+s30], $0x2800, $0x38;
	[tilespmem:$0x1E300] =	vst v63  }
0x141: {  	_ =	swait.ge [sflag:s14], $0x2800  }
0x142: {  	[sflag:s14] =	ssyncset.done $0x0  }
0x143: {  	[sflag:s14] =	ssyncadd.s32 $0xFFFFD800  }
0x144: {  	_ =	swait.ge [sflag:s18], $0x2800  }
0x145: {  	[sflag:s18] =	ssyncset.done $0x0  }
0x146: {  	s26 =	simm.s32 $0x0;
	[sflag:s18] =	ssyncadd.s32 $0xFFFFD800  }
0x147: {  	v8 =	vld [tilespmem:s26+$0x7B00]  }
0x148: {  	v12 =	vld [tilespmem:s26+$0x7B10]  }
0x149: {  	v6 =	vld [tilespmem:s26+$0x7B20]  }
0x14a: {  	v5 =	vld [tilespmem:s26+$0x7B30]  }
0x14b: {  	v4 =	vld [tilespmem:s26+$0x7B40]  }
0x14c: {  	v3 =	vld [tilespmem:s26+$0x7B50]  }
0x14d: {  	v2 =	vld [tilespmem:s26+$0x7B60]  }
0x14e: {  	v1 =	vld [tilespmem:s26+$0x7B70]  }
0x14f: {  	v13 =	vld [tilespmem:s26+$0x2B00]  }
0x150: {  	v14 =	vld [tilespmem:s26+$0x2B10]  }
0x151: {  	v11 =	vld [tilespmem:s26+$0x2B20]  }
0x152: {  	v10 =	vld [tilespmem:s26+$0x2B30]  }
0x153: {  	v9 =	vld [tilespmem:s26+$0x2B40]  }
0x154: {  	v7 =	vld [tilespmem:s26+$0x2B50];
	v13 =	vmul.f32 v13, v8  }
0x155: {  	s28 =	simm.s32 $0x200;
	v12 =	vmul.f32 v14, v12;
	v8 =	vld [tilespmem:s26+$0x2B60]  }
.LBB2_11:
0x156: {  	s29 =	sshra.s32 s28, $0x2;
	p0 =	sne.s32 s28, $0x9E00;
	[tilespmem:s26+$0x2B00] =	vst v13;
	v6 =	vmul.f32 v11, v6;
	v11 =	vld [tilespmem:s26+$0x2B70]  }
0x157: {  	v13 =	vld [tilespmem:s29+$0x7B00];
	[tilespmem:s26+$0x2B10] =	vst v12;
	v5 =	vmul.f32 v10, v5  }
0x158: {  	v12 =	vld [tilespmem:s29+$0x7B10];
	[tilespmem:s26+$0x2B20] =	vst v6;
	v4 =	vmul.f32 v9, v4  }
0x159: {  	v6 =	vld [tilespmem:s29+$0x7B20];
	[tilespmem:s26+$0x2B30] =	vst v5;
	v3 =	vmul.f32 v7, v3  }
0x15a: {  	v5 =	vld [tilespmem:s29+$0x7B30];
	[tilespmem:s26+$0x2B40] =	vst v4;
	v2 =	vmul.f32 v8, v2  }
0x15b: {  	v4 =	vld [tilespmem:s29+$0x7B40];
	[tilespmem:s26+$0x2B50] =	vst v3;
	v1 =	vmul.f32 v11, v1  }
0x15c: {  	v3 =	vld [tilespmem:s29+$0x7B50];
	[tilespmem:s26+$0x2B60] =	vst v2  }
0x15d: {  	v2 =	vld [tilespmem:s29+$0x7B60];
	[tilespmem:s26+$0x2B70] =	vst v1;
	s26 =	smov.u32 s29  }
0x15e: {  	v1 =	vld [tilespmem:s26+$0x7B70]  }
0x15f: {  	v7 =	vld [tilespmem:s26+$0x2B00]  }
0x160: {  	v8 =	vld [tilespmem:s26+$0x2B10]  }
.Ltmp4:
0x161: {  	v11 =	vld [tilespmem:s26+$0x2B20];
	(pc) =	sbr.rel @p0 .LBB2_11-.Ltmp4, $4  }
0x162: {  	v10 =	vld [tilespmem:s26+$0x2B30]  }
0x163: {  	v9 =	vld [tilespmem:s26+$0x2B40]  }
0x164: {  	v13 =	vmul.f32 v7, v13;
	v7 =	vld [tilespmem:s26+$0x2B50]  }
0x165: {  	s28 =	sadd.s32 $0x200, s28;
	v12 =	vmul.f32 v8, v12;
	v8 =	vld [tilespmem:s26+$0x2B60]  }
0x166: {  	[tilespmem:s26+$0x2B00] =	vst v13;
	v6 =	vmul.f32 v11, v6;
	v63 =	vld [tilespmem:s26+$0x2B70]  }
0x167: {  	[tilespmem:s26+$0x2B10] =	vst v12;
	v5 =	vmul.f32 v10, v5  }
0x168: {  	s24 =	sadd.s32 $0x5, s24;
	[tilespmem:s26+$0x2B20] =	vst v6;
	v4 =	vmul.f32 v9, v4  }
0x169: {  	p0 =	sge.u32 s24, s17;
	[tilespmem:s26+$0x2B30] =	vst v5;
	v3 =	vmul.f32 v7, v3  }
0x16a: {  	s24 =	smul.u32 @!p0 $0x50, s24;
	[tilespmem:s26+$0x2B40] =	vst v4;
	v2 =	vmul.f32 v8, v2  }
0x16b: {  	[tilespmem:s26+$0x2B50] =	vst v3;
	v1 =	vmul.f32 v63, v1  }
0x16c: {  	s24 =	sadd.s32 @!p0 s5, s24;
	[tilespmem:s26+$0x2B60] =	vst v2  }
0x16d: {  	s24 =	sshrl.u32 @!p0 s24, $0x3;
	[tilespmem:s26+$0x2B70] =	vst v1  }
0x16e: {  	[spmem:s3] =	stream.indirect.scatter.add.f32 [tilespmem:s19], [sflag:$0xC], $0x80, s21, s9, $0xb8;
	[tilespmem:$0x1E300] =	vst v63  }
0x16f: {  	s28 =	simm.s32 @!p0 $0x0;
	s29 =	simm.s32 @!p0 $0x80;
	s26 =	sadd.s32 @!p0 s15, s24  }
0x170: {  	[tilespmem:s29], [sflag:$0x2] =	stream.linear.gather @!p0 [hbm4b:s26+s28], $0x50, $0x38;
	[tilespmem:$0x1E300] =	vst v63  }
0x171: {  	s25 =	sadd.s32 $0x1, s25;
	s24 =	sadd.s32 @!p0 s0, s24;
	s26 =	simm.s32 @!p0 $0x180  }
0x172: {  	[tilespmem:s26], [sflag:$0x4] =	stream.linear.gather @!p0 [hbm4b:s24+s28], $0x50, $0x38;
	[tilespmem:$0x1E300] =	vst v63  }
0x173: {  	p0 =	sne.s32 s25, s23  }
.Ltmp5:
0x174: {  	_ = 	snop;
	(pc) =	sbr.rel @p0 .LBB2_4-.Ltmp5, $1  }
0x175: {  	_ =	sdelay $0x3  }
0x176: {  	s24 =	simm.s32 $0xB  }
0x177: {  	_ =	swait.ge [sflag:s24], $0x2800  }
0x178: {  	[sflag:s24] =	ssyncset.done $0x0  }
0x179: {  	s26 =	simm.s32 $0xC;
	[sflag:s24] =	ssyncadd.s32 $0xFFFFD800  }
0x17a: {  	_ =	swait.ge [sflag:s26], $0x2800  }
0x17b: {  	[sflag:s26] =	ssyncset.done $0x0  }
0x17c: {  	[sflag:s26] =	ssyncadd.s32 $0xFFFFD800  }
0x17d: {  	[bflag:$0x0] =	sbarrier.arrive $0xFFFF  }
0x17e: {  	[tilespmem:s6], [sflag:$0xD] =	stream.linear.gather [spmem:s11], $0x2800, $0x38;
	[tilespmem:$0x1E300] =	vst v63  }
0x17f: {  	_ =	swait.ge [sflag:s7], $0x2800  }
0x180: {  	[sflag:s7] =	ssyncset.done $0x0  }
0x181: {  	s31 =	rddreg [dreg:$0x5];
	[sflag:s7] =	ssyncadd.s32 $0xFFFFD800  }
0x182: {  	[hbm4b:s31+s4] =	stream.linear.scatter [tilespmem:s6], [sflag:$0xD], $0x2800, $0x38;
	[tilespmem:$0x1E300] =	vst v63  }
0x183: {  	_ =	swait.ge [sflag:s7], $0x2800  }
0x184: {  	[sflag:s7] =	ssyncset.done $0x0  }
0x185: {  	[sflag:s7] =	ssyncadd.s32 $0xFFFFD800  }
0x186: {  	[tilespmem:s6], [sflag:$0xD] =	stream.linear.gather [spmem:s1], $0x2800, $0x38;
	[tilespmem:$0x1E300] =	vst v63  }
0x187: {  	_ =	swait.ge [sflag:s7], $0x2800  }
0x188: {  	[sflag:s7] =	ssyncset.done $0x0  }
0x189: {  	s28 =	smov.u32 s1;
	s1 =	rddreg [dreg:$0x6];
	[sflag:s7] =	ssyncadd.s32 $0xFFFFD800  }
0x18a: {  	[hbm4b:s1+s4] =	stream.linear.scatter [tilespmem:s6], [sflag:$0xD], $0x2800, $0x38;
	[tilespmem:$0x1E300] =	vst v63  }
0x18b: {  	_ =	swait.ge [sflag:s7], $0x2800  }
0x18c: {  	[sflag:s7] =	ssyncset.done $0x0  }
0x18d: {  	s29 =	rddreg [dreg:$0x13];
	[sflag:s7] =	ssyncadd.s32 $0xFFFFD800  }
0x18e: {  	[tilespmem:s6], [sflag:$0xD] =	stream.linear.gather [spmem:s29], $0x2800, $0x38;
	[tilespmem:$0x1E300] =	vst v63  }
0x18f: {  	_ =	swait.ge [sflag:s7], $0x2800  }
0x190: {  	[sflag:s7] =	ssyncset.done $0x0  }
0x191: {  	s26 =	smov.u32 s11;
	s11 =	rddreg [dreg:$0x7];
	[sflag:s7] =	ssyncadd.s32 $0xFFFFD800  }
0x192: {  	[hbm4b:s11+s4] =	stream.linear.scatter [tilespmem:s6], [sflag:$0xD], $0x2800, $0x38;
	[tilespmem:$0x1E300] =	vst v63  }
0x193: {  	_ =	swait.ge [sflag:s7], $0x2800  }
0x194: {  	[sflag:s7] =	ssyncset.done $0x0  }
0x195: {  	s30 =	rddreg [dreg:$0x14];
	[sflag:s7] =	ssyncadd.s32 $0xFFFFD800  }
0x196: {  	[tilespmem:s6], [sflag:$0xD] =	stream.linear.gather [spmem:s30], $0x2800, $0x38;
	[tilespmem:$0x1E300] =	vst v63  }
0x197: {  	_ =	swait.ge [sflag:s7], $0x2800  }
0x198: {  	[sflag:s7] =	ssyncset.done $0x0  }
0x199: {  	s25 =	rddreg [dreg:$0x8];
	[sflag:s7] =	ssyncadd.s32 $0xFFFFD800  }
0x19a: {  	[hbm4b:s25+s4] =	stream.linear.scatter [tilespmem:s6], [sflag:$0xD], $0x2800, $0x38;
	[tilespmem:$0x1E300] =	vst v63  }
0x19b: {  	_ =	swait.ge [sflag:s7], $0x2800  }
0x19c: {  	[sflag:s7] =	ssyncset.done $0x0  }
0x19d: {  	s31 =	rddreg [dreg:$0x15];
	[sflag:s7] =	ssyncadd.s32 $0xFFFFD800  }
0x19e: {  	[tilespmem:s6], [sflag:$0xD] =	stream.linear.gather [spmem:s31], $0x2800, $0x38;
	[tilespmem:$0x1E300] =	vst v63  }
0x19f: {  	_ =	swait.ge [sflag:s7], $0x2800  }
0x1a0: {  	[sflag:s7] =	ssyncset.done $0x0  }
0x1a1: {  	s11 =	rddreg [dreg:$0x9];
	[sflag:s7] =	ssyncadd.s32 $0xFFFFD800  }
0x1a2: {  	[hbm4b:s11+s4] =	stream.linear.scatter [tilespmem:s6], [sflag:$0xD], $0x2800, $0x38;
	[tilespmem:$0x1E300] =	vst v63  }
0x1a3: {  	_ =	swait.ge [sflag:s7], $0x2800  }
0x1a4: {  	[sflag:s7] =	ssyncset.done $0x0  }
0x1a5: {  	s24 =	rddreg [dreg:$0x16];
	[sflag:s7] =	ssyncadd.s32 $0xFFFFD800  }
0x1a6: {  	[tilespmem:s6], [sflag:$0xD] =	stream.linear.gather [spmem:s24], $0x2800, $0x38;
	[tilespmem:$0x1E300] =	vst v63  }
0x1a7: {  	_ =	swait.ge [sflag:s7], $0x2800  }
0x1a8: {  	[sflag:s7] =	ssyncset.done $0x0  }
0x1a9: {  	s25 =	rddreg [dreg:$0xa];
	[sflag:s7] =	ssyncadd.s32 $0xFFFFD800  }
0x1aa: {  	[hbm4b:s25+s4] =	stream.linear.scatter [tilespmem:s6], [sflag:$0xD], $0x2800, $0x38;
	[tilespmem:$0x1E300] =	vst v63  }
0x1ab: {  	_ =	swait.ge [sflag:s7], $0x2800  }
0x1ac: {  	[sflag:s7] =	ssyncset.done $0x0  }
0x1ad: {  	s31 =	rddreg [dreg:$0x17];
	[sflag:s7] =	ssyncadd.s32 $0xFFFFD800  }
0x1ae: {  	[tilespmem:s6], [sflag:$0xD] =	stream.linear.gather [spmem:s31], $0x2800, $0x38;
	[tilespmem:$0x1E300] =	vst v63  }
0x1af: {  	_ =	swait.ge [sflag:s7], $0x2800  }
0x1b0: {  	[sflag:s7] =	ssyncset.done $0x0  }
0x1b1: {  	s11 =	rddreg [dreg:$0xb];
	[sflag:s7] =	ssyncadd.s32 $0xFFFFD800  }
0x1b2: {  	[hbm4b:s11+s4] =	stream.linear.scatter [tilespmem:s6], [sflag:$0xD], $0x2800, $0x38;
	[tilespmem:$0x1E300] =	vst v63  }
0x1b3: {  	_ =	swait.ge [sflag:s7], $0x2800  }
0x1b4: {  	[sflag:s7] =	ssyncset.done $0x0  }
0x1b5: {  	s24 =	rddreg [dreg:$0x18];
	[sflag:s7] =	ssyncadd.s32 $0xFFFFD800  }
0x1b6: {  	[tilespmem:s6], [sflag:$0xD] =	stream.linear.gather [spmem:s24], $0x2800, $0x38;
	[tilespmem:$0x1E300] =	vst v63  }
0x1b7: {  	_ =	swait.ge [sflag:s7], $0x2800  }
0x1b8: {  	[sflag:s7] =	ssyncset.done $0x0  }
0x1b9: {  	s25 =	rddreg [dreg:$0xc];
	[sflag:s7] =	ssyncadd.s32 $0xFFFFD800  }
0x1ba: {  	[hbm4b:s25+s4] =	stream.linear.scatter [tilespmem:s6], [sflag:$0xD], $0x2800, $0x38;
	[tilespmem:$0x1E300] =	vst v63  }
0x1bb: {  	_ =	swait.ge [sflag:s7], $0x2800  }
0x1bc: {  	s22 =	sadd.s32 $0x1, s22;
	s31 =	rddreg [dreg:$0x12]  }
0x1bd: {  	p0 =	sne.s32 s22, s31  }
.Ltmp6:
0x1be: {  	_ = 	snop;
	(pc) =	sbr.rel @p0 .LBB2_1-.Ltmp6, $3  }
0x1bf: {  	_ =	sdelay $0x1  }
0x1c0: {  	[sflag:s7] =	ssyncset.done $0x0  }
0x1c1: {  	[sflag:s7] =	ssyncadd.s32 $0xFFFFD800  }
0x1c2: {  	_ =	sfence.sel $0x180000  }
0x1c3: {  	[bflag:$0x0] =	sbarrier.arrive $0xFFFF  }
0x1c4: {  	_ =	strace $0x90000047  }
0x1c5: {  	s0 =	stileid.u32;
	[bflag:$0x2] =	sbarrier.arrive $0xFFFF  }
0x1c6: {  	p0 =	sne.s32 s0, $0x0;
	s0 =	rddreg [dreg:$0x4]  }
0x1c7: {  	s0 =	sadd.s32 @!p0 $0x100000, s0  }
0x1c8: {  	[sflag:s0] =	ssyncadd.tile.s32 @!p0 $0x1;
	_ =	shalt  }
.Lfunc_end2:
_tile_overlayer_lowered:
.L_overlay_start_2:
0x1c9: {  	(tag) =	ssettag $0x2  }
0x1ca: {  	s0 =	rddreg [dreg:$0x0];
	s2 =	stileid.u32  }
0x1cb: {  	s1 =	rddreg [dreg:$0x1];
	p0 =	sne.s32 s2, $0x0  }
0x1cc: {  	s3 =	rddreg [dreg:$0x2];
	[bflag:$0x3] =	sbarrier.arrive $0xFFFF;
	s2 =	simm.s32 @!p0 $0x1C0D  }
0x1cd: {  	[timem:s3], [sflag:s2] =	dma.local @!p0 [hbm:s0], s1  }
0x1ce: {  	s0 =	simm.s32 @!p0 $0xD  }
0x1cf: {  	_ =	swait.ge @!p0 [sflag:s0], s1  }
0x1d0: {  	s1 =	ssub.s32 @!p0 $0x0, s1;
	[sflag:s0] =	ssyncset.done @!p0 $0x0  }
0x1d1: {  	[sflag:s0] =	ssyncadd.s32 @!p0 s1  }
0x1d2: {  	[bflag:$0x3] =	sbarrier.arrive $0xFFFF  }
0x1d3: {  	_ =	shalt  }

</sc_bundles>
